<compile_context>
chip_gen: v7x
topology: tpu7x:2x2x1
jax: 0.10.2.dev20260603
libtpu: 0.0.44.dev20260713+nightly
codegen_flags: <defaults>
</compile_context>

<pallas_src>
import functools

import jax
import jax.numpy as jnp
from jax import lax
from jax.experimental import pallas as pl
from jax.experimental.pallas import tpu as pltpu
from jax.experimental.pallas import tpu_sc as plsc

N = 10000
D = 128
E_MSG = 256000
E_TGT = 64000
C = 80
NTILES = 16
NPAD = 10240
ROWS_PER_TILE = NPAD // NTILES

_mesh = plsc.VectorSubcoreMesh(core_axis_name="c", subcore_axis_name="s")


def _sc_body(msg_src, msg_dst, tgt_src, tgt_dst, tw, x, agg_out,
             src_v, dst_v, rows_v, w_v, agg_sh, sem_i, sem_g, sem_s):
    c = lax.axis_index("c")
    s = lax.axis_index("s")
    w = s * 2 + c

    def zrow(i, carry):
        for k in range(D // 16):
            rows_v[0, i, pl.ds(k * 16, 16)] = jnp.zeros((16,), jnp.float32)
        return carry
    lax.fori_loop(0, C, zrow, 0)
    for k in range(ROWS_PER_TILE // C):
        pltpu.sync_copy(rows_v.at[0],
                        agg_sh.at[pl.ds(s * ROWS_PER_TILE + k * C, C)])
    plsc.subcore_barrier()

    def run_seg(srcs, dsts, n, base, weighted):
        def idx_descs(j):
            b = (base + j) * C
            slot = j % 8
            ds = [pltpu.make_async_copy(srcs.at[pl.ds(b, C)],
                                        src_v.at[slot], sem_i.at[slot]),
                  pltpu.make_async_copy(dsts.at[pl.ds(b, C)],
                                        dst_v.at[slot], sem_i.at[slot])]
            if weighted:
                ds.append(pltpu.make_async_copy(tw.at[pl.ds(b, C)],
                                                w_v.at[slot], sem_i.at[slot]))
            return ds

        def gather_desc(j):
            return pltpu.make_async_copy(x.at[src_v.at[j % 8]],
                                         rows_v.at[j % 4], sem_g.at[j % 4])

        def scatter_desc(j):
            return pltpu.make_async_copy(rows_v.at[j % 4],
                                         agg_sh.at[dst_v.at[j % 8]],
                                         sem_s.at[j % 4])

        def scale(j):
            rbuf = j % 4
            wbuf = j % 8

            def scale_body(e, carry):
                wv = w_v[wbuf, pl.ds((e // 16) * 16, 16)]
                oh = lax.iota(jnp.int32, 16) == (e % 16)
                ws = jnp.broadcast_to(jnp.sum(jnp.where(oh, wv, 0.0)), (16,))
                for k in range(D // 16):
                    rows_v[rbuf, e, pl.ds(k * 16, 16)] = (
                        rows_v[rbuf, e, pl.ds(k * 16, 16)] * ws)
                return carry
            lax.fori_loop(0, C, scale_body, 0)

        for k in range(4):
            for d in idx_descs(k):
                d.start()
        for k in range(2):
            for d in idx_descs(k):
                d.wait()
            gather_desc(k).start()

        def body(j, carry):
            gather_desc(j).wait()

            @pl.when(j >= 2)
            def _():
                scatter_desc(j - 2).wait()

            @pl.when(j + 2 < n)
            def _():
                for d in idx_descs(j + 2):
                    d.wait()
                gather_desc(j + 2).start()

            @pl.when(j + 4 < n)
            def _():
                for d in idx_descs(j + 4):
                    d.start()

            if weighted:
                scale(j)
            scatter_desc(j).start(add=True)
            return carry

        lax.fori_loop(0, n, body, 0)
        scatter_desc(n - 2).wait()
        scatter_desc(n - 1).wait()

    run_seg(msg_src, msg_dst, 100, w * 100, weighted=False)
    run_seg(tgt_src, tgt_dst, 25, w * 25, weighted=True)

    plsc.subcore_barrier()
    pltpu.sync_copy(agg_sh.at[pl.ds(s * ROWS_PER_TILE, ROWS_PER_TILE)],
                    agg_out.at[c, pl.ds(s * ROWS_PER_TILE, ROWS_PER_TILE)])


_sc_scatter = functools.partial(
    pl.kernel,
    out_type=jax.ShapeDtypeStruct((2, NPAD, D), jnp.float32),
    mesh=_mesh,
    compiler_params=pltpu.CompilerParams(needs_layout_passes=False),
    scratch_types=[
        pltpu.VMEM((8, C), jnp.int32),
        pltpu.VMEM((8, C), jnp.int32),
        pltpu.VMEM((4, C, D), jnp.float32),
        pltpu.VMEM((8, C), jnp.float32),
        pltpu.VMEM_SHARED((NPAD, D), jnp.float32),
        pltpu.SemaphoreType.DMA((8,)),
        pltpu.SemaphoreType.DMA((4,)),
        pltpu.SemaphoreType.DMA((4,)),
    ],
)(_sc_body)


ROWS_PER_BLK = 1000


def _root_body(x_ref, wroot_ref, brel_ref, root_ref):
    root_ref[...] = jnp.dot(x_ref[...], wroot_ref[...],
                            preferred_element_type=jnp.float32) + brel_ref[...]


_root = pl.pallas_call(
    _root_body,
    grid=(N // ROWS_PER_BLK,),
    in_specs=[
        pl.BlockSpec((ROWS_PER_BLK, D), lambda i: (i, 0)),
        pl.BlockSpec((D, D), lambda i: (0, 0)),
        pl.BlockSpec((1, D), lambda i: (0, 0)),
    ],
    out_specs=pl.BlockSpec((ROWS_PER_BLK, D), lambda i: (i, 0)),
    out_shape=jax.ShapeDtypeStruct((N, D), jnp.float32),
)


def _dense_body(agg_ref, root_ref, wrel_ref, wmu_ref, bmu_ref, out_ref):
    agg = agg_ref[0] + agg_ref[1]
    conv = jnp.dot(agg, wrel_ref[...], preferred_element_type=jnp.float32)
    h = jnp.maximum(conv + root_ref[...], 0.0)
    mu = jnp.dot(h, wmu_ref[...], preferred_element_type=jnp.float32)
    out_ref[...] = jnp.maximum(mu + bmu_ref[...], 0.0)


_dense = pl.pallas_call(
    _dense_body,
    grid=(N // ROWS_PER_BLK,),
    in_specs=[
        pl.BlockSpec((2, ROWS_PER_BLK, D), lambda i: (0, i, 0)),
        pl.BlockSpec((ROWS_PER_BLK, D), lambda i: (i, 0)),
        pl.BlockSpec((D, D), lambda i: (0, 0)),
        pl.BlockSpec((D, D), lambda i: (0, 0)),
        pl.BlockSpec((1, D), lambda i: (0, 0)),
    ],
    out_specs=pl.BlockSpec((ROWS_PER_BLK, D), lambda i: (i, 0)),
    out_shape=jax.ShapeDtypeStruct((N, D), jnp.float32),
)


def kernel(x, message_edge_index, target_edge_index, target_edge_weights,
           W_rel, b_rel, W_root, W_mu, b_mu, W_std, b_std):
    root = _root(x, W_root, b_rel.reshape(1, D))
    agg2 = _sc_scatter(message_edge_index[0], message_edge_index[1],
                       target_edge_index[1], target_edge_index[0],
                       target_edge_weights, x)
    out = _dense(agg2, root, W_rel, W_mu, b_mu.reshape(1, D))
    return (out, target_edge_weights)

# --- scband reference (transcript-rebuilt; emitter-appended) ---
"""Pipeline reference for scband-model-67774583931486 (READ-ONLY COPY).

The authoritative reference and input builder live on the scoring server;
editing this copy changes nothing except your own understanding.
"""

import jax, jax.numpy as jnp
import numpy as np

N = 10000
D_IN = 128
D_OUT = 128
E_MSG = 256000
E_TGT = 64000


def setup_inputs(seed: int = 0) -> dict:
    key = jax.random.key(seed)
    ks = jax.random.split(key, 12)
    x = jax.random.normal(ks[0], (N, D_IN), dtype=jnp.float32)
    message_edge_index = jax.random.randint(ks[1], (2, E_MSG), 0, N, dtype=jnp.int32)
    target_edge_index = jax.random.randint(ks[2], (2, E_TGT), 0, N, dtype=jnp.int32)
    target_edge_weights = jax.random.uniform(ks[3], (E_TGT,), dtype=jnp.float32)
    s = 0.05
    # GraphConv(in, out): lin_rel (with bias) applied to aggregated messages, lin_root (no bias) applied to x
    W_rel = jax.random.normal(ks[4], (D_IN, D_OUT), dtype=jnp.float32) * s
    b_rel = jax.random.normal(ks[5], (D_OUT,), dtype=jnp.float32) * s
    W_root = jax.random.normal(ks[6], (D_IN, D_OUT), dtype=jnp.float32) * s
    W_mu = jax.random.normal(ks[7], (D_OUT, D_OUT), dtype=jnp.float32) * s
    b_mu = jax.random.normal(ks[8], (D_OUT,), dtype=jnp.float32) * s
    W_std = jax.random.normal(ks[9], (D_OUT, D_OUT), dtype=jnp.float32) * s
    b_std = jax.random.normal(ks[10], (D_OUT,), dtype=jnp.float32) * s
    return {
        "x": x,
        "message_edge_index": message_edge_index,
        "target_edge_index": target_edge_index,
        "target_edge_weights": target_edge_weights,
        "W_rel": W_rel, "b_rel": b_rel, "W_root": W_root,
        "W_mu": W_mu, "b_mu": b_mu, "W_std": W_std, "b_std": b_std,
    }


def reference(x, message_edge_index, target_edge_index, target_edge_weights,
              W_rel, b_rel, W_root, W_mu, b_mu, W_std, b_std):
    # Model.forward with target_edge_index provided, args.transductive=True, eval mode.
    # 1) reverse target edges and concat with message edges
    tei = jnp.stack((target_edge_index[1], target_edge_index[0]), axis=0)
    edge_index = jnp.concatenate([message_edge_index, tei], axis=1)
    edge_weight = jnp.concatenate(
        [jnp.ones((message_edge_index.shape[1],), dtype=x.dtype), target_edge_weights])
    # 2) Model.encode -> F.rrelu(VGAE.encode(...)); dropout is identity in eval.
    # GraphConv: out = lin_rel(scatter_add(edge_weight * x[src] -> dst)) + lin_root(x)
    src = edge_index[0]
    dst = edge_index[1]
    msg = x[src] * edge_weight[:, None]
    agg = jax.ops.segment_sum(msg, dst, num_segments=x.shape[0])
    conv_out = agg @ W_rel + b_rel + x @ W_root
    h = jax.nn.relu(conv_out)
    mu = jax.nn.relu(h @ W_mu + b_mu)
    log_std = jax.nn.relu(h @ W_std + b_std)  # computed by encoder; unused since VGAE.encode (eval) returns mu
    z = mu
    # F.rrelu in eval == leaky_relu with slope (1/8 + 1/3) / 2
    slope = (1.0 / 8.0 + 1.0 / 3.0) / 2.0
    out = jnp.where(z >= 0, z, slope * z)
    return (out, target_edge_weights)

if __name__ == "__main__":
    import jax
    _d = setup_inputs()
    print(jax.jit(kernel)(*tuple(_d.values())))

</pallas_src>

<mosaic_0001>
#map = affine_map<(d0, d1) -> (0)>
#map1 = affine_map<(d0, d1) -> (0, 0)>
#map2 = affine_map<(d0, d1) -> (0, 0, 0)>
module attributes {stable_mosaic.version = 14 : i64} {
  func.func @_sc_body(%arg0: i32, %arg1: i32, %arg2: memref<256000xi32, #tpu.memory_space<hbm>>, %arg3: memref<256000xi32, #tpu.memory_space<hbm>>, %arg4: memref<64000xi32, #tpu.memory_space<hbm>>, %arg5: memref<64000xi32, #tpu.memory_space<hbm>>, %arg6: memref<64000xf32, #tpu.memory_space<hbm>>, %arg7: memref<10000x128xf32, #tpu.memory_space<hbm>>, %arg8: memref<2x10240x128xf32, #tpu.memory_space<hbm>>, %arg9: memref<8x80xi32, #tpu.memory_space<vmem>>, %arg10: memref<8x80xi32, #tpu.memory_space<vmem>>, %arg11: memref<4x80x128xf32, #tpu.memory_space<vmem>>, %arg12: memref<8x80xf32, #tpu.memory_space<vmem>>, %arg13: memref<10240x128xf32, #tpu.memory_space<vmem_shared>>, %arg14: memref<8x!tpu.dma_semaphore, #tpu.memory_space<semaphore_mem>>, %arg15: memref<4x!tpu.dma_semaphore, #tpu.memory_space<semaphore_mem>>, %arg16: memref<4x!tpu.dma_semaphore, #tpu.memory_space<semaphore_mem>>) attributes {dimension_semantics = [#tpu.dimension_semantics<core_parallel>, #tpu.dimension_semantics<subcore_parallel>], iteration_bounds = array<i64: 2, 16>, scalar_prefetch = 0 : i64, scratch_operands = 8 : i64, tpu.core_type = #tpu.core_type<sc_vector_subcore>, window_params = [{transform_indices = #map}, {transform_indices = #map}, {transform_indices = #map}, {transform_indices = #map}, {transform_indices = #map}, {transform_indices = #map1}, {transform_indices = #map2}]} {
    %mul3A = arith.constant 2 : i32
    %mul3A_0 = arith.muli %arg1, %mul3A : i32
    %add3A = arith.addi %mul3A_0, %arg0 : i32
    %scan3A = arith.constant 0 : i32
    %scan3A_1 = arith.constant 0 : i32
    %scan3A_2 = arith.constant 80 : i32
    %scan3A_3 = arith.addi %scan3A_1, %scan3A_2 : i32
    %scan3A_4 = arith.constant 1 : i32
    scf.for %scan3A_592 = %scan3A_1 to %scan3A_3 step %scan3A_4  : i32 {
      %broadcast_in_dim3A = arith.constant 0.000000e+00 : f32
      %broadcast_in_dim3A_593 = vector.broadcast %broadcast_in_dim3A : f32 to vector<16xf32>
      %swap3A = arith.constant 0 : i32
      %swap3A_594 = arith.index_cast %swap3A : i32 to index
      %swap3A_595 = arith.index_cast %scan3A_592 : i32 to index
      %swap3A_596 = arith.constant 0 : index
      %swap3A_597 = tpu.vector_load %arg11[%swap3A_594, %swap3A_595, %swap3A_596] {strides = array<i32>} : memref<4x80x128xf32, #tpu.memory_space<vmem>>, vector<16xf32>,
      tpu.vector_store %arg11[%swap3A_594, %swap3A_595, %swap3A_596], %broadcast_in_dim3A_593 {strides = array<i32>} : memref<4x80x128xf32, #tpu.memory_space<vmem>>, vector<16xf32>,
      %broadcast_in_dim3A_598 = arith.constant 0.000000e+00 : f32
      %broadcast_in_dim3A_599 = vector.broadcast %broadcast_in_dim3A_598 : f32 to vector<16xf32>
      %swap3A_600 = arith.constant 0 : i32
      %swap3A_601 = arith.index_cast %swap3A_600 : i32 to index
      %swap3A_602 = arith.index_cast %scan3A_592 : i32 to index
      %swap3A_603 = arith.constant 16 : index
      %swap3A_604 = tpu.vector_load %arg11[%swap3A_601, %swap3A_602, %swap3A_603] {strides = array<i32>} : memref<4x80x128xf32, #tpu.memory_space<vmem>>, vector<16xf32>,
      tpu.vector_store %arg11[%swap3A_601, %swap3A_602, %swap3A_603], %broadcast_in_dim3A_599 {strides = array<i32>} : memref<4x80x128xf32, #tpu.memory_space<vmem>>, vector<16xf32>,
      %broadcast_in_dim3A_605 = arith.constant 0.000000e+00 : f32
      %broadcast_in_dim3A_606 = vector.broadcast %broadcast_in_dim3A_605 : f32 to vector<16xf32>
      %swap3A_607 = arith.constant 0 : i32
      %swap3A_608 = arith.index_cast %swap3A_607 : i32 to index
      %swap3A_609 = arith.index_cast %scan3A_592 : i32 to index
      %swap3A_610 = arith.constant 32 : index
      %swap3A_611 = tpu.vector_load %arg11[%swap3A_608, %swap3A_609, %swap3A_610] {strides = array<i32>} : memref<4x80x128xf32, #tpu.memory_space<vmem>>, vector<16xf32>,
      tpu.vector_store %arg11[%swap3A_608, %swap3A_609, %swap3A_610], %broadcast_in_dim3A_606 {strides = array<i32>} : memref<4x80x128xf32, #tpu.memory_space<vmem>>, vector<16xf32>,
      %broadcast_in_dim3A_612 = arith.constant 0.000000e+00 : f32
      %broadcast_in_dim3A_613 = vector.broadcast %broadcast_in_dim3A_612 : f32 to vector<16xf32>
      %swap3A_614 = arith.constant 0 : i32
      %swap3A_615 = arith.index_cast %swap3A_614 : i32 to index
      %swap3A_616 = arith.index_cast %scan3A_592 : i32 to index
      %swap3A_617 = arith.constant 48 : index
      %swap3A_618 = tpu.vector_load %arg11[%swap3A_615, %swap3A_616, %swap3A_617] {strides = array<i32>} : memref<4x80x128xf32, #tpu.memory_space<vmem>>, vector<16xf32>,
      tpu.vector_store %arg11[%swap3A_615, %swap3A_616, %swap3A_617], %broadcast_in_dim3A_613 {strides = array<i32>} : memref<4x80x128xf32, #tpu.memory_space<vmem>>, vector<16xf32>,
      %broadcast_in_dim3A_619 = arith.constant 0.000000e+00 : f32
      %broadcast_in_dim3A_620 = vector.broadcast %broadcast_in_dim3A_619 : f32 to vector<16xf32>
      %swap3A_621 = arith.constant 0 : i32
      %swap3A_622 = arith.index_cast %swap3A_621 : i32 to index
      %swap3A_623 = arith.index_cast %scan3A_592 : i32 to index
      %swap3A_624 = arith.constant 64 : index
      %swap3A_625 = tpu.vector_load %arg11[%swap3A_622, %swap3A_623, %swap3A_624] {strides = array<i32>} : memref<4x80x128xf32, #tpu.memory_space<vmem>>, vector<16xf32>,
      tpu.vector_store %arg11[%swap3A_622, %swap3A_623, %swap3A_624], %broadcast_in_dim3A_620 {strides = array<i32>} : memref<4x80x128xf32, #tpu.memory_space<vmem>>, vector<16xf32>,
      %broadcast_in_dim3A_626 = arith.constant 0.000000e+00 : f32
      %broadcast_in_dim3A_627 = vector.broadcast %broadcast_in_dim3A_626 : f32 to vector<16xf32>
      %swap3A_628 = arith.constant 0 : i32
      %swap3A_629 = arith.index_cast %swap3A_628 : i32 to index
      %swap3A_630 = arith.index_cast %scan3A_592 : i32 to index
      %swap3A_631 = arith.constant 80 : index
      %swap3A_632 = tpu.vector_load %arg11[%swap3A_629, %swap3A_630, %swap3A_631] {strides = array<i32>} : memref<4x80x128xf32, #tpu.memory_space<vmem>>, vector<16xf32>,
      tpu.vector_store %arg11[%swap3A_629, %swap3A_630, %swap3A_631], %broadcast_in_dim3A_627 {strides = array<i32>} : memref<4x80x128xf32, #tpu.memory_space<vmem>>, vector<16xf32>,
      %broadcast_in_dim3A_633 = arith.constant 0.000000e+00 : f32
      %broadcast_in_dim3A_634 = vector.broadcast %broadcast_in_dim3A_633 : f32 to vector<16xf32>
      %swap3A_635 = arith.constant 0 : i32
      %swap3A_636 = arith.index_cast %swap3A_635 : i32 to index
      %swap3A_637 = arith.index_cast %scan3A_592 : i32 to index
      %swap3A_638 = arith.constant 96 : index
      %swap3A_639 = tpu.vector_load %arg11[%swap3A_636, %swap3A_637, %swap3A_638] {strides = array<i32>} : memref<4x80x128xf32, #tpu.memory_space<vmem>>, vector<16xf32>,
      tpu.vector_store %arg11[%swap3A_636, %swap3A_637, %swap3A_638], %broadcast_in_dim3A_634 {strides = array<i32>} : memref<4x80x128xf32, #tpu.memory_space<vmem>>, vector<16xf32>,
      %broadcast_in_dim3A_640 = arith.constant 0.000000e+00 : f32
      %broadcast_in_dim3A_641 = vector.broadcast %broadcast_in_dim3A_640 : f32 to vector<16xf32>
      %swap3A_642 = arith.constant 0 : i32
      %swap3A_643 = arith.index_cast %swap3A_642 : i32 to index
      %swap3A_644 = arith.index_cast %scan3A_592 : i32 to index
      %swap3A_645 = arith.constant 112 : index
      %swap3A_646 = tpu.vector_load %arg11[%swap3A_643, %swap3A_644, %swap3A_645] {strides = array<i32>} : memref<4x80x128xf32, #tpu.memory_space<vmem>>, vector<16xf32>,
      tpu.vector_store %arg11[%swap3A_643, %swap3A_644, %swap3A_645], %broadcast_in_dim3A_641 {strides = array<i32>} : memref<4x80x128xf32, #tpu.memory_space<vmem>>, vector<16xf32>,
    }
    %scan3A_5 = arith.constant 80 : i32
    %mul3A_6 = arith.constant 640 : i32
    %mul3A_7 = arith.muli %arg1, %mul3A_6 : i32
    %add3A_8 = arith.constant 0 : i32
    %add3A_9 = arith.addi %mul3A_7, %add3A_8 : i32
    %run_scoped3A = arith.constant 0 : i32
    "tpu.region"() ({
      %run_scoped3A_592 = tpu.sem_alloc : memref<!tpu.dma_semaphore, #tpu.memory_space<semaphore_mem>>
      %dma_start3A_593 = arith.constant 0 : i32
      %dma_start3A_594 = arith.constant 0 : i32
      %dma_start3A_595 = tpu.memref_slice %arg11[%run_scoped3A, %dma_start3A_593, %dma_start3A_594] : memref<4x80x128xf32, #tpu.memory_space<vmem>> -> memref<1x80x128xf32, #tpu.memory_space<vmem>>
      %dma_start3A_596 = tpu.memref_squeeze %dma_start3A_595 : memref<1x80x128xf32, #tpu.memory_space<vmem>> -> memref<80x128xf32, #tpu.memory_space<vmem>>
      %dma_start3A_597 = arith.constant 0 : i32
      %dma_start3A_598 = tpu.memref_slice %arg13[%add3A_9, %dma_start3A_597] : memref<10240x128xf32, #tpu.memory_space<vmem_shared>> -> memref<80x128xf32, #tpu.memory_space<vmem_shared>>
      %dma_start3A_599 = arith.constant 0 : i32
      %dma_start3A_600 = tpu.memref_slice %arg13[%add3A_9, %dma_start3A_599] : memref<10240x128xf32, #tpu.memory_space<vmem_shared>> -> memref<80x128xf32, #tpu.memory_space<vmem_shared>>
      %dma_start3A_601 = arith.constant 0 : i32
      %dma_start3A_602 = arith.constant 0 : i32
      %dma_start3A_603 = tpu.memref_slice %arg11[%run_scoped3A, %dma_start3A_601, %dma_start3A_602] : memref<4x80x128xf32, #tpu.memory_space<vmem>> -> memref<1x80x128xf32, #tpu.memory_space<vmem>>
      %dma_start3A_604 = tpu.memref_squeeze %dma_start3A_603 : memref<1x80x128xf32, #tpu.memory_space<vmem>> -> memref<80x128xf32, #tpu.memory_space<vmem>>
      tpu.enqueue_dma source(%dma_start3A_604 : memref<80x128xf32, #tpu.memory_space<vmem>>) target(%dma_start3A_600 : memref<80x128xf32, #tpu.memory_space<vmem_shared>>) target_semaphore(%run_scoped3A_592 : memref<!tpu.dma_semaphore, #tpu.memory_space<semaphore_mem>>)
      %dma_wait3A_605 = arith.constant 0 : i32
      %dma_wait3A_606 = arith.constant 0 : i32
      %dma_wait3A_607 = tpu.memref_slice %arg11[%run_scoped3A, %dma_wait3A_605, %dma_wait3A_606] : memref<4x80x128xf32, #tpu.memory_space<vmem>> -> memref<1x80x128xf32, #tpu.memory_space<vmem>>
      %dma_wait3A_608 = tpu.memref_squeeze %dma_wait3A_607 : memref<1x80x128xf32, #tpu.memory_space<vmem>> -> memref<80x128xf32, #tpu.memory_space<vmem>>
      %dma_wait3A_609 = arith.constant 0 : i32
      %dma_wait3A_610 = tpu.memref_slice %arg13[%add3A_9, %dma_wait3A_609] : memref<10240x128xf32, #tpu.memory_space<vmem_shared>> -> memref<80x128xf32, #tpu.memory_space<vmem_shared>>
      %dma_wait3A_611 = arith.constant 0 : i32
      %dma_wait3A_612 = tpu.memref_slice %arg13[%add3A_9, %dma_wait3A_611] : memref<10240x128xf32, #tpu.memory_space<vmem_shared>> -> memref<80x128xf32, #tpu.memory_space<vmem_shared>>
      %dma_wait3A_613 = arith.constant 0 : i32
      %dma_wait3A_614 = arith.constant 0 : i32
      %dma_wait3A_615 = tpu.memref_slice %arg11[%run_scoped3A, %dma_wait3A_613, %dma_wait3A_614] : memref<4x80x128xf32, #tpu.memory_space<vmem>> -> memref<1x80x128xf32, #tpu.memory_space<vmem>>
      %dma_wait3A_616 = tpu.memref_squeeze %dma_wait3A_615 : memref<1x80x128xf32, #tpu.memory_space<vmem>> -> memref<80x128xf32, #tpu.memory_space<vmem>>
      tpu.wait_dma2 semaphore(%run_scoped3A_592 : memref<!tpu.dma_semaphore, #tpu.memory_space<semaphore_mem>>) src(%dma_wait3A_616 : memref<80x128xf32, #tpu.memory_space<vmem>>) dst(%dma_wait3A_612 : memref<80x128xf32, #tpu.memory_space<vmem_shared>>)
      tpu.yield
    }) : () -> ()
    %mul3A_10 = arith.constant 640 : i32
    %mul3A_11 = arith.muli %arg1, %mul3A_10 : i32
    %add3A_12 = arith.constant 80 : i32
    %add3A_13 = arith.addi %mul3A_11, %add3A_12 : i32
    %run_scoped3A_14 = arith.constant 0 : i32
    "tpu.region"() ({
      %run_scoped3A_592 = tpu.sem_alloc : memref<!tpu.dma_semaphore, #tpu.memory_space<semaphore_mem>>
      %dma_start3A_593 = arith.constant 0 : i32
      %dma_start3A_594 = arith.constant 0 : i32
      %dma_start3A_595 = tpu.memref_slice %arg11[%run_scoped3A_14, %dma_start3A_593, %dma_start3A_594] : memref<4x80x128xf32, #tpu.memory_space<vmem>> -> memref<1x80x128xf32, #tpu.memory_space<vmem>>
      %dma_start3A_596 = tpu.memref_squeeze %dma_start3A_595 : memref<1x80x128xf32, #tpu.memory_space<vmem>> -> memref<80x128xf32, #tpu.memory_space<vmem>>
      %dma_start3A_597 = arith.constant 0 : i32
      %dma_start3A_598 = tpu.memref_slice %arg13[%add3A_13, %dma_start3A_597] : memref<10240x128xf32, #tpu.memory_space<vmem_shared>> -> memref<80x128xf32, #tpu.memory_space<vmem_shared>>
      %dma_start3A_599 = arith.constant 0 : i32
      %dma_start3A_600 = tpu.memref_slice %arg13[%add3A_13, %dma_start3A_599] : memref<10240x128xf32, #tpu.memory_space<vmem_shared>> -> memref<80x128xf32, #tpu.memory_space<vmem_shared>>
      %dma_start3A_601 = arith.constant 0 : i32
      %dma_start3A_602 = arith.constant 0 : i32
      %dma_start3A_603 = tpu.memref_slice %arg11[%run_scoped3A_14, %dma_start3A_601, %dma_start3A_602] : memref<4x80x128xf32, #tpu.memory_space<vmem>> -> memref<1x80x128xf32, #tpu.memory_space<vmem>>
      %dma_start3A_604 = tpu.memref_squeeze %dma_start3A_603 : memref<1x80x128xf32, #tpu.memory_space<vmem>> -> memref<80x128xf32, #tpu.memory_space<vmem>>
      tpu.enqueue_dma source(%dma_start3A_604 : memref<80x128xf32, #tpu.memory_space<vmem>>) target(%dma_start3A_600 : memref<80x128xf32, #tpu.memory_space<vmem_shared>>) target_semaphore(%run_scoped3A_592 : memref<!tpu.dma_semaphore, #tpu.memory_space<semaphore_mem>>)
      %dma_wait3A_605 = arith.constant 0 : i32
      %dma_wait3A_606 = arith.constant 0 : i32
      %dma_wait3A_607 = tpu.memref_slice %arg11[%run_scoped3A_14, %dma_wait3A_605, %dma_wait3A_606] : memref<4x80x128xf32, #tpu.memory_space<vmem>> -> memref<1x80x128xf32, #tpu.memory_space<vmem>>
      %dma_wait3A_608 = tpu.memref_squeeze %dma_wait3A_607 : memref<1x80x128xf32, #tpu.memory_space<vmem>> -> memref<80x128xf32, #tpu.memory_space<vmem>>
      %dma_wait3A_609 = arith.constant 0 : i32
      %dma_wait3A_610 = tpu.memref_slice %arg13[%add3A_13, %dma_wait3A_609] : memref<10240x128xf32, #tpu.memory_space<vmem_shared>> -> memref<80x128xf32, #tpu.memory_space<vmem_shared>>
      %dma_wait3A_611 = arith.constant 0 : i32
      %dma_wait3A_612 = tpu.memref_slice %arg13[%add3A_13, %dma_wait3A_611] : memref<10240x128xf32, #tpu.memory_space<vmem_shared>> -> memref<80x128xf32, #tpu.memory_space<vmem_shared>>
      %dma_wait3A_613 = arith.constant 0 : i32
      %dma_wait3A_614 = arith.constant 0 : i32
      %dma_wait3A_615 = tpu.memref_slice %arg11[%run_scoped3A_14, %dma_wait3A_613, %dma_wait3A_614] : memref<4x80x128xf32, #tpu.memory_space<vmem>> -> memref<1x80x128xf32, #tpu.memory_space<vmem>>
      %dma_wait3A_616 = tpu.memref_squeeze %dma_wait3A_615 : memref<1x80x128xf32, #tpu.memory_space<vmem>> -> memref<80x128xf32, #tpu.memory_space<vmem>>
      tpu.wait_dma2 semaphore(%run_scoped3A_592 : memref<!tpu.dma_semaphore, #tpu.memory_space<semaphore_mem>>) src(%dma_wait3A_616 : memref<80x128xf32, #tpu.memory_space<vmem>>) dst(%dma_wait3A_612 : memref<80x128xf32, #tpu.memory_space<vmem_shared>>)
      tpu.yield
    }) : () -> ()
    %mul3A_15 = arith.constant 640 : i32
    %mul3A_16 = arith.muli %arg1, %mul3A_15 : i32
    %add3A_17 = arith.constant 160 : i32
    %add3A_18 = arith.addi %mul3A_16, %add3A_17 : i32
    %run_scoped3A_19 = arith.constant 0 : i32
    "tpu.region"() ({
      %run_scoped3A_592 = tpu.sem_alloc : memref<!tpu.dma_semaphore, #tpu.memory_space<semaphore_mem>>
      %dma_start3A_593 = arith.constant 0 : i32
      %dma_start3A_594 = arith.constant 0 : i32
      %dma_start3A_595 = tpu.memref_slice %arg11[%run_scoped3A_19, %dma_start3A_593, %dma_start3A_594] : memref<4x80x128xf32, #tpu.memory_space<vmem>> -> memref<1x80x128xf32, #tpu.memory_space<vmem>>
      %dma_start3A_596 = tpu.memref_squeeze %dma_start3A_595 : memref<1x80x128xf32, #tpu.memory_space<vmem>> -> memref<80x128xf32, #tpu.memory_space<vmem>>
      %dma_start3A_597 = arith.constant 0 : i32
      %dma_start3A_598 = tpu.memref_slice %arg13[%add3A_18, %dma_start3A_597] : memref<10240x128xf32, #tpu.memory_space<vmem_shared>> -> memref<80x128xf32, #tpu.memory_space<vmem_shared>>
      %dma_start3A_599 = arith.constant 0 : i32
      %dma_start3A_600 = tpu.memref_slice %arg13[%add3A_18, %dma_start3A_599] : memref<10240x128xf32, #tpu.memory_space<vmem_shared>> -> memref<80x128xf32, #tpu.memory_space<vmem_shared>>
      %dma_start3A_601 = arith.constant 0 : i32
      %dma_start3A_602 = arith.constant 0 : i32
      %dma_start3A_603 = tpu.memref_slice %arg11[%run_scoped3A_19, %dma_start3A_601, %dma_start3A_602] : memref<4x80x128xf32, #tpu.memory_space<vmem>> -> memref<1x80x128xf32, #tpu.memory_space<vmem>>
      %dma_start3A_604 = tpu.memref_squeeze %dma_start3A_603 : memref<1x80x128xf32, #tpu.memory_space<vmem>> -> memref<80x128xf32, #tpu.memory_space<vmem>>
      tpu.enqueue_dma source(%dma_start3A_604 : memref<80x128xf32, #tpu.memory_space<vmem>>) target(%dma_start3A_600 : memref<80x128xf32, #tpu.memory_space<vmem_shared>>) target_semaphore(%run_scoped3A_592 : memref<!tpu.dma_semaphore, #tpu.memory_space<semaphore_mem>>)
      %dma_wait3A_605 = arith.constant 0 : i32
      %dma_wait3A_606 = arith.constant 0 : i32
      %dma_wait3A_607 = tpu.memref_slice %arg11[%run_scoped3A_19, %dma_wait3A_605, %dma_wait3A_606] : memref<4x80x128xf32, #tpu.memory_space<vmem>> -> memref<1x80x128xf32, #tpu.memory_space<vmem>>
      %dma_wait3A_608 = tpu.memref_squeeze %dma_wait3A_607 : memref<1x80x128xf32, #tpu.memory_space<vmem>> -> memref<80x128xf32, #tpu.memory_space<vmem>>
      %dma_wait3A_609 = arith.constant 0 : i32
      %dma_wait3A_610 = tpu.memref_slice %arg13[%add3A_18, %dma_wait3A_609] : memref<10240x128xf32, #tpu.memory_space<vmem_shared>> -> memref<80x128xf32, #tpu.memory_space<vmem_shared>>
      %dma_wait3A_611 = arith.constant 0 : i32
      %dma_wait3A_612 = tpu.memref_slice %arg13[%add3A_18, %dma_wait3A_611] : memref<10240x128xf32, #tpu.memory_space<vmem_shared>> -> memref<80x128xf32, #tpu.memory_space<vmem_shared>>
      %dma_wait3A_613 = arith.constant 0 : i32
      %dma_wait3A_614 = arith.constant 0 : i32
      %dma_wait3A_615 = tpu.memref_slice %arg11[%run_scoped3A_19, %dma_wait3A_613, %dma_wait3A_614] : memref<4x80x128xf32, #tpu.memory_space<vmem>> -> memref<1x80x128xf32, #tpu.memory_space<vmem>>
      %dma_wait3A_616 = tpu.memref_squeeze %dma_wait3A_615 : memref<1x80x128xf32, #tpu.memory_space<vmem>> -> memref<80x128xf32, #tpu.memory_space<vmem>>
      tpu.wait_dma2 semaphore(%run_scoped3A_592 : memref<!tpu.dma_semaphore, #tpu.memory_space<semaphore_mem>>) src(%dma_wait3A_616 : memref<80x128xf32, #tpu.memory_space<vmem>>) dst(%dma_wait3A_612 : memref<80x128xf32, #tpu.memory_space<vmem_shared>>)
      tpu.yield
    }) : () -> ()
    %mul3A_20 = arith.constant 640 : i32
    %mul3A_21 = arith.muli %arg1, %mul3A_20 : i32
    %add3A_22 = arith.constant 240 : i32
    %add3A_23 = arith.addi %mul3A_21, %add3A_22 : i32
    %run_scoped3A_24 = arith.constant 0 : i32
    "tpu.region"() ({
      %run_scoped3A_592 = tpu.sem_alloc : memref<!tpu.dma_semaphore, #tpu.memory_space<semaphore_mem>>
      %dma_start3A_593 = arith.constant 0 : i32
      %dma_start3A_594 = arith.constant 0 : i32
      %dma_start3A_595 = tpu.memref_slice %arg11[%run_scoped3A_24, %dma_start3A_593, %dma_start3A_594] : memref<4x80x128xf32, #tpu.memory_space<vmem>> -> memref<1x80x128xf32, #tpu.memory_space<vmem>>
      %dma_start3A_596 = tpu.memref_squeeze %dma_start3A_595 : memref<1x80x128xf32, #tpu.memory_space<vmem>> -> memref<80x128xf32, #tpu.memory_space<vmem>>
      %dma_start3A_597 = arith.constant 0 : i32
      %dma_start3A_598 = tpu.memref_slice %arg13[%add3A_23, %dma_start3A_597] : memref<10240x128xf32, #tpu.memory_space<vmem_shared>> -> memref<80x128xf32, #tpu.memory_space<vmem_shared>>
      %dma_start3A_599 = arith.constant 0 : i32
      %dma_start3A_600 = tpu.memref_slice %arg13[%add3A_23, %dma_start3A_599] : memref<10240x128xf32, #tpu.memory_space<vmem_shared>> -> memref<80x128xf32, #tpu.memory_space<vmem_shared>>
      %dma_start3A_601 = arith.constant 0 : i32
      %dma_start3A_602 = arith.constant 0 : i32
      %dma_start3A_603 = tpu.memref_slice %arg11[%run_scoped3A_24, %dma_start3A_601, %dma_start3A_602] : memref<4x80x128xf32, #tpu.memory_space<vmem>> -> memref<1x80x128xf32, #tpu.memory_space<vmem>>
      %dma_start3A_604 = tpu.memref_squeeze %dma_start3A_603 : memref<1x80x128xf32, #tpu.memory_space<vmem>> -> memref<80x128xf32, #tpu.memory_space<vmem>>
      tpu.enqueue_dma source(%dma_start3A_604 : memref<80x128xf32, #tpu.memory_space<vmem>>) target(%dma_start3A_600 : memref<80x128xf32, #tpu.memory_space<vmem_shared>>) target_semaphore(%run_scoped3A_592 : memref<!tpu.dma_semaphore, #tpu.memory_space<semaphore_mem>>)
      %dma_wait3A_605 = arith.constant 0 : i32
      %dma_wait3A_606 = arith.constant 0 : i32
      %dma_wait3A_607 = tpu.memref_slice %arg11[%run_scoped3A_24, %dma_wait3A_605, %dma_wait3A_606] : memref<4x80x128xf32, #tpu.memory_space<vmem>> -> memref<1x80x128xf32, #tpu.memory_space<vmem>>
      %dma_wait3A_608 = tpu.memref_squeeze %dma_wait3A_607 : memref<1x80x128xf32, #tpu.memory_space<vmem>> -> memref<80x128xf32, #tpu.memory_space<vmem>>
      %dma_wait3A_609 = arith.constant 0 : i32
      %dma_wait3A_610 = tpu.memref_slice %arg13[%add3A_23, %dma_wait3A_609] : memref<10240x128xf32, #tpu.memory_space<vmem_shared>> -> memref<80x128xf32, #tpu.memory_space<vmem_shared>>
      %dma_wait3A_611 = arith.constant 0 : i32
      %dma_wait3A_612 = tpu.memref_slice %arg13[%add3A_23, %dma_wait3A_611] : memref<10240x128xf32, #tpu.memory_space<vmem_shared>> -> memref<80x128xf32, #tpu.memory_space<vmem_shared>>
      %dma_wait3A_613 = arith.constant 0 : i32
      %dma_wait3A_614 = arith.constant 0 : i32
      %dma_wait3A_615 = tpu.memref_slice %arg11[%run_scoped3A_24, %dma_wait3A_613, %dma_wait3A_614] : memref<4x80x128xf32, #tpu.memory_space<vmem>> -> memref<1x80x128xf32, #tpu.memory_space<vmem>>
      %dma_wait3A_616 = tpu.memref_squeeze %dma_wait3A_615 : memref<1x80x128xf32, #tpu.memory_space<vmem>> -> memref<80x128xf32, #tpu.memory_space<vmem>>
      tpu.wait_dma2 semaphore(%run_scoped3A_592 : memref<!tpu.dma_semaphore, #tpu.memory_space<semaphore_mem>>) src(%dma_wait3A_616 : memref<80x128xf32, #tpu.memory_space<vmem>>) dst(%dma_wait3A_612 : memref<80x128xf32, #tpu.memory_space<vmem_shared>>)
      tpu.yield
    }) : () -> ()
    %mul3A_25 = arith.constant 640 : i32
    %mul3A_26 = arith.muli %arg1, %mul3A_25 : i32
    %add3A_27 = arith.constant 320 : i32
    %add3A_28 = arith.addi %mul3A_26, %add3A_27 : i32
    %run_scoped3A_29 = arith.constant 0 : i32
    "tpu.region"() ({
      %run_scoped3A_592 = tpu.sem_alloc : memref<!tpu.dma_semaphore, #tpu.memory_space<semaphore_mem>>
      %dma_start3A_593 = arith.constant 0 : i32
      %dma_start3A_594 = arith.constant 0 : i32
      %dma_start3A_595 = tpu.memref_slice %arg11[%run_scoped3A_29, %dma_start3A_593, %dma_start3A_594] : memref<4x80x128xf32, #tpu.memory_space<vmem>> -> memref<1x80x128xf32, #tpu.memory_space<vmem>>
      %dma_start3A_596 = tpu.memref_squeeze %dma_start3A_595 : memref<1x80x128xf32, #tpu.memory_space<vmem>> -> memref<80x128xf32, #tpu.memory_space<vmem>>
      %dma_start3A_597 = arith.constant 0 : i32
      %dma_start3A_598 = tpu.memref_slice %arg13[%add3A_28, %dma_start3A_597] : memref<10240x128xf32, #tpu.memory_space<vmem_shared>> -> memref<80x128xf32, #tpu.memory_space<vmem_shared>>
      %dma_start3A_599 = arith.constant 0 : i32
      %dma_start3A_600 = tpu.memref_slice %arg13[%add3A_28, %dma_start3A_599] : memref<10240x128xf32, #tpu.memory_space<vmem_shared>> -> memref<80x128xf32, #tpu.memory_space<vmem_shared>>
      %dma_start3A_601 = arith.constant 0 : i32
      %dma_start3A_602 = arith.constant 0 : i32
      %dma_start3A_603 = tpu.memref_slice %arg11[%run_scoped3A_29, %dma_start3A_601, %dma_start3A_602] : memref<4x80x128xf32, #tpu.memory_space<vmem>> -> memref<1x80x128xf32, #tpu.memory_space<vmem>>
      %dma_start3A_604 = tpu.memref_squeeze %dma_start3A_603 : memref<1x80x128xf32, #tpu.memory_space<vmem>> -> memref<80x128xf32, #tpu.memory_space<vmem>>
      tpu.enqueue_dma source(%dma_start3A_604 : memref<80x128xf32, #tpu.memory_space<vmem>>) target(%dma_start3A_600 : memref<80x128xf32, #tpu.memory_space<vmem_shared>>) target_semaphore(%run_scoped3A_592 : memref<!tpu.dma_semaphore, #tpu.memory_space<semaphore_mem>>)
      %dma_wait3A_605 = arith.constant 0 : i32
      %dma_wait3A_606 = arith.constant 0 : i32
      %dma_wait3A_607 = tpu.memref_slice %arg11[%run_scoped3A_29, %dma_wait3A_605, %dma_wait3A_606] : memref<4x80x128xf32, #tpu.memory_space<vmem>> -> memref<1x80x128xf32, #tpu.memory_space<vmem>>
      %dma_wait3A_608 = tpu.memref_squeeze %dma_wait3A_607 : memref<1x80x128xf32, #tpu.memory_space<vmem>> -> memref<80x128xf32, #tpu.memory_space<vmem>>
      %dma_wait3A_609 = arith.constant 0 : i32
      %dma_wait3A_610 = tpu.memref_slice %arg13[%add3A_28, %dma_wait3A_609] : memref<10240x128xf32, #tpu.memory_space<vmem_shared>> -> memref<80x128xf32, #tpu.memory_space<vmem_shared>>
      %dma_wait3A_611 = arith.constant 0 : i32
      %dma_wait3A_612 = tpu.memref_slice %arg13[%add3A_28, %dma_wait3A_611] : memref<10240x128xf32, #tpu.memory_space<vmem_shared>> -> memref<80x128xf32, #tpu.memory_space<vmem_shared>>
      %dma_wait3A_613 = arith.constant 0 : i32
      %dma_wait3A_614 = arith.constant 0 : i32
      %dma_wait3A_615 = tpu.memref_slice %arg11[%run_scoped3A_29, %dma_wait3A_613, %dma_wait3A_614] : memref<4x80x128xf32, #tpu.memory_space<vmem>> -> memref<1x80x128xf32, #tpu.memory_space<vmem>>
      %dma_wait3A_616 = tpu.memref_squeeze %dma_wait3A_615 : memref<1x80x128xf32, #tpu.memory_space<vmem>> -> memref<80x128xf32, #tpu.memory_space<vmem>>
      tpu.wait_dma2 semaphore(%run_scoped3A_592 : memref<!tpu.dma_semaphore, #tpu.memory_space<semaphore_mem>>) src(%dma_wait3A_616 : memref<80x128xf32, #tpu.memory_space<vmem>>) dst(%dma_wait3A_612 : memref<80x128xf32, #tpu.memory_space<vmem_shared>>)
      tpu.yield
    }) : () -> ()
    %mul3A_30 = arith.constant 640 : i32
    %mul3A_31 = arith.muli %arg1, %mul3A_30 : i32
    %add3A_32 = arith.constant 400 : i32
    %add3A_33 = arith.addi %mul3A_31, %add3A_32 : i32
    %run_scoped3A_34 = arith.constant 0 : i32
    "tpu.region"() ({
      %run_scoped3A_592 = tpu.sem_alloc : memref<!tpu.dma_semaphore, #tpu.memory_space<semaphore_mem>>
      %dma_start3A_593 = arith.constant 0 : i32
      %dma_start3A_594 = arith.constant 0 : i32
      %dma_start3A_595 = tpu.memref_slice %arg11[%run_scoped3A_34, %dma_start3A_593, %dma_start3A_594] : memref<4x80x128xf32, #tpu.memory_space<vmem>> -> memref<1x80x128xf32, #tpu.memory_space<vmem>>
      %dma_start3A_596 = tpu.memref_squeeze %dma_start3A_595 : memref<1x80x128xf32, #tpu.memory_space<vmem>> -> memref<80x128xf32, #tpu.memory_space<vmem>>
      %dma_start3A_597 = arith.constant 0 : i32
      %dma_start3A_598 = tpu.memref_slice %arg13[%add3A_33, %dma_start3A_597] : memref<10240x128xf32, #tpu.memory_space<vmem_shared>> -> memref<80x128xf32, #tpu.memory_space<vmem_shared>>
      %dma_start3A_599 = arith.constant 0 : i32
      %dma_start3A_600 = tpu.memref_slice %arg13[%add3A_33, %dma_start3A_599] : memref<10240x128xf32, #tpu.memory_space<vmem_shared>> -> memref<80x128xf32, #tpu.memory_space<vmem_shared>>
      %dma_start3A_601 = arith.constant 0 : i32
      %dma_start3A_602 = arith.constant 0 : i32
      %dma_start3A_603 = tpu.memref_slice %arg11[%run_scoped3A_34, %dma_start3A_601, %dma_start3A_602] : memref<4x80x128xf32, #tpu.memory_space<vmem>> -> memref<1x80x128xf32, #tpu.memory_space<vmem>>
      %dma_start3A_604 = tpu.memref_squeeze %dma_start3A_603 : memref<1x80x128xf32, #tpu.memory_space<vmem>> -> memref<80x128xf32, #tpu.memory_space<vmem>>
      tpu.enqueue_dma source(%dma_start3A_604 : memref<80x128xf32, #tpu.memory_space<vmem>>) target(%dma_start3A_600 : memref<80x128xf32, #tpu.memory_space<vmem_shared>>) target_semaphore(%run_scoped3A_592 : memref<!tpu.dma_semaphore, #tpu.memory_space<semaphore_mem>>)
      %dma_wait3A_605 = arith.constant 0 : i32
      %dma_wait3A_606 = arith.constant 0 : i32
      %dma_wait3A_607 = tpu.memref_slice %arg11[%run_scoped3A_34, %dma_wait3A_605, %dma_wait3A_606] : memref<4x80x128xf32, #tpu.memory_space<vmem>> -> memref<1x80x128xf32, #tpu.memory_space<vmem>>
      %dma_wait3A_608 = tpu.memref_squeeze %dma_wait3A_607 : memref<1x80x128xf32, #tpu.memory_space<vmem>> -> memref<80x128xf32, #tpu.memory_space<vmem>>
      %dma_wait3A_609 = arith.constant 0 : i32
      %dma_wait3A_610 = tpu.memref_slice %arg13[%add3A_33, %dma_wait3A_609] : memref<10240x128xf32, #tpu.memory_space<vmem_shared>> -> memref<80x128xf32, #tpu.memory_space<vmem_shared>>
      %dma_wait3A_611 = arith.constant 0 : i32
      %dma_wait3A_612 = tpu.memref_slice %arg13[%add3A_33, %dma_wait3A_611] : memref<10240x128xf32, #tpu.memory_space<vmem_shared>> -> memref<80x128xf32, #tpu.memory_space<vmem_shared>>
      %dma_wait3A_613 = arith.constant 0 : i32
      %dma_wait3A_614 = arith.constant 0 : i32
      %dma_wait3A_615 = tpu.memref_slice %arg11[%run_scoped3A_34, %dma_wait3A_613, %dma_wait3A_614] : memref<4x80x128xf32, #tpu.memory_space<vmem>> -> memref<1x80x128xf32, #tpu.memory_space<vmem>>
      %dma_wait3A_616 = tpu.memref_squeeze %dma_wait3A_615 : memref<1x80x128xf32, #tpu.memory_space<vmem>> -> memref<80x128xf32, #tpu.memory_space<vmem>>
      tpu.wait_dma2 semaphore(%run_scoped3A_592 : memref<!tpu.dma_semaphore, #tpu.memory_space<semaphore_mem>>) src(%dma_wait3A_616 : memref<80x128xf32, #tpu.memory_space<vmem>>) dst(%dma_wait3A_612 : memref<80x128xf32, #tpu.memory_space<vmem_shared>>)
      tpu.yield
    }) : () -> ()
    %mul3A_35 = arith.constant 640 : i32
    %mul3A_36 = arith.muli %arg1, %mul3A_35 : i32
    %add3A_37 = arith.constant 480 : i32
    %add3A_38 = arith.addi %mul3A_36, %add3A_37 : i32
    %run_scoped3A_39 = arith.constant 0 : i32
    "tpu.region"() ({
      %run_scoped3A_592 = tpu.sem_alloc : memref<!tpu.dma_semaphore, #tpu.memory_space<semaphore_mem>>
      %dma_start3A_593 = arith.constant 0 : i32
      %dma_start3A_594 = arith.constant 0 : i32
      %dma_start3A_595 = tpu.memref_slice %arg11[%run_scoped3A_39, %dma_start3A_593, %dma_start3A_594] : memref<4x80x128xf32, #tpu.memory_space<vmem>> -> memref<1x80x128xf32, #tpu.memory_space<vmem>>
      %dma_start3A_596 = tpu.memref_squeeze %dma_start3A_595 : memref<1x80x128xf32, #tpu.memory_space<vmem>> -> memref<80x128xf32, #tpu.memory_space<vmem>>
      %dma_start3A_597 = arith.constant 0 : i32
      %dma_start3A_598 = tpu.memref_slice %arg13[%add3A_38, %dma_start3A_597] : memref<10240x128xf32, #tpu.memory_space<vmem_shared>> -> memref<80x128xf32, #tpu.memory_space<vmem_shared>>
      %dma_start3A_599 = arith.constant 0 : i32
      %dma_start3A_600 = tpu.memref_slice %arg13[%add3A_38, %dma_start3A_599] : memref<10240x128xf32, #tpu.memory_space<vmem_shared>> -> memref<80x128xf32, #tpu.memory_space<vmem_shared>>
      %dma_start3A_601 = arith.constant 0 : i32
      %dma_start3A_602 = arith.constant 0 : i32
      %dma_start3A_603 = tpu.memref_slice %arg11[%run_scoped3A_39, %dma_start3A_601, %dma_start3A_602] : memref<4x80x128xf32, #tpu.memory_space<vmem>> -> memref<1x80x128xf32, #tpu.memory_space<vmem>>
      %dma_start3A_604 = tpu.memref_squeeze %dma_start3A_603 : memref<1x80x128xf32, #tpu.memory_space<vmem>> -> memref<80x128xf32, #tpu.memory_space<vmem>>
      tpu.enqueue_dma source(%dma_start3A_604 : memref<80x128xf32, #tpu.memory_space<vmem>>) target(%dma_start3A_600 : memref<80x128xf32, #tpu.memory_space<vmem_shared>>) target_semaphore(%run_scoped3A_592 : memref<!tpu.dma_semaphore, #tpu.memory_space<semaphore_mem>>)
      %dma_wait3A_605 = arith.constant 0 : i32
      %dma_wait3A_606 = arith.constant 0 : i32
      %dma_wait3A_607 = tpu.memref_slice %arg11[%run_scoped3A_39, %dma_wait3A_605, %dma_wait3A_606] : memref<4x80x128xf32, #tpu.memory_space<vmem>> -> memref<1x80x128xf32, #tpu.memory_space<vmem>>
      %dma_wait3A_608 = tpu.memref_squeeze %dma_wait3A_607 : memref<1x80x128xf32, #tpu.memory_space<vmem>> -> memref<80x128xf32, #tpu.memory_space<vmem>>
      %dma_wait3A_609 = arith.constant 0 : i32
      %dma_wait3A_610 = tpu.memref_slice %arg13[%add3A_38, %dma_wait3A_609] : memref<10240x128xf32, #tpu.memory_space<vmem_shared>> -> memref<80x128xf32, #tpu.memory_space<vmem_shared>>
      %dma_wait3A_611 = arith.constant 0 : i32
      %dma_wait3A_612 = tpu.memref_slice %arg13[%add3A_38, %dma_wait3A_611] : memref<10240x128xf32, #tpu.memory_space<vmem_shared>> -> memref<80x128xf32, #tpu.memory_space<vmem_shared>>
      %dma_wait3A_613 = arith.constant 0 : i32
      %dma_wait3A_614 = arith.constant 0 : i32
      %dma_wait3A_615 = tpu.memref_slice %arg11[%run_scoped3A_39, %dma_wait3A_613, %dma_wait3A_614] : memref<4x80x128xf32, #tpu.memory_space<vmem>> -> memref<1x80x128xf32, #tpu.memory_space<vmem>>
      %dma_wait3A_616 = tpu.memref_squeeze %dma_wait3A_615 : memref<1x80x128xf32, #tpu.memory_space<vmem>> -> memref<80x128xf32, #tpu.memory_space<vmem>>
      tpu.wait_dma2 semaphore(%run_scoped3A_592 : memref<!tpu.dma_semaphore, #tpu.memory_space<semaphore_mem>>) src(%dma_wait3A_616 : memref<80x128xf32, #tpu.memory_space<vmem>>) dst(%dma_wait3A_612 : memref<80x128xf32, #tpu.memory_space<vmem_shared>>)
      tpu.yield
    }) : () -> ()
    %mul3A_40 = arith.constant 640 : i32
    %mul3A_41 = arith.muli %arg1, %mul3A_40 : i32
    %add3A_42 = arith.constant 560 : i32
    %add3A_43 = arith.addi %mul3A_41, %add3A_42 : i32
    %run_scoped3A_44 = arith.constant 0 : i32
    "tpu.region"() ({
      %run_scoped3A_592 = tpu.sem_alloc : memref<!tpu.dma_semaphore, #tpu.memory_space<semaphore_mem>>
      %dma_start3A_593 = arith.constant 0 : i32
      %dma_start3A_594 = arith.constant 0 : i32
      %dma_start3A_595 = tpu.memref_slice %arg11[%run_scoped3A_44, %dma_start3A_593, %dma_start3A_594] : memref<4x80x128xf32, #tpu.memory_space<vmem>> -> memref<1x80x128xf32, #tpu.memory_space<vmem>>
      %dma_start3A_596 = tpu.memref_squeeze %dma_start3A_595 : memref<1x80x128xf32, #tpu.memory_space<vmem>> -> memref<80x128xf32, #tpu.memory_space<vmem>>
      %dma_start3A_597 = arith.constant 0 : i32
      %dma_start3A_598 = tpu.memref_slice %arg13[%add3A_43, %dma_start3A_597] : memref<10240x128xf32, #tpu.memory_space<vmem_shared>> -> memref<80x128xf32, #tpu.memory_space<vmem_shared>>
      %dma_start3A_599 = arith.constant 0 : i32
      %dma_start3A_600 = tpu.memref_slice %arg13[%add3A_43, %dma_start3A_599] : memref<10240x128xf32, #tpu.memory_space<vmem_shared>> -> memref<80x128xf32, #tpu.memory_space<vmem_shared>>
      %dma_start3A_601 = arith.constant 0 : i32
      %dma_start3A_602 = arith.constant 0 : i32
      %dma_start3A_603 = tpu.memref_slice %arg11[%run_scoped3A_44, %dma_start3A_601, %dma_start3A_602] : memref<4x80x128xf32, #tpu.memory_space<vmem>> -> memref<1x80x128xf32, #tpu.memory_space<vmem>>
      %dma_start3A_604 = tpu.memref_squeeze %dma_start3A_603 : memref<1x80x128xf32, #tpu.memory_space<vmem>> -> memref<80x128xf32, #tpu.memory_space<vmem>>
      tpu.enqueue_dma source(%dma_start3A_604 : memref<80x128xf32, #tpu.memory_space<vmem>>) target(%dma_start3A_600 : memref<80x128xf32, #tpu.memory_space<vmem_shared>>) target_semaphore(%run_scoped3A_592 : memref<!tpu.dma_semaphore, #tpu.memory_space<semaphore_mem>>)
      %dma_wait3A_605 = arith.constant 0 : i32
      %dma_wait3A_606 = arith.constant 0 : i32
      %dma_wait3A_607 = tpu.memref_slice %arg11[%run_scoped3A_44, %dma_wait3A_605, %dma_wait3A_606] : memref<4x80x128xf32, #tpu.memory_space<vmem>> -> memref<1x80x128xf32, #tpu.memory_space<vmem>>
      %dma_wait3A_608 = tpu.memref_squeeze %dma_wait3A_607 : memref<1x80x128xf32, #tpu.memory_space<vmem>> -> memref<80x128xf32, #tpu.memory_space<vmem>>
      %dma_wait3A_609 = arith.constant 0 : i32
      %dma_wait3A_610 = tpu.memref_slice %arg13[%add3A_43, %dma_wait3A_609] : memref<10240x128xf32, #tpu.memory_space<vmem_shared>> -> memref<80x128xf32, #tpu.memory_space<vmem_shared>>
      %dma_wait3A_611 = arith.constant 0 : i32
      %dma_wait3A_612 = tpu.memref_slice %arg13[%add3A_43, %dma_wait3A_611] : memref<10240x128xf32, #tpu.memory_space<vmem_shared>> -> memref<80x128xf32, #tpu.memory_space<vmem_shared>>
      %dma_wait3A_613 = arith.constant 0 : i32
      %dma_wait3A_614 = arith.constant 0 : i32
      %dma_wait3A_615 = tpu.memref_slice %arg11[%run_scoped3A_44, %dma_wait3A_613, %dma_wait3A_614] : memref<4x80x128xf32, #tpu.memory_space<vmem>> -> memref<1x80x128xf32, #tpu.memory_space<vmem>>
      %dma_wait3A_616 = tpu.memref_squeeze %dma_wait3A_615 : memref<1x80x128xf32, #tpu.memory_space<vmem>> -> memref<80x128xf32, #tpu.memory_space<vmem>>
      tpu.wait_dma2 semaphore(%run_scoped3A_592 : memref<!tpu.dma_semaphore, #tpu.memory_space<semaphore_mem>>) src(%dma_wait3A_616 : memref<80x128xf32, #tpu.memory_space<vmem>>) dst(%dma_wait3A_612 : memref<80x128xf32, #tpu.memory_space<vmem_shared>>)
      tpu.yield
    }) : () -> ()
    %barrier3A = arith.constant 0 : index
    tpu.barrier barrier_id(%barrier3A)
    %mul3A_45 = arith.constant 100 : i32
    %mul3A_46 = arith.muli %add3A, %mul3A_45 : i32
    %add3A_47 = arith.constant 0 : i32
    %add3A_48 = arith.addi %mul3A_46, %add3A_47 : i32
    %mul3A_49 = arith.constant 80 : i32
    %mul3A_50 = arith.muli %add3A_48, %mul3A_49 : i32
    %dma_start3A = arith.constant 0 : i32
    %dma_start3A_51 = arith.constant 0 : i32
    %dma_start3A_52 = arith.constant 0 : i32
    %dma_start3A_53 = tpu.memref_slice %arg9[%dma_start3A, %dma_start3A_52] : memref<8x80xi32, #tpu.memory_space<vmem>> -> memref<1x80xi32, #tpu.memory_space<vmem>>
    %dma_start3A_54 = tpu.memref_squeeze %dma_start3A_53 : memref<1x80xi32, #tpu.memory_space<vmem>> -> memref<80xi32, #tpu.memory_space<vmem>>
    %dma_start3A_55 = tpu.memref_slice %arg2[%mul3A_50] : memref<256000xi32, #tpu.memory_space<hbm>> -> memref<80xi32, #tpu.memory_space<hbm>>
    %dma_start3A_56 = tpu.memref_slice %arg14[%dma_start3A_51] : memref<8x!tpu.dma_semaphore, #tpu.memory_space<semaphore_mem>> -> memref<1x!tpu.dma_semaphore, #tpu.memory_space<semaphore_mem>>
    %dma_start3A_57 = tpu.memref_squeeze %dma_start3A_56 : memref<1x!tpu.dma_semaphore, #tpu.memory_space<semaphore_mem>> -> memref<!tpu.dma_semaphore, #tpu.memory_space<semaphore_mem>>
    %dma_start3A_58 = arith.constant 0 : i32
    %dma_start3A_59 = tpu.memref_slice %arg9[%dma_start3A, %dma_start3A_58] : memref<8x80xi32, #tpu.memory_space<vmem>> -> memref<1x80xi32, #tpu.memory_space<vmem>>
    %dma_start3A_60 = tpu.memref_squeeze %dma_start3A_59 : memref<1x80xi32, #tpu.memory_space<vmem>> -> memref<80xi32, #tpu.memory_space<vmem>>
    %dma_start3A_61 = tpu.memref_slice %arg2[%mul3A_50] : memref<256000xi32, #tpu.memory_space<hbm>> -> memref<80xi32, #tpu.memory_space<hbm>>
    tpu.enqueue_dma source(%dma_start3A_61 : memref<80xi32, #tpu.memory_space<hbm>>) target(%dma_start3A_60 : memref<80xi32, #tpu.memory_space<vmem>>) target_semaphore(%dma_start3A_57 : memref<!tpu.dma_semaphore, #tpu.memory_space<semaphore_mem>>)
    %dma_start3A_62 = arith.constant 0 : i32
    %dma_start3A_63 = arith.constant 0 : i32
    %dma_start3A_64 = arith.constant 0 : i32
    %dma_start3A_65 = tpu.memref_slice %arg10[%dma_start3A_62, %dma_start3A_64] : memref<8x80xi32, #tpu.memory_space<vmem>> -> memref<1x80xi32, #tpu.memory_space<vmem>>
    %dma_start3A_66 = tpu.memref_squeeze %dma_start3A_65 : memref<1x80xi32, #tpu.memory_space<vmem>> -> memref<80xi32, #tpu.memory_space<vmem>>
    %dma_start3A_67 = tpu.memref_slice %arg3[%mul3A_50] : memref<256000xi32, #tpu.memory_space<hbm>> -> memref<80xi32, #tpu.memory_space<hbm>>
    %dma_start3A_68 = tpu.memref_slice %arg14[%dma_start3A_63] : memref<8x!tpu.dma_semaphore, #tpu.memory_space<semaphore_mem>> -> memref<1x!tpu.dma_semaphore, #tpu.memory_space<semaphore_mem>>
    %dma_start3A_69 = tpu.memref_squeeze %dma_start3A_68 : memref<1x!tpu.dma_semaphore, #tpu.memory_space<semaphore_mem>> -> memref<!tpu.dma_semaphore, #tpu.memory_space<semaphore_mem>>
    %dma_start3A_70 = arith.constant 0 : i32
    %dma_start3A_71 = tpu.memref_slice %arg10[%dma_start3A_62, %dma_start3A_70] : memref<8x80xi32, #tpu.memory_space<vmem>> -> memref<1x80xi32, #tpu.memory_space<vmem>>
    %dma_start3A_72 = tpu.memref_squeeze %dma_start3A_71 : memref<1x80xi32, #tpu.memory_space<vmem>> -> memref<80xi32, #tpu.memory_space<vmem>>
    %dma_start3A_73 = tpu.memref_slice %arg3[%mul3A_50] : memref<256000xi32, #tpu.memory_space<hbm>> -> memref<80xi32, #tpu.memory_space<hbm>>
    tpu.enqueue_dma source(%dma_start3A_73 : memref<80xi32, #tpu.memory_space<hbm>>) target(%dma_start3A_72 : memref<80xi32, #tpu.memory_space<vmem>>) target_semaphore(%dma_start3A_69 : memref<!tpu.dma_semaphore, #tpu.memory_space<semaphore_mem>>)
    %add3A_74 = arith.constant 1 : i32
    %add3A_75 = arith.addi %mul3A_46, %add3A_74 : i32
    %mul3A_76 = arith.constant 80 : i32
    %mul3A_77 = arith.muli %add3A_75, %mul3A_76 : i32
    %dma_start3A_78 = arith.constant 1 : i32
    %dma_start3A_79 = arith.constant 1 : i32
    %dma_start3A_80 = arith.constant 0 : i32
    %dma_start3A_81 = tpu.memref_slice %arg9[%dma_start3A_78, %dma_start3A_80] : memref<8x80xi32, #tpu.memory_space<vmem>> -> memref<1x80xi32, #tpu.memory_space<vmem>>
    %dma_start3A_82 = tpu.memref_squeeze %dma_start3A_81 : memref<1x80xi32, #tpu.memory_space<vmem>> -> memref<80xi32, #tpu.memory_space<vmem>>
    %dma_start3A_83 = tpu.memref_slice %arg2[%mul3A_77] : memref<256000xi32, #tpu.memory_space<hbm>> -> memref<80xi32, #tpu.memory_space<hbm>>
    %dma_start3A_84 = tpu.memref_slice %arg14[%dma_start3A_79] : memref<8x!tpu.dma_semaphore, #tpu.memory_space<semaphore_mem>> -> memref<1x!tpu.dma_semaphore, #tpu.memory_space<semaphore_mem>>
    %dma_start3A_85 = tpu.memref_squeeze %dma_start3A_84 : memref<1x!tpu.dma_semaphore, #tpu.memory_space<semaphore_mem>> -> memref<!tpu.dma_semaphore, #tpu.memory_space<semaphore_mem>>
    %dma_start3A_86 = arith.constant 0 : i32
    %dma_start3A_87 = tpu.memref_slice %arg9[%dma_start3A_78, %dma_start3A_86] : memref<8x80xi32, #tpu.memory_space<vmem>> -> memref<1x80xi32, #tpu.memory_space<vmem>>
    %dma_start3A_88 = tpu.memref_squeeze %dma_start3A_87 : memref<1x80xi32, #tpu.memory_space<vmem>> -> memref<80xi32, #tpu.memory_space<vmem>>
    %dma_start3A_89 = tpu.memref_slice %arg2[%mul3A_77] : memref<256000xi32, #tpu.memory_space<hbm>> -> memref<80xi32, #tpu.memory_space<hbm>>
    tpu.enqueue_dma source(%dma_start3A_89 : memref<80xi32, #tpu.memory_space<hbm>>) target(%dma_start3A_88 : memref<80xi32, #tpu.memory_space<vmem>>) target_semaphore(%dma_start3A_85 : memref<!tpu.dma_semaphore, #tpu.memory_space<semaphore_mem>>)
    %dma_start3A_90 = arith.constant 1 : i32
    %dma_start3A_91 = arith.constant 1 : i32
    %dma_start3A_92 = arith.constant 0 : i32
    %dma_start3A_93 = tpu.memref_slice %arg10[%dma_start3A_90, %dma_start3A_92] : memref<8x80xi32, #tpu.memory_space<vmem>> -> memref<1x80xi32, #tpu.memory_space<vmem>>
    %dma_start3A_94 = tpu.memref_squeeze %dma_start3A_93 : memref<1x80xi32, #tpu.memory_space<vmem>> -> memref<80xi32, #tpu.memory_space<vmem>>
    %dma_start3A_95 = tpu.memref_slice %arg3[%mul3A_77] : memref<256000xi32, #tpu.memory_space<hbm>> -> memref<80xi32, #tpu.memory_space<hbm>>
    %dma_start3A_96 = tpu.memref_slice %arg14[%dma_start3A_91] : memref<8x!tpu.dma_semaphore, #tpu.memory_space<semaphore_mem>> -> memref<1x!tpu.dma_semaphore, #tpu.memory_space<semaphore_mem>>
    %dma_start3A_97 = tpu.memref_squeeze %dma_start3A_96 : memref<1x!tpu.dma_semaphore, #tpu.memory_space<semaphore_mem>> -> memref<!tpu.dma_semaphore, #tpu.memory_space<semaphore_mem>>
    %dma_start3A_98 = arith.constant 0 : i32
    %dma_start3A_99 = tpu.memref_slice %arg10[%dma_start3A_90, %dma_start3A_98] : memref<8x80xi32, #tpu.memory_space<vmem>> -> memref<1x80xi32, #tpu.memory_space<vmem>>
    %dma_start3A_100 = tpu.memref_squeeze %dma_start3A_99 : memref<1x80xi32, #tpu.memory_space<vmem>> -> memref<80xi32, #tpu.memory_space<vmem>>
    %dma_start3A_101 = tpu.memref_slice %arg3[%mul3A_77] : memref<256000xi32, #tpu.memory_space<hbm>> -> memref<80xi32, #tpu.memory_space<hbm>>
    tpu.enqueue_dma source(%dma_start3A_101 : memref<80xi32, #tpu.memory_space<hbm>>) target(%dma_start3A_100 : memref<80xi32, #tpu.memory_space<vmem>>) target_semaphore(%dma_start3A_97 : memref<!tpu.dma_semaphore, #tpu.memory_space<semaphore_mem>>)
    %add3A_102 = arith.constant 2 : i32
    %add3A_103 = arith.addi %mul3A_46, %add3A_102 : i32
    %mul3A_104 = arith.constant 80 : i32
    %mul3A_105 = arith.muli %add3A_103, %mul3A_104 : i32
    %dma_start3A_106 = arith.constant 2 : i32
    %dma_start3A_107 = arith.constant 2 : i32
    %dma_start3A_108 = arith.constant 0 : i32
    %dma_start3A_109 = tpu.memref_slice %arg9[%dma_start3A_106, %dma_start3A_108] : memref<8x80xi32, #tpu.memory_space<vmem>> -> memref<1x80xi32, #tpu.memory_space<vmem>>
    %dma_start3A_110 = tpu.memref_squeeze %dma_start3A_109 : memref<1x80xi32, #tpu.memory_space<vmem>> -> memref<80xi32, #tpu.memory_space<vmem>>
    %dma_start3A_111 = tpu.memref_slice %arg2[%mul3A_105] : memref<256000xi32, #tpu.memory_space<hbm>> -> memref<80xi32, #tpu.memory_space<hbm>>
    %dma_start3A_112 = tpu.memref_slice %arg14[%dma_start3A_107] : memref<8x!tpu.dma_semaphore, #tpu.memory_space<semaphore_mem>> -> memref<1x!tpu.dma_semaphore, #tpu.memory_space<semaphore_mem>>
    %dma_start3A_113 = tpu.memref_squeeze %dma_start3A_112 : memref<1x!tpu.dma_semaphore, #tpu.memory_space<semaphore_mem>> -> memref<!tpu.dma_semaphore, #tpu.memory_space<semaphore_mem>>
    %dma_start3A_114 = arith.constant 0 : i32
    %dma_start3A_115 = tpu.memref_slice %arg9[%dma_start3A_106, %dma_start3A_114] : memref<8x80xi32, #tpu.memory_space<vmem>> -> memref<1x80xi32, #tpu.memory_space<vmem>>
    %dma_start3A_116 = tpu.memref_squeeze %dma_start3A_115 : memref<1x80xi32, #tpu.memory_space<vmem>> -> memref<80xi32, #tpu.memory_space<vmem>>
    %dma_start3A_117 = tpu.memref_slice %arg2[%mul3A_105] : memref<256000xi32, #tpu.memory_space<hbm>> -> memref<80xi32, #tpu.memory_space<hbm>>
    tpu.enqueue_dma source(%dma_start3A_117 : memref<80xi32, #tpu.memory_space<hbm>>) target(%dma_start3A_116 : memref<80xi32, #tpu.memory_space<vmem>>) target_semaphore(%dma_start3A_113 : memref<!tpu.dma_semaphore, #tpu.memory_space<semaphore_mem>>)
    %dma_start3A_118 = arith.constant 2 : i32
    %dma_start3A_119 = arith.constant 2 : i32
    %dma_start3A_120 = arith.constant 0 : i32
    %dma_start3A_121 = tpu.memref_slice %arg10[%dma_start3A_118, %dma_start3A_120] : memref<8x80xi32, #tpu.memory_space<vmem>> -> memref<1x80xi32, #tpu.memory_space<vmem>>
    %dma_start3A_122 = tpu.memref_squeeze %dma_start3A_121 : memref<1x80xi32, #tpu.memory_space<vmem>> -> memref<80xi32, #tpu.memory_space<vmem>>
    %dma_start3A_123 = tpu.memref_slice %arg3[%mul3A_105] : memref<256000xi32, #tpu.memory_space<hbm>> -> memref<80xi32, #tpu.memory_space<hbm>>
    %dma_start3A_124 = tpu.memref_slice %arg14[%dma_start3A_119] : memref<8x!tpu.dma_semaphore, #tpu.memory_space<semaphore_mem>> -> memref<1x!tpu.dma_semaphore, #tpu.memory_space<semaphore_mem>>
    %dma_start3A_125 = tpu.memref_squeeze %dma_start3A_124 : memref<1x!tpu.dma_semaphore, #tpu.memory_space<semaphore_mem>> -> memref<!tpu.dma_semaphore, #tpu.memory_space<semaphore_mem>>
    %dma_start3A_126 = arith.constant 0 : i32
    %dma_start3A_127 = tpu.memref_slice %arg10[%dma_start3A_118, %dma_start3A_126] : memref<8x80xi32, #tpu.memory_space<vmem>> -> memref<1x80xi32, #tpu.memory_space<vmem>>
    %dma_start3A_128 = tpu.memref_squeeze %dma_start3A_127 : memref<1x80xi32, #tpu.memory_space<vmem>> -> memref<80xi32, #tpu.memory_space<vmem>>
    %dma_start3A_129 = tpu.memref_slice %arg3[%mul3A_105] : memref<256000xi32, #tpu.memory_space<hbm>> -> memref<80xi32, #tpu.memory_space<hbm>>
    tpu.enqueue_dma source(%dma_start3A_129 : memref<80xi32, #tpu.memory_space<hbm>>) target(%dma_start3A_128 : memref<80xi32, #tpu.memory_space<vmem>>) target_semaphore(%dma_start3A_125 : memref<!tpu.dma_semaphore, #tpu.memory_space<semaphore_mem>>)
    %add3A_130 = arith.constant 3 : i32
    %add3A_131 = arith.addi %mul3A_46, %add3A_130 : i32
    %mul3A_132 = arith.constant 80 : i32
    %mul3A_133 = arith.muli %add3A_131, %mul3A_132 : i32
    %dma_start3A_134 = arith.constant 3 : i32
    %dma_start3A_135 = arith.constant 3 : i32
    %dma_start3A_136 = arith.constant 0 : i32
    %dma_start3A_137 = tpu.memref_slice %arg9[%dma_start3A_134, %dma_start3A_136] : memref<8x80xi32, #tpu.memory_space<vmem>> -> memref<1x80xi32, #tpu.memory_space<vmem>>
    %dma_start3A_138 = tpu.memref_squeeze %dma_start3A_137 : memref<1x80xi32, #tpu.memory_space<vmem>> -> memref<80xi32, #tpu.memory_space<vmem>>
    %dma_start3A_139 = tpu.memref_slice %arg2[%mul3A_133] : memref<256000xi32, #tpu.memory_space<hbm>> -> memref<80xi32, #tpu.memory_space<hbm>>
    %dma_start3A_140 = tpu.memref_slice %arg14[%dma_start3A_135] : memref<8x!tpu.dma_semaphore, #tpu.memory_space<semaphore_mem>> -> memref<1x!tpu.dma_semaphore, #tpu.memory_space<semaphore_mem>>
    %dma_start3A_141 = tpu.memref_squeeze %dma_start3A_140 : memref<1x!tpu.dma_semaphore, #tpu.memory_space<semaphore_mem>> -> memref<!tpu.dma_semaphore, #tpu.memory_space<semaphore_mem>>
    %dma_start3A_142 = arith.constant 0 : i32
    %dma_start3A_143 = tpu.memref_slice %arg9[%dma_start3A_134, %dma_start3A_142] : memref<8x80xi32, #tpu.memory_space<vmem>> -> memref<1x80xi32, #tpu.memory_space<vmem>>
    %dma_start3A_144 = tpu.memref_squeeze %dma_start3A_143 : memref<1x80xi32, #tpu.memory_space<vmem>> -> memref<80xi32, #tpu.memory_space<vmem>>
    %dma_start3A_145 = tpu.memref_slice %arg2[%mul3A_133] : memref<256000xi32, #tpu.memory_space<hbm>> -> memref<80xi32, #tpu.memory_space<hbm>>
    tpu.enqueue_dma source(%dma_start3A_145 : memref<80xi32, #tpu.memory_space<hbm>>) target(%dma_start3A_144 : memref<80xi32, #tpu.memory_space<vmem>>) target_semaphore(%dma_start3A_141 : memref<!tpu.dma_semaphore, #tpu.memory_space<semaphore_mem>>)
    %dma_start3A_146 = arith.constant 3 : i32
    %dma_start3A_147 = arith.constant 3 : i32
    %dma_start3A_148 = arith.constant 0 : i32
    %dma_start3A_149 = tpu.memref_slice %arg10[%dma_start3A_146, %dma_start3A_148] : memref<8x80xi32, #tpu.memory_space<vmem>> -> memref<1x80xi32, #tpu.memory_space<vmem>>
    %dma_start3A_150 = tpu.memref_squeeze %dma_start3A_149 : memref<1x80xi32, #tpu.memory_space<vmem>> -> memref<80xi32, #tpu.memory_space<vmem>>
    %dma_start3A_151 = tpu.memref_slice %arg3[%mul3A_133] : memref<256000xi32, #tpu.memory_space<hbm>> -> memref<80xi32, #tpu.memory_space<hbm>>
    %dma_start3A_152 = tpu.memref_slice %arg14[%dma_start3A_147] : memref<8x!tpu.dma_semaphore, #tpu.memory_space<semaphore_mem>> -> memref<1x!tpu.dma_semaphore, #tpu.memory_space<semaphore_mem>>
    %dma_start3A_153 = tpu.memref_squeeze %dma_start3A_152 : memref<1x!tpu.dma_semaphore, #tpu.memory_space<semaphore_mem>> -> memref<!tpu.dma_semaphore, #tpu.memory_space<semaphore_mem>>
    %dma_start3A_154 = arith.constant 0 : i32
    %dma_start3A_155 = tpu.memref_slice %arg10[%dma_start3A_146, %dma_start3A_154] : memref<8x80xi32, #tpu.memory_space<vmem>> -> memref<1x80xi32, #tpu.memory_space<vmem>>
    %dma_start3A_156 = tpu.memref_squeeze %dma_start3A_155 : memref<1x80xi32, #tpu.memory_space<vmem>> -> memref<80xi32, #tpu.memory_space<vmem>>
    %dma_start3A_157 = tpu.memref_slice %arg3[%mul3A_133] : memref<256000xi32, #tpu.memory_space<hbm>> -> memref<80xi32, #tpu.memory_space<hbm>>
    tpu.enqueue_dma source(%dma_start3A_157 : memref<80xi32, #tpu.memory_space<hbm>>) target(%dma_start3A_156 : memref<80xi32, #tpu.memory_space<vmem>>) target_semaphore(%dma_start3A_153 : memref<!tpu.dma_semaphore, #tpu.memory_space<semaphore_mem>>)
    %add3A_158 = arith.constant 0 : i32
    %add3A_159 = arith.addi %mul3A_46, %add3A_158 : i32
    %mul3A_160 = arith.constant 80 : i32
    %mul3A_161 = arith.muli %add3A_159, %mul3A_160 : i32
    %dma_wait3A = arith.constant 0 : i32
    %dma_wait3A_162 = arith.constant 0 : i32
    %dma_wait3A_163 = arith.constant 0 : i32
    %dma_wait3A_164 = tpu.memref_slice %arg9[%dma_wait3A, %dma_wait3A_163] : memref<8x80xi32, #tpu.memory_space<vmem>> -> memref<1x80xi32, #tpu.memory_space<vmem>>
    %dma_wait3A_165 = tpu.memref_squeeze %dma_wait3A_164 : memref<1x80xi32, #tpu.memory_space<vmem>> -> memref<80xi32, #tpu.memory_space<vmem>>
    %dma_wait3A_166 = tpu.memref_slice %arg2[%mul3A_161] : memref<256000xi32, #tpu.memory_space<hbm>> -> memref<80xi32, #tpu.memory_space<hbm>>
    %dma_wait3A_167 = tpu.memref_slice %arg14[%dma_wait3A_162] : memref<8x!tpu.dma_semaphore, #tpu.memory_space<semaphore_mem>> -> memref<1x!tpu.dma_semaphore, #tpu.memory_space<semaphore_mem>>
    %dma_wait3A_168 = tpu.memref_squeeze %dma_wait3A_167 : memref<1x!tpu.dma_semaphore, #tpu.memory_space<semaphore_mem>> -> memref<!tpu.dma_semaphore, #tpu.memory_space<semaphore_mem>>
    %dma_wait3A_169 = arith.constant 0 : i32
    %dma_wait3A_170 = tpu.memref_slice %arg9[%dma_wait3A, %dma_wait3A_169] : memref<8x80xi32, #tpu.memory_space<vmem>> -> memref<1x80xi32, #tpu.memory_space<vmem>>
    %dma_wait3A_171 = tpu.memref_squeeze %dma_wait3A_170 : memref<1x80xi32, #tpu.memory_space<vmem>> -> memref<80xi32, #tpu.memory_space<vmem>>
    %dma_wait3A_172 = tpu.memref_slice %arg2[%mul3A_161] : memref<256000xi32, #tpu.memory_space<hbm>> -> memref<80xi32, #tpu.memory_space<hbm>>
    tpu.wait_dma2 semaphore(%dma_wait3A_168 : memref<!tpu.dma_semaphore, #tpu.memory_space<semaphore_mem>>) src(%dma_wait3A_172 : memref<80xi32, #tpu.memory_space<hbm>>) dst(%dma_wait3A_171 : memref<80xi32, #tpu.memory_space<vmem>>)
    %dma_wait3A_173 = arith.constant 0 : i32
    %dma_wait3A_174 = arith.constant 0 : i32
    %dma_wait3A_175 = arith.constant 0 : i32
    %dma_wait3A_176 = tpu.memref_slice %arg10[%dma_wait3A_173, %dma_wait3A_175] : memref<8x80xi32, #tpu.memory_space<vmem>> -> memref<1x80xi32, #tpu.memory_space<vmem>>
    %dma_wait3A_177 = tpu.memref_squeeze %dma_wait3A_176 : memref<1x80xi32, #tpu.memory_space<vmem>> -> memref<80xi32, #tpu.memory_space<vmem>>
    %dma_wait3A_178 = tpu.memref_slice %arg3[%mul3A_161] : memref<256000xi32, #tpu.memory_space<hbm>> -> memref<80xi32, #tpu.memory_space<hbm>>
    %dma_wait3A_179 = tpu.memref_slice %arg14[%dma_wait3A_174] : memref<8x!tpu.dma_semaphore, #tpu.memory_space<semaphore_mem>> -> memref<1x!tpu.dma_semaphore, #tpu.memory_space<semaphore_mem>>
    %dma_wait3A_180 = tpu.memref_squeeze %dma_wait3A_179 : memref<1x!tpu.dma_semaphore, #tpu.memory_space<semaphore_mem>> -> memref<!tpu.dma_semaphore, #tpu.memory_space<semaphore_mem>>
    %dma_wait3A_181 = arith.constant 0 : i32
    %dma_wait3A_182 = tpu.memref_slice %arg10[%dma_wait3A_173, %dma_wait3A_181] : memref<8x80xi32, #tpu.memory_space<vmem>> -> memref<1x80xi32, #tpu.memory_space<vmem>>
    %dma_wait3A_183 = tpu.memref_squeeze %dma_wait3A_182 : memref<1x80xi32, #tpu.memory_space<vmem>> -> memref<80xi32, #tpu.memory_space<vmem>>
    %dma_wait3A_184 = tpu.memref_slice %arg3[%mul3A_161] : memref<256000xi32, #tpu.memory_space<hbm>> -> memref<80xi32, #tpu.memory_space<hbm>>
    tpu.wait_dma2 semaphore(%dma_wait3A_180 : memref<!tpu.dma_semaphore, #tpu.memory_space<semaphore_mem>>) src(%dma_wait3A_184 : memref<80xi32, #tpu.memory_space<hbm>>) dst(%dma_wait3A_183 : memref<80xi32, #tpu.memory_space<vmem>>)
    %dma_start3A_185 = arith.constant 0 : i32
    %dma_start3A_186 = arith.constant 0 : i32
    %dma_start3A_187 = arith.constant 0 : i32
    %dma_start3A_188 = arith.constant 0 : i32
    %dma_start3A_189 = arith.constant 0 : i32
    %dma_start3A_190 = tpu.memref_slice %arg11[%dma_start3A_186, %dma_start3A_188, %dma_start3A_189] : memref<4x80x128xf32, #tpu.memory_space<vmem>> -> memref<1x80x128xf32, #tpu.memory_space<vmem>>
    %dma_start3A_191 = tpu.memref_squeeze %dma_start3A_190 : memref<1x80x128xf32, #tpu.memory_space<vmem>> -> memref<80x128xf32, #tpu.memory_space<vmem>>
    %dma_start3A_192 = arith.constant 0 : i32
    %dma_start3A_193 = tpu.memref_slice %arg9[%dma_start3A_185, %dma_start3A_192] : memref<8x80xi32, #tpu.memory_space<vmem>> -> memref<1x80xi32, #tpu.memory_space<vmem>>
    %dma_start3A_194 = tpu.memref_squeeze %dma_start3A_193 : memref<1x80xi32, #tpu.memory_space<vmem>> -> memref<80xi32, #tpu.memory_space<vmem>>
    %dma_start3A_195 = arith.constant 0 : i32
    %dma_start3A_196 = arith.constant 0 : i32
    %dma_start3A_197 = tpu.memref_slice %arg7[%dma_start3A_195, %dma_start3A_196] : memref<10000x128xf32, #tpu.memory_space<hbm>> -> memref<10000x128xf32, #tpu.memory_space<hbm>>
    %dma_start3A_198 = tpu.memref_slice %arg15[%dma_start3A_187] : memref<4x!tpu.dma_semaphore, #tpu.memory_space<semaphore_mem>> -> memref<1x!tpu.dma_semaphore, #tpu.memory_space<semaphore_mem>>
    %dma_start3A_199 = tpu.memref_squeeze %dma_start3A_198 : memref<1x!tpu.dma_semaphore, #tpu.memory_space<semaphore_mem>> -> memref<!tpu.dma_semaphore, #tpu.memory_space<semaphore_mem>>
    tpu.enqueue_indirect_dma source(%dma_start3A_197 : memref<10000x128xf32, #tpu.memory_space<hbm>>) target(%dma_start3A_191 : memref<80x128xf32, #tpu.memory_space<vmem>>) offsets(%dma_start3A_194 : memref<80xi32, #tpu.memory_space<vmem>>) semaphore(%dma_start3A_199 : memref<!tpu.dma_semaphore, #tpu.memory_space<semaphore_mem>>)
    %add3A_200 = arith.constant 1 : i32
    %add3A_201 = arith.addi %mul3A_46, %add3A_200 : i32
    %mul3A_202 = arith.constant 80 : i32
    %mul3A_203 = arith.muli %add3A_201, %mul3A_202 : i32
    %dma_wait3A_204 = arith.constant 1 : i32
    %dma_wait3A_205 = arith.constant 1 : i32
    %dma_wait3A_206 = arith.constant 0 : i32
    %dma_wait3A_207 = tpu.memref_slice %arg9[%dma_wait3A_204, %dma_wait3A_206] : memref<8x80xi32, #tpu.memory_space<vmem>> -> memref<1x80xi32, #tpu.memory_space<vmem>>
    %dma_wait3A_208 = tpu.memref_squeeze %dma_wait3A_207 : memref<1x80xi32, #tpu.memory_space<vmem>> -> memref<80xi32, #tpu.memory_space<vmem>>
    %dma_wait3A_209 = tpu.memref_slice %arg2[%mul3A_203] : memref<256000xi32, #tpu.memory_space<hbm>> -> memref<80xi32, #tpu.memory_space<hbm>>
    %dma_wait3A_210 = tpu.memref_slice %arg14[%dma_wait3A_205] : memref<8x!tpu.dma_semaphore, #tpu.memory_space<semaphore_mem>> -> memref<1x!tpu.dma_semaphore, #tpu.memory_space<semaphore_mem>>
    %dma_wait3A_211 = tpu.memref_squeeze %dma_wait3A_210 : memref<1x!tpu.dma_semaphore, #tpu.memory_space<semaphore_mem>> -> memref<!tpu.dma_semaphore, #tpu.memory_space<semaphore_mem>>
    %dma_wait3A_212 = arith.constant 0 : i32
    %dma_wait3A_213 = tpu.memref_slice %arg9[%dma_wait3A_204, %dma_wait3A_212] : memref<8x80xi32, #tpu.memory_space<vmem>> -> memref<1x80xi32, #tpu.memory_space<vmem>>
    %dma_wait3A_214 = tpu.memref_squeeze %dma_wait3A_213 : memref<1x80xi32, #tpu.memory_space<vmem>> -> memref<80xi32, #tpu.memory_space<vmem>>
    %dma_wait3A_215 = tpu.memref_slice %arg2[%mul3A_203] : memref<256000xi32, #tpu.memory_space<hbm>> -> memref<80xi32, #tpu.memory_space<hbm>>
    tpu.wait_dma2 semaphore(%dma_wait3A_211 : memref<!tpu.dma_semaphore, #tpu.memory_space<semaphore_mem>>) src(%dma_wait3A_215 : memref<80xi32, #tpu.memory_space<hbm>>) dst(%dma_wait3A_214 : memref<80xi32, #tpu.memory_space<vmem>>)
    %dma_wait3A_216 = arith.constant 1 : i32
    %dma_wait3A_217 = arith.constant 1 : i32
    %dma_wait3A_218 = arith.constant 0 : i32
    %dma_wait3A_219 = tpu.memref_slice %arg10[%dma_wait3A_216, %dma_wait3A_218] : memref<8x80xi32, #tpu.memory_space<vmem>> -> memref<1x80xi32, #tpu.memory_space<vmem>>
    %dma_wait3A_220 = tpu.memref_squeeze %dma_wait3A_219 : memref<1x80xi32, #tpu.memory_space<vmem>> -> memref<80xi32, #tpu.memory_space<vmem>>
    %dma_wait3A_221 = tpu.memref_slice %arg3[%mul3A_203] : memref<256000xi32, #tpu.memory_space<hbm>> -> memref<80xi32, #tpu.memory_space<hbm>>
    %dma_wait3A_222 = tpu.memref_slice %arg14[%dma_wait3A_217] : memref<8x!tpu.dma_semaphore, #tpu.memory_space<semaphore_mem>> -> memref<1x!tpu.dma_semaphore, #tpu.memory_space<semaphore_mem>>
    %dma_wait3A_223 = tpu.memref_squeeze %dma_wait3A_222 : memref<1x!tpu.dma_semaphore, #tpu.memory_space<semaphore_mem>> -> memref<!tpu.dma_semaphore, #tpu.memory_space<semaphore_mem>>
    %dma_wait3A_224 = arith.constant 0 : i32
    %dma_wait3A_225 = tpu.memref_slice %arg10[%dma_wait3A_216, %dma_wait3A_224] : memref<8x80xi32, #tpu.memory_space<vmem>> -> memref<1x80xi32, #tpu.memory_space<vmem>>
    %dma_wait3A_226 = tpu.memref_squeeze %dma_wait3A_225 : memref<1x80xi32, #tpu.memory_space<vmem>> -> memref<80xi32, #tpu.memory_space<vmem>>
    %dma_wait3A_227 = tpu.memref_slice %arg3[%mul3A_203] : memref<256000xi32, #tpu.memory_space<hbm>> -> memref<80xi32, #tpu.memory_space<hbm>>
    tpu.wait_dma2 semaphore(%dma_wait3A_223 : memref<!tpu.dma_semaphore, #tpu.memory_space<semaphore_mem>>) src(%dma_wait3A_227 : memref<80xi32, #tpu.memory_space<hbm>>) dst(%dma_wait3A_226 : memref<80xi32, #tpu.memory_space<vmem>>)
    %dma_start3A_228 = arith.constant 1 : i32
    %dma_start3A_229 = arith.constant 1 : i32
    %dma_start3A_230 = arith.constant 1 : i32
    %dma_start3A_231 = arith.constant 0 : i32
    %dma_start3A_232 = arith.constant 0 : i32
    %dma_start3A_233 = tpu.memref_slice %arg11[%dma_start3A_229, %dma_start3A_231, %dma_start3A_232] : memref<4x80x128xf32, #tpu.memory_space<vmem>> -> memref<1x80x128xf32, #tpu.memory_space<vmem>>
    %dma_start3A_234 = tpu.memref_squeeze %dma_start3A_233 : memref<1x80x128xf32, #tpu.memory_space<vmem>> -> memref<80x128xf32, #tpu.memory_space<vmem>>
    %dma_start3A_235 = arith.constant 0 : i32
    %dma_start3A_236 = tpu.memref_slice %arg9[%dma_start3A_228, %dma_start3A_235] : memref<8x80xi32, #tpu.memory_space<vmem>> -> memref<1x80xi32, #tpu.memory_space<vmem>>
    %dma_start3A_237 = tpu.memref_squeeze %dma_start3A_236 : memref<1x80xi32, #tpu.memory_space<vmem>> -> memref<80xi32, #tpu.memory_space<vmem>>
    %dma_start3A_238 = arith.constant 0 : i32
    %dma_start3A_239 = arith.constant 0 : i32
    %dma_start3A_240 = tpu.memref_slice %arg7[%dma_start3A_238, %dma_start3A_239] : memref<10000x128xf32, #tpu.memory_space<hbm>> -> memref<10000x128xf32, #tpu.memory_space<hbm>>
    %dma_start3A_241 = tpu.memref_slice %arg15[%dma_start3A_230] : memref<4x!tpu.dma_semaphore, #tpu.memory_space<semaphore_mem>> -> memref<1x!tpu.dma_semaphore, #tpu.memory_space<semaphore_mem>>
    %dma_start3A_242 = tpu.memref_squeeze %dma_start3A_241 : memref<1x!tpu.dma_semaphore, #tpu.memory_space<semaphore_mem>> -> memref<!tpu.dma_semaphore, #tpu.memory_space<semaphore_mem>>
    tpu.enqueue_indirect_dma source(%dma_start3A_240 : memref<10000x128xf32, #tpu.memory_space<hbm>>) target(%dma_start3A_234 : memref<80x128xf32, #tpu.memory_space<vmem>>) offsets(%dma_start3A_237 : memref<80xi32, #tpu.memory_space<vmem>>) semaphore(%dma_start3A_242 : memref<!tpu.dma_semaphore, #tpu.memory_space<semaphore_mem>>)
    %scan3A_243 = arith.constant 0 : i32
    %scan3A_244 = arith.constant 0 : i32
    %scan3A_245 = arith.constant 100 : i32
    %scan3A_246 = arith.addi %scan3A_244, %scan3A_245 : i32
    %scan3A_247 = arith.constant 1 : i32
    scf.for %scan3A_592 = %scan3A_244 to %scan3A_246 step %scan3A_247  : i32 {
      %jit3A = arith.constant 8 : i32
      %eq3A = arith.constant 0 : i32
      %eq3A_593 = arith.cmpi eq, %jit3A, %eq3A : i32
      %jit3A_594 = arith.constant 1 : i32
      %select_n3A = arith.select %eq3A_593, %jit3A_594, %jit3A : i32
      %rem3A = arith.remsi %scan3A_592, %select_n3A : i32
      %ne3A = arith.constant 0 : i32
      %ne3A_595 = arith.cmpi ne, %rem3A, %ne3A : i32
      %lt3A = arith.constant 0 : i32
      %lt3A_596 = arith.cmpi slt, %rem3A, %lt3A : i32
      %lt3A_597 = arith.constant 0 : i32
      %lt3A_598 = arith.cmpi slt, %select_n3A, %lt3A_597 : i32
      %ne3A_599 = arith.xori %lt3A_596, %lt3A_598 : i1
      %and3A = arith.andi %ne3A_599, %ne3A_595 : i1
      %add3A_600 = arith.addi %rem3A, %select_n3A : i32
      %select_n3A_601 = arith.select %and3A, %add3A_600, %rem3A : i32
      %jit3A_602 = arith.constant 4 : i32
      %eq3A_603 = arith.constant 0 : i32
      %eq3A_604 = arith.cmpi eq, %jit3A_602, %eq3A_603 : i32
      %jit3A_605 = arith.constant 1 : i32
      %select_n3A_606 = arith.select %eq3A_604, %jit3A_605, %jit3A_602 : i32
      %rem3A_607 = arith.remsi %scan3A_592, %select_n3A_606 : i32
      %ne3A_608 = arith.constant 0 : i32
      %ne3A_609 = arith.cmpi ne, %rem3A_607, %ne3A_608 : i32
      %lt3A_610 = arith.constant 0 : i32
      %lt3A_611 = arith.cmpi slt, %rem3A_607, %lt3A_610 : i32
      %lt3A_612 = arith.constant 0 : i32
      %lt3A_613 = arith.cmpi slt, %select_n3A_606, %lt3A_612 : i32
      %ne3A_614 = arith.xori %lt3A_611, %lt3A_613 : i1
      %and3A_615 = arith.andi %ne3A_614, %ne3A_609 : i1
      %add3A_616 = arith.addi %rem3A_607, %select_n3A_606 : i32
      %select_n3A_617 = arith.select %and3A_615, %add3A_616, %rem3A_607 : i32
      %jit3A_618 = arith.constant 4 : i32
      %eq3A_619 = arith.constant 0 : i32
      %eq3A_620 = arith.cmpi eq, %jit3A_618, %eq3A_619 : i32
      %jit3A_621 = arith.constant 1 : i32
      %select_n3A_622 = arith.select %eq3A_620, %jit3A_621, %jit3A_618 : i32
      %rem3A_623 = arith.remsi %scan3A_592, %select_n3A_622 : i32
      %ne3A_624 = arith.constant 0 : i32
      %ne3A_625 = arith.cmpi ne, %rem3A_623, %ne3A_624 : i32
      %lt3A_626 = arith.constant 0 : i32
      %lt3A_627 = arith.cmpi slt, %rem3A_623, %lt3A_626 : i32
      %lt3A_628 = arith.constant 0 : i32
      %lt3A_629 = arith.cmpi slt, %select_n3A_622, %lt3A_628 : i32
      %ne3A_630 = arith.xori %lt3A_627, %lt3A_629 : i1
      %and3A_631 = arith.andi %ne3A_630, %ne3A_625 : i1
      %add3A_632 = arith.addi %rem3A_623, %select_n3A_622 : i32
      %select_n3A_633 = arith.select %and3A_631, %add3A_632, %rem3A_623 : i32
      %dma_wait3A_634 = arith.constant 0 : i32
      %dma_wait3A_635 = arith.constant 0 : i32
      %dma_wait3A_636 = tpu.memref_slice %arg11[%select_n3A_617, %dma_wait3A_634, %dma_wait3A_635] : memref<4x80x128xf32, #tpu.memory_space<vmem>> -> memref<1x80x128xf32, #tpu.memory_space<vmem>>
      %dma_wait3A_637 = tpu.memref_squeeze %dma_wait3A_636 : memref<1x80x128xf32, #tpu.memory_space<vmem>> -> memref<80x128xf32, #tpu.memory_space<vmem>>
      %dma_wait3A_638 = arith.constant 0 : i32
      %dma_wait3A_639 = tpu.memref_slice %arg9[%select_n3A_601, %dma_wait3A_638] : memref<8x80xi32, #tpu.memory_space<vmem>> -> memref<1x80xi32, #tpu.memory_space<vmem>>
      %dma_wait3A_640 = tpu.memref_squeeze %dma_wait3A_639 : memref<1x80xi32, #tpu.memory_space<vmem>> -> memref<80xi32, #tpu.memory_space<vmem>>
      %dma_wait3A_641 = arith.constant 0 : i32
      %dma_wait3A_642 = arith.constant 0 : i32
      %dma_wait3A_643 = tpu.memref_slice %arg7[%dma_wait3A_641, %dma_wait3A_642] : memref<10000x128xf32, #tpu.memory_space<hbm>> -> memref<10000x128xf32, #tpu.memory_space<hbm>>
      %dma_wait3A_644 = tpu.memref_slice %arg15[%select_n3A_633] : memref<4x!tpu.dma_semaphore, #tpu.memory_space<semaphore_mem>> -> memref<1x!tpu.dma_semaphore, #tpu.memory_space<semaphore_mem>>
      %dma_wait3A_645 = tpu.memref_squeeze %dma_wait3A_644 : memref<1x!tpu.dma_semaphore, #tpu.memory_space<semaphore_mem>> -> memref<!tpu.dma_semaphore, #tpu.memory_space<semaphore_mem>>
      tpu.wait_indirect_dma semaphore(%dma_wait3A_645 : memref<!tpu.dma_semaphore, #tpu.memory_space<semaphore_mem>>) src(%dma_wait3A_643 : memref<10000x128xf32, #tpu.memory_space<hbm>>) dst(%dma_wait3A_637 : memref<80x128xf32, #tpu.memory_space<vmem>>)
      %ge3A = arith.constant 2 : i32
      %ge3A_646 = arith.cmpi sge, %scan3A_592, %ge3A : i32
      %convert_element_type3A = arith.extui %ge3A_646 : i1 to i32
      %cond3A = arith.constant 0 : i32
      %cond3A_647 = arith.cmpi ne, %convert_element_type3A, %cond3A : i32
      scf.if %cond3A_647 {
        %sub3A = arith.constant 2 : i32
        %sub3A_722 = arith.subi %scan3A_592, %sub3A : i32
        %jit3A_723 = arith.constant 4 : i32
        %eq3A_724 = arith.constant 0 : i32
        %eq3A_725 = arith.cmpi eq, %jit3A_723, %eq3A_724 : i32
        %jit3A_726 = arith.constant 1 : i32
        %select_n3A_727 = arith.select %eq3A_725, %jit3A_726, %jit3A_723 : i32
        %rem3A_728 = arith.remsi %sub3A_722, %select_n3A_727 : i32
        %ne3A_729 = arith.constant 0 : i32
        %ne3A_730 = arith.cmpi ne, %rem3A_728, %ne3A_729 : i32
        %lt3A_731 = arith.constant 0 : i32
        %lt3A_732 = arith.cmpi slt, %rem3A_728, %lt3A_731 : i32
        %lt3A_733 = arith.constant 0 : i32
        %lt3A_734 = arith.cmpi slt, %select_n3A_727, %lt3A_733 : i32
        %ne3A_735 = arith.xori %lt3A_732, %lt3A_734 : i1
        %and3A_736 = arith.andi %ne3A_735, %ne3A_730 : i1
        %add3A_737 = arith.addi %rem3A_728, %select_n3A_727 : i32
        %select_n3A_738 = arith.select %and3A_736, %add3A_737, %rem3A_728 : i32
        %jit3A_739 = arith.constant 8 : i32
        %eq3A_740 = arith.constant 0 : i32
        %eq3A_741 = arith.cmpi eq, %jit3A_739, %eq3A_740 : i32
        %jit3A_742 = arith.constant 1 : i32
        %select_n3A_743 = arith.select %eq3A_741, %jit3A_742, %jit3A_739 : i32
        %rem3A_744 = arith.remsi %sub3A_722, %select_n3A_743 : i32
        %ne3A_745 = arith.constant 0 : i32
        %ne3A_746 = arith.cmpi ne, %rem3A_744, %ne3A_745 : i32
        %lt3A_747 = arith.constant 0 : i32
        %lt3A_748 = arith.cmpi slt, %rem3A_744, %lt3A_747 : i32
        %lt3A_749 = arith.constant 0 : i32
        %lt3A_750 = arith.cmpi slt, %select_n3A_743, %lt3A_749 : i32
        %ne3A_751 = arith.xori %lt3A_748, %lt3A_750 : i1
        %and3A_752 = arith.andi %ne3A_751, %ne3A_746 : i1
        %add3A_753 = arith.addi %rem3A_744, %select_n3A_743 : i32
        %select_n3A_754 = arith.select %and3A_752, %add3A_753, %rem3A_744 : i32
        %jit3A_755 = arith.constant 4 : i32
        %eq3A_756 = arith.constant 0 : i32
        %eq3A_757 = arith.cmpi eq, %jit3A_755, %eq3A_756 : i32
        %jit3A_758 = arith.constant 1 : i32
        %select_n3A_759 = arith.select %eq3A_757, %jit3A_758, %jit3A_755 : i32
        %rem3A_760 = arith.remsi %sub3A_722, %select_n3A_759 : i32
        %ne3A_761 = arith.constant 0 : i32
        %ne3A_762 = arith.cmpi ne, %rem3A_760, %ne3A_761 : i32
        %lt3A_763 = arith.constant 0 : i32
        %lt3A_764 = arith.cmpi slt, %rem3A_760, %lt3A_763 : i32
        %lt3A_765 = arith.constant 0 : i32
        %lt3A_766 = arith.cmpi slt, %select_n3A_759, %lt3A_765 : i32
        %ne3A_767 = arith.xori %lt3A_764, %lt3A_766 : i1
        %and3A_768 = arith.andi %ne3A_767, %ne3A_762 : i1
        %add3A_769 = arith.addi %rem3A_760, %select_n3A_759 : i32
        %select_n3A_770 = arith.select %and3A_768, %add3A_769, %rem3A_760 : i32
        %dma_wait3A_771 = arith.constant 0 : i32
        %dma_wait3A_772 = arith.constant 0 : i32
        %dma_wait3A_773 = tpu.memref_slice %arg11[%select_n3A_738, %dma_wait3A_771, %dma_wait3A_772] : memref<4x80x128xf32, #tpu.memory_space<vmem>> -> memref<1x80x128xf32, #tpu.memory_space<vmem>>
        %dma_wait3A_774 = tpu.memref_squeeze %dma_wait3A_773 : memref<1x80x128xf32, #tpu.memory_space<vmem>> -> memref<80x128xf32, #tpu.memory_space<vmem>>
        %dma_wait3A_775 = arith.constant 0 : i32
        %dma_wait3A_776 = tpu.memref_slice %arg10[%select_n3A_754, %dma_wait3A_775] : memref<8x80xi32, #tpu.memory_space<vmem>> -> memref<1x80xi32, #tpu.memory_space<vmem>>
        %dma_wait3A_777 = tpu.memref_squeeze %dma_wait3A_776 : memref<1x80xi32, #tpu.memory_space<vmem>> -> memref<80xi32, #tpu.memory_space<vmem>>
        %dma_wait3A_778 = arith.constant 0 : i32
        %dma_wait3A_779 = arith.constant 0 : i32
        %dma_wait3A_780 = tpu.memref_slice %arg13[%dma_wait3A_778, %dma_wait3A_779] : memref<10240x128xf32, #tpu.memory_space<vmem_shared>> -> memref<10240x128xf32, #tpu.memory_space<vmem_shared>>
        %dma_wait3A_781 = tpu.memref_slice %arg16[%select_n3A_770] : memref<4x!tpu.dma_semaphore, #tpu.memory_space<semaphore_mem>> -> memref<1x!tpu.dma_semaphore, #tpu.memory_space<semaphore_mem>>
        %dma_wait3A_782 = tpu.memref_squeeze %dma_wait3A_781 : memref<1x!tpu.dma_semaphore, #tpu.memory_space<semaphore_mem>> -> memref<!tpu.dma_semaphore, #tpu.memory_space<semaphore_mem>>
        tpu.wait_indirect_dma semaphore(%dma_wait3A_782 : memref<!tpu.dma_semaphore, #tpu.memory_space<semaphore_mem>>) src(%dma_wait3A_774 : memref<80x128xf32, #tpu.memory_space<vmem>>) dst(%dma_wait3A_780 : memref<10240x128xf32, #tpu.memory_space<vmem_shared>>)
      } else {
      }
      %add3A_648 = arith.constant 2 : i32
      %add3A_649 = arith.addi %scan3A_592, %add3A_648 : i32
      %lt3A_650 = arith.constant 100 : i32
      %lt3A_651 = arith.cmpi slt, %add3A_649, %lt3A_650 : i32
      %convert_element_type3A_652 = arith.extui %lt3A_651 : i1 to i32
      %cond3A_653 = arith.constant 0 : i32
      %cond3A_654 = arith.cmpi ne, %convert_element_type3A_652, %cond3A_653 : i32
      scf.if %cond3A_654 {
        %add3A_722 = arith.constant 2 : i32
        %add3A_723 = arith.addi %scan3A_592, %add3A_722 : i32
        %add3A_724 = arith.addi %mul3A_46, %add3A_723 : i32
        %mul3A_725 = arith.constant 80 : i32
        %mul3A_726 = arith.muli %add3A_724, %mul3A_725 : i32
        %jit3A_727 = arith.constant 8 : i32
        %eq3A_728 = arith.constant 0 : i32
        %eq3A_729 = arith.cmpi eq, %jit3A_727, %eq3A_728 : i32
        %jit3A_730 = arith.constant 1 : i32
        %select_n3A_731 = arith.select %eq3A_729, %jit3A_730, %jit3A_727 : i32
        %rem3A_732 = arith.remsi %add3A_723, %select_n3A_731 : i32
        %ne3A_733 = arith.constant 0 : i32
        %ne3A_734 = arith.cmpi ne, %rem3A_732, %ne3A_733 : i32
        %lt3A_735 = arith.constant 0 : i32
        %lt3A_736 = arith.cmpi slt, %rem3A_732, %lt3A_735 : i32
        %lt3A_737 = arith.constant 0 : i32
        %lt3A_738 = arith.cmpi slt, %select_n3A_731, %lt3A_737 : i32
        %ne3A_739 = arith.xori %lt3A_736, %lt3A_738 : i1
        %and3A_740 = arith.andi %ne3A_739, %ne3A_734 : i1
        %add3A_741 = arith.addi %rem3A_732, %select_n3A_731 : i32
        %select_n3A_742 = arith.select %and3A_740, %add3A_741, %rem3A_732 : i32
        %dma_wait3A_743 = arith.constant 0 : i32
        %dma_wait3A_744 = tpu.memref_slice %arg9[%select_n3A_742, %dma_wait3A_743] : memref<8x80xi32, #tpu.memory_space<vmem>> -> memref<1x80xi32, #tpu.memory_space<vmem>>
        %dma_wait3A_745 = tpu.memref_squeeze %dma_wait3A_744 : memref<1x80xi32, #tpu.memory_space<vmem>> -> memref<80xi32, #tpu.memory_space<vmem>>
        %dma_wait3A_746 = tpu.memref_slice %arg2[%mul3A_726] : memref<256000xi32, #tpu.memory_space<hbm>> -> memref<80xi32, #tpu.memory_space<hbm>>
        %dma_wait3A_747 = tpu.memref_slice %arg14[%select_n3A_742] : memref<8x!tpu.dma_semaphore, #tpu.memory_space<semaphore_mem>> -> memref<1x!tpu.dma_semaphore, #tpu.memory_space<semaphore_mem>>
        %dma_wait3A_748 = tpu.memref_squeeze %dma_wait3A_747 : memref<1x!tpu.dma_semaphore, #tpu.memory_space<semaphore_mem>> -> memref<!tpu.dma_semaphore, #tpu.memory_space<semaphore_mem>>
        %dma_wait3A_749 = arith.constant 0 : i32
        %dma_wait3A_750 = tpu.memref_slice %arg9[%select_n3A_742, %dma_wait3A_749] : memref<8x80xi32, #tpu.memory_space<vmem>> -> memref<1x80xi32, #tpu.memory_space<vmem>>
        %dma_wait3A_751 = tpu.memref_squeeze %dma_wait3A_750 : memref<1x80xi32, #tpu.memory_space<vmem>> -> memref<80xi32, #tpu.memory_space<vmem>>
        %dma_wait3A_752 = tpu.memref_slice %arg2[%mul3A_726] : memref<256000xi32, #tpu.memory_space<hbm>> -> memref<80xi32, #tpu.memory_space<hbm>>
        tpu.wait_dma2 semaphore(%dma_wait3A_748 : memref<!tpu.dma_semaphore, #tpu.memory_space<semaphore_mem>>) src(%dma_wait3A_752 : memref<80xi32, #tpu.memory_space<hbm>>) dst(%dma_wait3A_751 : memref<80xi32, #tpu.memory_space<vmem>>)
        %dma_wait3A_753 = arith.constant 0 : i32
        %dma_wait3A_754 = tpu.memref_slice %arg10[%select_n3A_742, %dma_wait3A_753] : memref<8x80xi32, #tpu.memory_space<vmem>> -> memref<1x80xi32, #tpu.memory_space<vmem>>
        %dma_wait3A_755 = tpu.memref_squeeze %dma_wait3A_754 : memref<1x80xi32, #tpu.memory_space<vmem>> -> memref<80xi32, #tpu.memory_space<vmem>>
        %dma_wait3A_756 = tpu.memref_slice %arg3[%mul3A_726] : memref<256000xi32, #tpu.memory_space<hbm>> -> memref<80xi32, #tpu.memory_space<hbm>>
        %dma_wait3A_757 = tpu.memref_slice %arg14[%select_n3A_742] : memref<8x!tpu.dma_semaphore, #tpu.memory_space<semaphore_mem>> -> memref<1x!tpu.dma_semaphore, #tpu.memory_space<semaphore_mem>>
        %dma_wait3A_758 = tpu.memref_squeeze %dma_wait3A_757 : memref<1x!tpu.dma_semaphore, #tpu.memory_space<semaphore_mem>> -> memref<!tpu.dma_semaphore, #tpu.memory_space<semaphore_mem>>
        %dma_wait3A_759 = arith.constant 0 : i32
        %dma_wait3A_760 = tpu.memref_slice %arg10[%select_n3A_742, %dma_wait3A_759] : memref<8x80xi32, #tpu.memory_space<vmem>> -> memref<1x80xi32, #tpu.memory_space<vmem>>
        %dma_wait3A_761 = tpu.memref_squeeze %dma_wait3A_760 : memref<1x80xi32, #tpu.memory_space<vmem>> -> memref<80xi32, #tpu.memory_space<vmem>>
        %dma_wait3A_762 = tpu.memref_slice %arg3[%mul3A_726] : memref<256000xi32, #tpu.memory_space<hbm>> -> memref<80xi32, #tpu.memory_space<hbm>>
        tpu.wait_dma2 semaphore(%dma_wait3A_758 : memref<!tpu.dma_semaphore, #tpu.memory_space<semaphore_mem>>) src(%dma_wait3A_762 : memref<80xi32, #tpu.memory_space<hbm>>) dst(%dma_wait3A_761 : memref<80xi32, #tpu.memory_space<vmem>>)
        %add3A_763 = arith.constant 2 : i32
        %add3A_764 = arith.addi %scan3A_592, %add3A_763 : i32
        %jit3A_765 = arith.constant 8 : i32
        %eq3A_766 = arith.constant 0 : i32
        %eq3A_767 = arith.cmpi eq, %jit3A_765, %eq3A_766 : i32
        %jit3A_768 = arith.constant 1 : i32
        %select_n3A_769 = arith.select %eq3A_767, %jit3A_768, %jit3A_765 : i32
        %rem3A_770 = arith.remsi %add3A_764, %select_n3A_769 : i32
        %ne3A_771 = arith.constant 0 : i32
        %ne3A_772 = arith.cmpi ne, %rem3A_770, %ne3A_771 : i32
        %lt3A_773 = arith.constant 0 : i32
        %lt3A_774 = arith.cmpi slt, %rem3A_770, %lt3A_773 : i32
        %lt3A_775 = arith.constant 0 : i32
        %lt3A_776 = arith.cmpi slt, %select_n3A_769, %lt3A_775 : i32
        %ne3A_777 = arith.xori %lt3A_774, %lt3A_776 : i1
        %and3A_778 = arith.andi %ne3A_777, %ne3A_772 : i1
        %add3A_779 = arith.addi %rem3A_770, %select_n3A_769 : i32
        %select_n3A_780 = arith.select %and3A_778, %add3A_779, %rem3A_770 : i32
        %jit3A_781 = arith.constant 4 : i32
        %eq3A_782 = arith.constant 0 : i32
        %eq3A_783 = arith.cmpi eq, %jit3A_781, %eq3A_782 : i32
        %jit3A_784 = arith.constant 1 : i32
        %select_n3A_785 = arith.select %eq3A_783, %jit3A_784, %jit3A_781 : i32
        %rem3A_786 = arith.remsi %add3A_764, %select_n3A_785 : i32
        %ne3A_787 = arith.constant 0 : i32
        %ne3A_788 = arith.cmpi ne, %rem3A_786, %ne3A_787 : i32
        %lt3A_789 = arith.constant 0 : i32
        %lt3A_790 = arith.cmpi slt, %rem3A_786, %lt3A_789 : i32
        %lt3A_791 = arith.constant 0 : i32
        %lt3A_792 = arith.cmpi slt, %select_n3A_785, %lt3A_791 : i32
        %ne3A_793 = arith.xori %lt3A_790, %lt3A_792 : i1
        %and3A_794 = arith.andi %ne3A_793, %ne3A_788 : i1
        %add3A_795 = arith.addi %rem3A_786, %select_n3A_785 : i32
        %select_n3A_796 = arith.select %and3A_794, %add3A_795, %rem3A_786 : i32
        %jit3A_797 = arith.constant 4 : i32
        %eq3A_798 = arith.constant 0 : i32
        %eq3A_799 = arith.cmpi eq, %jit3A_797, %eq3A_798 : i32
        %jit3A_800 = arith.constant 1 : i32
        %select_n3A_801 = arith.select %eq3A_799, %jit3A_800, %jit3A_797 : i32
        %rem3A_802 = arith.remsi %add3A_764, %select_n3A_801 : i32
        %ne3A_803 = arith.constant 0 : i32
        %ne3A_804 = arith.cmpi ne, %rem3A_802, %ne3A_803 : i32
        %lt3A_805 = arith.constant 0 : i32
        %lt3A_806 = arith.cmpi slt, %rem3A_802, %lt3A_805 : i32
        %lt3A_807 = arith.constant 0 : i32
        %lt3A_808 = arith.cmpi slt, %select_n3A_801, %lt3A_807 : i32
        %ne3A_809 = arith.xori %lt3A_806, %lt3A_808 : i1
        %and3A_810 = arith.andi %ne3A_809, %ne3A_804 : i1
        %add3A_811 = arith.addi %rem3A_802, %select_n3A_801 : i32
        %select_n3A_812 = arith.select %and3A_810, %add3A_811, %rem3A_802 : i32
        %dma_start3A_813 = arith.constant 0 : i32
        %dma_start3A_814 = arith.constant 0 : i32
        %dma_start3A_815 = tpu.memref_slice %arg11[%select_n3A_796, %dma_start3A_813, %dma_start3A_814] : memref<4x80x128xf32, #tpu.memory_space<vmem>> -> memref<1x80x128xf32, #tpu.memory_space<vmem>>
        %dma_start3A_816 = tpu.memref_squeeze %dma_start3A_815 : memref<1x80x128xf32, #tpu.memory_space<vmem>> -> memref<80x128xf32, #tpu.memory_space<vmem>>
        %dma_start3A_817 = arith.constant 0 : i32
        %dma_start3A_818 = tpu.memref_slice %arg9[%select_n3A_780, %dma_start3A_817] : memref<8x80xi32, #tpu.memory_space<vmem>> -> memref<1x80xi32, #tpu.memory_space<vmem>>
        %dma_start3A_819 = tpu.memref_squeeze %dma_start3A_818 : memref<1x80xi32, #tpu.memory_space<vmem>> -> memref<80xi32, #tpu.memory_space<vmem>>
        %dma_start3A_820 = arith.constant 0 : i32
        %dma_start3A_821 = arith.constant 0 : i32
        %dma_start3A_822 = tpu.memref_slice %arg7[%dma_start3A_820, %dma_start3A_821] : memref<10000x128xf32, #tpu.memory_space<hbm>> -> memref<10000x128xf32, #tpu.memory_space<hbm>>
        %dma_start3A_823 = tpu.memref_slice %arg15[%select_n3A_812] : memref<4x!tpu.dma_semaphore, #tpu.memory_space<semaphore_mem>> -> memref<1x!tpu.dma_semaphore, #tpu.memory_space<semaphore_mem>>
        %dma_start3A_824 = tpu.memref_squeeze %dma_start3A_823 : memref<1x!tpu.dma_semaphore, #tpu.memory_space<semaphore_mem>> -> memref<!tpu.dma_semaphore, #tpu.memory_space<semaphore_mem>>
        tpu.enqueue_indirect_dma source(%dma_start3A_822 : memref<10000x128xf32, #tpu.memory_space<hbm>>) target(%dma_start3A_816 : memref<80x128xf32, #tpu.memory_space<vmem>>) offsets(%dma_start3A_819 : memref<80xi32, #tpu.memory_space<vmem>>) semaphore(%dma_start3A_824 : memref<!tpu.dma_semaphore, #tpu.memory_space<semaphore_mem>>)
      } else {
      }
      %add3A_655 = arith.constant 4 : i32
      %add3A_656 = arith.addi %scan3A_592, %add3A_655 : i32
      %lt3A_657 = arith.constant 100 : i32
      %lt3A_658 = arith.cmpi slt, %add3A_656, %lt3A_657 : i32
      %convert_element_type3A_659 = arith.extui %lt3A_658 : i1 to i32
      %cond3A_660 = arith.constant 0 : i32
      %cond3A_661 = arith.cmpi ne, %convert_element_type3A_659, %cond3A_660 : i32
      scf.if %cond3A_661 {
        %add3A_722 = arith.constant 4 : i32
        %add3A_723 = arith.addi %scan3A_592, %add3A_722 : i32
        %add3A_724 = arith.addi %mul3A_46, %add3A_723 : i32
        %mul3A_725 = arith.constant 80 : i32
        %mul3A_726 = arith.muli %add3A_724, %mul3A_725 : i32
        %jit3A_727 = arith.constant 8 : i32
        %eq3A_728 = arith.constant 0 : i32
        %eq3A_729 = arith.cmpi eq, %jit3A_727, %eq3A_728 : i32
        %jit3A_730 = arith.constant 1 : i32
        %select_n3A_731 = arith.select %eq3A_729, %jit3A_730, %jit3A_727 : i32
        %rem3A_732 = arith.remsi %add3A_723, %select_n3A_731 : i32
        %ne3A_733 = arith.constant 0 : i32
        %ne3A_734 = arith.cmpi ne, %rem3A_732, %ne3A_733 : i32
        %lt3A_735 = arith.constant 0 : i32
        %lt3A_736 = arith.cmpi slt, %rem3A_732, %lt3A_735 : i32
        %lt3A_737 = arith.constant 0 : i32
        %lt3A_738 = arith.cmpi slt, %select_n3A_731, %lt3A_737 : i32
        %ne3A_739 = arith.xori %lt3A_736, %lt3A_738 : i1
        %and3A_740 = arith.andi %ne3A_739, %ne3A_734 : i1
        %add3A_741 = arith.addi %rem3A_732, %select_n3A_731 : i32
        %select_n3A_742 = arith.select %and3A_740, %add3A_741, %rem3A_732 : i32
        %dma_start3A_743 = arith.constant 0 : i32
        %dma_start3A_744 = tpu.memref_slice %arg9[%select_n3A_742, %dma_start3A_743] : memref<8x80xi32, #tpu.memory_space<vmem>> -> memref<1x80xi32, #tpu.memory_space<vmem>>
        %dma_start3A_745 = tpu.memref_squeeze %dma_start3A_744 : memref<1x80xi32, #tpu.memory_space<vmem>> -> memref<80xi32, #tpu.memory_space<vmem>>
        %dma_start3A_746 = tpu.memref_slice %arg2[%mul3A_726] : memref<256000xi32, #tpu.memory_space<hbm>> -> memref<80xi32, #tpu.memory_space<hbm>>
        %dma_start3A_747 = tpu.memref_slice %arg14[%select_n3A_742] : memref<8x!tpu.dma_semaphore, #tpu.memory_space<semaphore_mem>> -> memref<1x!tpu.dma_semaphore, #tpu.memory_space<semaphore_mem>>
        %dma_start3A_748 = tpu.memref_squeeze %dma_start3A_747 : memref<1x!tpu.dma_semaphore, #tpu.memory_space<semaphore_mem>> -> memref<!tpu.dma_semaphore, #tpu.memory_space<semaphore_mem>>
        %dma_start3A_749 = arith.constant 0 : i32
        %dma_start3A_750 = tpu.memref_slice %arg9[%select_n3A_742, %dma_start3A_749] : memref<8x80xi32, #tpu.memory_space<vmem>> -> memref<1x80xi32, #tpu.memory_space<vmem>>
        %dma_start3A_751 = tpu.memref_squeeze %dma_start3A_750 : memref<1x80xi32, #tpu.memory_space<vmem>> -> memref<80xi32, #tpu.memory_space<vmem>>
        %dma_start3A_752 = tpu.memref_slice %arg2[%mul3A_726] : memref<256000xi32, #tpu.memory_space<hbm>> -> memref<80xi32, #tpu.memory_space<hbm>>
        tpu.enqueue_dma source(%dma_start3A_752 : memref<80xi32, #tpu.memory_space<hbm>>) target(%dma_start3A_751 : memref<80xi32, #tpu.memory_space<vmem>>) target_semaphore(%dma_start3A_748 : memref<!tpu.dma_semaphore, #tpu.memory_space<semaphore_mem>>)
        %dma_start3A_753 = arith.constant 0 : i32
        %dma_start3A_754 = tpu.memref_slice %arg10[%select_n3A_742, %dma_start3A_753] : memref<8x80xi32, #tpu.memory_space<vmem>> -> memref<1x80xi32, #tpu.memory_space<vmem>>
        %dma_start3A_755 = tpu.memref_squeeze %dma_start3A_754 : memref<1x80xi32, #tpu.memory_space<vmem>> -> memref<80xi32, #tpu.memory_space<vmem>>
        %dma_start3A_756 = tpu.memref_slice %arg3[%mul3A_726] : memref<256000xi32, #tpu.memory_space<hbm>> -> memref<80xi32, #tpu.memory_space<hbm>>
        %dma_start3A_757 = tpu.memref_slice %arg14[%select_n3A_742] : memref<8x!tpu.dma_semaphore, #tpu.memory_space<semaphore_mem>> -> memref<1x!tpu.dma_semaphore, #tpu.memory_space<semaphore_mem>>
        %dma_start3A_758 = tpu.memref_squeeze %dma_start3A_757 : memref<1x!tpu.dma_semaphore, #tpu.memory_space<semaphore_mem>> -> memref<!tpu.dma_semaphore, #tpu.memory_space<semaphore_mem>>
        %dma_start3A_759 = arith.constant 0 : i32
        %dma_start3A_760 = tpu.memref_slice %arg10[%select_n3A_742, %dma_start3A_759] : memref<8x80xi32, #tpu.memory_space<vmem>> -> memref<1x80xi32, #tpu.memory_space<vmem>>
        %dma_start3A_761 = tpu.memref_squeeze %dma_start3A_760 : memref<1x80xi32, #tpu.memory_space<vmem>> -> memref<80xi32, #tpu.memory_space<vmem>>
        %dma_start3A_762 = tpu.memref_slice %arg3[%mul3A_726] : memref<256000xi32, #tpu.memory_space<hbm>> -> memref<80xi32, #tpu.memory_space<hbm>>
        tpu.enqueue_dma source(%dma_start3A_762 : memref<80xi32, #tpu.memory_space<hbm>>) target(%dma_start3A_761 : memref<80xi32, #tpu.memory_space<vmem>>) target_semaphore(%dma_start3A_758 : memref<!tpu.dma_semaphore, #tpu.memory_space<semaphore_mem>>)
      } else {
      }
      %jit3A_662 = arith.constant 4 : i32
      %eq3A_663 = arith.constant 0 : i32
      %eq3A_664 = arith.cmpi eq, %jit3A_662, %eq3A_663 : i32
      %jit3A_665 = arith.constant 1 : i32
      %select_n3A_666 = arith.select %eq3A_664, %jit3A_665, %jit3A_662 : i32
      %rem3A_667 = arith.remsi %scan3A_592, %select_n3A_666 : i32
      %ne3A_668 = arith.constant 0 : i32
      %ne3A_669 = arith.cmpi ne, %rem3A_667, %ne3A_668 : i32
      %lt3A_670 = arith.constant 0 : i32
      %lt3A_671 = arith.cmpi slt, %rem3A_667, %lt3A_670 : i32
      %lt3A_672 = arith.constant 0 : i32
      %lt3A_673 = arith.cmpi slt, %select_n3A_666, %lt3A_672 : i32
      %ne3A_674 = arith.xori %lt3A_671, %lt3A_673 : i1
      %and3A_675 = arith.andi %ne3A_674, %ne3A_669 : i1
      %add3A_676 = arith.addi %rem3A_667, %select_n3A_666 : i32
      %select_n3A_677 = arith.select %and3A_675, %add3A_676, %rem3A_667 : i32
      %jit3A_678 = arith.constant 8 : i32
      %eq3A_679 = arith.constant 0 : i32
      %eq3A_680 = arith.cmpi eq, %jit3A_678, %eq3A_679 : i32
      %jit3A_681 = arith.constant 1 : i32
      %select_n3A_682 = arith.select %eq3A_680, %jit3A_681, %jit3A_678 : i32
      %rem3A_683 = arith.remsi %scan3A_592, %select_n3A_682 : i32
      %ne3A_684 = arith.constant 0 : i32
      %ne3A_685 = arith.cmpi ne, %rem3A_683, %ne3A_684 : i32
      %lt3A_686 = arith.constant 0 : i32
      %lt3A_687 = arith.cmpi slt, %rem3A_683, %lt3A_686 : i32
      %lt3A_688 = arith.constant 0 : i32
      %lt3A_689 = arith.cmpi slt, %select_n3A_682, %lt3A_688 : i32
      %ne3A_690 = arith.xori %lt3A_687, %lt3A_689 : i1
      %and3A_691 = arith.andi %ne3A_690, %ne3A_685 : i1
      %add3A_692 = arith.addi %rem3A_683, %select_n3A_682 : i32
      %select_n3A_693 = arith.select %and3A_691, %add3A_692, %rem3A_683 : i32
      %jit3A_694 = arith.constant 4 : i32
      %eq3A_695 = arith.constant 0 : i32
      %eq3A_696 = arith.cmpi eq, %jit3A_694, %eq3A_695 : i32
      %jit3A_697 = arith.constant 1 : i32
      %select_n3A_698 = arith.select %eq3A_696, %jit3A_697, %jit3A_694 : i32
      %rem3A_699 = arith.remsi %scan3A_592, %select_n3A_698 : i32
      %ne3A_700 = arith.constant 0 : i32
      %ne3A_701 = arith.cmpi ne, %rem3A_699, %ne3A_700 : i32
      %lt3A_702 = arith.constant 0 : i32
      %lt3A_703 = arith.cmpi slt, %rem3A_699, %lt3A_702 : i32
      %lt3A_704 = arith.constant 0 : i32
      %lt3A_705 = arith.cmpi slt, %select_n3A_698, %lt3A_704 : i32
      %ne3A_706 = arith.xori %lt3A_703, %lt3A_705 : i1
      %and3A_707 = arith.andi %ne3A_706, %ne3A_701 : i1
      %add3A_708 = arith.addi %rem3A_699, %select_n3A_698 : i32
      %select_n3A_709 = arith.select %and3A_707, %add3A_708, %rem3A_699 : i32
      %dma_start3A_710 = arith.constant 0 : i32
      %dma_start3A_711 = arith.constant 0 : i32
      %dma_start3A_712 = tpu.memref_slice %arg11[%select_n3A_677, %dma_start3A_710, %dma_start3A_711] : memref<4x80x128xf32, #tpu.memory_space<vmem>> -> memref<1x80x128xf32, #tpu.memory_space<vmem>>
      %dma_start3A_713 = tpu.memref_squeeze %dma_start3A_712 : memref<1x80x128xf32, #tpu.memory_space<vmem>> -> memref<80x128xf32, #tpu.memory_space<vmem>>
      %dma_start3A_714 = arith.constant 0 : i32
      %dma_start3A_715 = tpu.memref_slice %arg10[%select_n3A_693, %dma_start3A_714] : memref<8x80xi32, #tpu.memory_space<vmem>> -> memref<1x80xi32, #tpu.memory_space<vmem>>
      %dma_start3A_716 = tpu.memref_squeeze %dma_start3A_715 : memref<1x80xi32, #tpu.memory_space<vmem>> -> memref<80xi32, #tpu.memory_space<vmem>>
      %dma_start3A_717 = arith.constant 0 : i32
      %dma_start3A_718 = arith.constant 0 : i32
      %dma_start3A_719 = tpu.memref_slice %arg13[%dma_start3A_717, %dma_start3A_718] : memref<10240x128xf32, #tpu.memory_space<vmem_shared>> -> memref<10240x128xf32, #tpu.memory_space<vmem_shared>>
      %dma_start3A_720 = tpu.memref_slice %arg16[%select_n3A_709] : memref<4x!tpu.dma_semaphore, #tpu.memory_space<semaphore_mem>> -> memref<1x!tpu.dma_semaphore, #tpu.memory_space<semaphore_mem>>
      %dma_start3A_721 = tpu.memref_squeeze %dma_start3A_720 : memref<1x!tpu.dma_semaphore, #tpu.memory_space<semaphore_mem>> -> memref<!tpu.dma_semaphore, #tpu.memory_space<semaphore_mem>>
      tpu.enqueue_indirect_dma source(%dma_start3A_713 : memref<80x128xf32, #tpu.memory_space<vmem>>) target(%dma_start3A_719 : memref<10240x128xf32, #tpu.memory_space<vmem_shared>>) offsets(%dma_start3A_716 : memref<80xi32, #tpu.memory_space<vmem>>) semaphore(%dma_start3A_721 : memref<!tpu.dma_semaphore, #tpu.memory_space<semaphore_mem>>) {add = true}
    }
    %scan3A_248 = arith.constant 100 : i32
    %dma_wait3A_249 = arith.constant 2 : i32
    %dma_wait3A_250 = arith.constant 2 : i32
    %dma_wait3A_251 = arith.constant 2 : i32
    %dma_wait3A_252 = arith.constant 0 : i32
    %dma_wait3A_253 = arith.constant 0 : i32
    %dma_wait3A_254 = tpu.memref_slice %arg11[%dma_wait3A_249, %dma_wait3A_252, %dma_wait3A_253] : memref<4x80x128xf32, #tpu.memory_space<vmem>> -> memref<1x80x128xf32, #tpu.memory_space<vmem>>
    %dma_wait3A_255 = tpu.memref_squeeze %dma_wait3A_254 : memref<1x80x128xf32, #tpu.memory_space<vmem>> -> memref<80x128xf32, #tpu.memory_space<vmem>>
    %dma_wait3A_256 = arith.constant 0 : i32
    %dma_wait3A_257 = tpu.memref_slice %arg10[%dma_wait3A_250, %dma_wait3A_256] : memref<8x80xi32, #tpu.memory_space<vmem>> -> memref<1x80xi32, #tpu.memory_space<vmem>>
    %dma_wait3A_258 = tpu.memref_squeeze %dma_wait3A_257 : memref<1x80xi32, #tpu.memory_space<vmem>> -> memref<80xi32, #tpu.memory_space<vmem>>
    %dma_wait3A_259 = arith.constant 0 : i32
    %dma_wait3A_260 = arith.constant 0 : i32
    %dma_wait3A_261 = tpu.memref_slice %arg13[%dma_wait3A_259, %dma_wait3A_260] : memref<10240x128xf32, #tpu.memory_space<vmem_shared>> -> memref<10240x128xf32, #tpu.memory_space<vmem_shared>>
    %dma_wait3A_262 = tpu.memref_slice %arg16[%dma_wait3A_251] : memref<4x!tpu.dma_semaphore, #tpu.memory_space<semaphore_mem>> -> memref<1x!tpu.dma_semaphore, #tpu.memory_space<semaphore_mem>>
    %dma_wait3A_263 = tpu.memref_squeeze %dma_wait3A_262 : memref<1x!tpu.dma_semaphore, #tpu.memory_space<semaphore_mem>> -> memref<!tpu.dma_semaphore, #tpu.memory_space<semaphore_mem>>
    tpu.wait_indirect_dma semaphore(%dma_wait3A_263 : memref<!tpu.dma_semaphore, #tpu.memory_space<semaphore_mem>>) src(%dma_wait3A_255 : memref<80x128xf32, #tpu.memory_space<vmem>>) dst(%dma_wait3A_261 : memref<10240x128xf32, #tpu.memory_space<vmem_shared>>)
    %dma_wait3A_264 = arith.constant 3 : i32
    %dma_wait3A_265 = arith.constant 3 : i32
    %dma_wait3A_266 = arith.constant 3 : i32
    %dma_wait3A_267 = arith.constant 0 : i32
    %dma_wait3A_268 = arith.constant 0 : i32
    %dma_wait3A_269 = tpu.memref_slice %arg11[%dma_wait3A_264, %dma_wait3A_267, %dma_wait3A_268] : memref<4x80x128xf32, #tpu.memory_space<vmem>> -> memref<1x80x128xf32, #tpu.memory_space<vmem>>
    %dma_wait3A_270 = tpu.memref_squeeze %dma_wait3A_269 : memref<1x80x128xf32, #tpu.memory_space<vmem>> -> memref<80x128xf32, #tpu.memory_space<vmem>>
    %dma_wait3A_271 = arith.constant 0 : i32
    %dma_wait3A_272 = tpu.memref_slice %arg10[%dma_wait3A_265, %dma_wait3A_271] : memref<8x80xi32, #tpu.memory_space<vmem>> -> memref<1x80xi32, #tpu.memory_space<vmem>>
    %dma_wait3A_273 = tpu.memref_squeeze %dma_wait3A_272 : memref<1x80xi32, #tpu.memory_space<vmem>> -> memref<80xi32, #tpu.memory_space<vmem>>
    %dma_wait3A_274 = arith.constant 0 : i32
    %dma_wait3A_275 = arith.constant 0 : i32
    %dma_wait3A_276 = tpu.memref_slice %arg13[%dma_wait3A_274, %dma_wait3A_275] : memref<10240x128xf32, #tpu.memory_space<vmem_shared>> -> memref<10240x128xf32, #tpu.memory_space<vmem_shared>>
    %dma_wait3A_277 = tpu.memref_slice %arg16[%dma_wait3A_266] : memref<4x!tpu.dma_semaphore, #tpu.memory_space<semaphore_mem>> -> memref<1x!tpu.dma_semaphore, #tpu.memory_space<semaphore_mem>>
    %dma_wait3A_278 = tpu.memref_squeeze %dma_wait3A_277 : memref<1x!tpu.dma_semaphore, #tpu.memory_space<semaphore_mem>> -> memref<!tpu.dma_semaphore, #tpu.memory_space<semaphore_mem>>
    tpu.wait_indirect_dma semaphore(%dma_wait3A_278 : memref<!tpu.dma_semaphore, #tpu.memory_space<semaphore_mem>>) src(%dma_wait3A_270 : memref<80x128xf32, #tpu.memory_space<vmem>>) dst(%dma_wait3A_276 : memref<10240x128xf32, #tpu.memory_space<vmem_shared>>)
    %mul3A_279 = arith.constant 25 : i32
    %mul3A_280 = arith.muli %add3A, %mul3A_279 : i32
    %add3A_281 = arith.constant 0 : i32
    %add3A_282 = arith.addi %mul3A_280, %add3A_281 : i32
    %mul3A_283 = arith.constant 80 : i32
    %mul3A_284 = arith.muli %add3A_282, %mul3A_283 : i32
    %dma_start3A_285 = arith.constant 0 : i32
    %dma_start3A_286 = arith.constant 0 : i32
    %dma_start3A_287 = arith.constant 0 : i32
    %dma_start3A_288 = tpu.memref_slice %arg9[%dma_start3A_285, %dma_start3A_287] : memref<8x80xi32, #tpu.memory_space<vmem>> -> memref<1x80xi32, #tpu.memory_space<vmem>>
    %dma_start3A_289 = tpu.memref_squeeze %dma_start3A_288 : memref<1x80xi32, #tpu.memory_space<vmem>> -> memref<80xi32, #tpu.memory_space<vmem>>
    %dma_start3A_290 = tpu.memref_slice %arg4[%mul3A_284] : memref<64000xi32, #tpu.memory_space<hbm>> -> memref<80xi32, #tpu.memory_space<hbm>>
    %dma_start3A_291 = tpu.memref_slice %arg14[%dma_start3A_286] : memref<8x!tpu.dma_semaphore, #tpu.memory_space<semaphore_mem>> -> memref<1x!tpu.dma_semaphore, #tpu.memory_space<semaphore_mem>>
    %dma_start3A_292 = tpu.memref_squeeze %dma_start3A_291 : memref<1x!tpu.dma_semaphore, #tpu.memory_space<semaphore_mem>> -> memref<!tpu.dma_semaphore, #tpu.memory_space<semaphore_mem>>
    %dma_start3A_293 = arith.constant 0 : i32
    %dma_start3A_294 = tpu.memref_slice %arg9[%dma_start3A_285, %dma_start3A_293] : memref<8x80xi32, #tpu.memory_space<vmem>> -> memref<1x80xi32, #tpu.memory_space<vmem>>
    %dma_start3A_295 = tpu.memref_squeeze %dma_start3A_294 : memref<1x80xi32, #tpu.memory_space<vmem>> -> memref<80xi32, #tpu.memory_space<vmem>>
    %dma_start3A_296 = tpu.memref_slice %arg4[%mul3A_284] : memref<64000xi32, #tpu.memory_space<hbm>> -> memref<80xi32, #tpu.memory_space<hbm>>
    tpu.enqueue_dma source(%dma_start3A_296 : memref<80xi32, #tpu.memory_space<hbm>>) target(%dma_start3A_295 : memref<80xi32, #tpu.memory_space<vmem>>) target_semaphore(%dma_start3A_292 : memref<!tpu.dma_semaphore, #tpu.memory_space<semaphore_mem>>)
    %dma_start3A_297 = arith.constant 0 : i32
    %dma_start3A_298 = arith.constant 0 : i32
    %dma_start3A_299 = arith.constant 0 : i32
    %dma_start3A_300 = tpu.memref_slice %arg10[%dma_start3A_297, %dma_start3A_299] : memref<8x80xi32, #tpu.memory_space<vmem>> -> memref<1x80xi32, #tpu.memory_space<vmem>>
    %dma_start3A_301 = tpu.memref_squeeze %dma_start3A_300 : memref<1x80xi32, #tpu.memory_space<vmem>> -> memref<80xi32, #tpu.memory_space<vmem>>
    %dma_start3A_302 = tpu.memref_slice %arg5[%mul3A_284] : memref<64000xi32, #tpu.memory_space<hbm>> -> memref<80xi32, #tpu.memory_space<hbm>>
    %dma_start3A_303 = tpu.memref_slice %arg14[%dma_start3A_298] : memref<8x!tpu.dma_semaphore, #tpu.memory_space<semaphore_mem>> -> memref<1x!tpu.dma_semaphore, #tpu.memory_space<semaphore_mem>>
    %dma_start3A_304 = tpu.memref_squeeze %dma_start3A_303 : memref<1x!tpu.dma_semaphore, #tpu.memory_space<semaphore_mem>> -> memref<!tpu.dma_semaphore, #tpu.memory_space<semaphore_mem>>
    %dma_start3A_305 = arith.constant 0 : i32
    %dma_start3A_306 = tpu.memref_slice %arg10[%dma_start3A_297, %dma_start3A_305] : memref<8x80xi32, #tpu.memory_space<vmem>> -> memref<1x80xi32, #tpu.memory_space<vmem>>
    %dma_start3A_307 = tpu.memref_squeeze %dma_start3A_306 : memref<1x80xi32, #tpu.memory_space<vmem>> -> memref<80xi32, #tpu.memory_space<vmem>>
    %dma_start3A_308 = tpu.memref_slice %arg5[%mul3A_284] : memref<64000xi32, #tpu.memory_space<hbm>> -> memref<80xi32, #tpu.memory_space<hbm>>
    tpu.enqueue_dma source(%dma_start3A_308 : memref<80xi32, #tpu.memory_space<hbm>>) target(%dma_start3A_307 : memref<80xi32, #tpu.memory_space<vmem>>) target_semaphore(%dma_start3A_304 : memref<!tpu.dma_semaphore, #tpu.memory_space<semaphore_mem>>)
    %dma_start3A_309 = arith.constant 0 : i32
    %dma_start3A_310 = arith.constant 0 : i32
    %dma_start3A_311 = arith.constant 0 : i32
    %dma_start3A_312 = tpu.memref_slice %arg12[%dma_start3A_309, %dma_start3A_311] : memref<8x80xf32, #tpu.memory_space<vmem>> -> memref<1x80xf32, #tpu.memory_space<vmem>>
    %dma_start3A_313 = tpu.memref_squeeze %dma_start3A_312 : memref<1x80xf32, #tpu.memory_space<vmem>> -> memref<80xf32, #tpu.memory_space<vmem>>
    %dma_start3A_314 = tpu.memref_slice %arg6[%mul3A_284] : memref<64000xf32, #tpu.memory_space<hbm>> -> memref<80xf32, #tpu.memory_space<hbm>>
    %dma_start3A_315 = tpu.memref_slice %arg14[%dma_start3A_310] : memref<8x!tpu.dma_semaphore, #tpu.memory_space<semaphore_mem>> -> memref<1x!tpu.dma_semaphore, #tpu.memory_space<semaphore_mem>>
    %dma_start3A_316 = tpu.memref_squeeze %dma_start3A_315 : memref<1x!tpu.dma_semaphore, #tpu.memory_space<semaphore_mem>> -> memref<!tpu.dma_semaphore, #tpu.memory_space<semaphore_mem>>
    %dma_start3A_317 = arith.constant 0 : i32
    %dma_start3A_318 = tpu.memref_slice %arg12[%dma_start3A_309, %dma_start3A_317] : memref<8x80xf32, #tpu.memory_space<vmem>> -> memref<1x80xf32, #tpu.memory_space<vmem>>
    %dma_start3A_319 = tpu.memref_squeeze %dma_start3A_318 : memref<1x80xf32, #tpu.memory_space<vmem>> -> memref<80xf32, #tpu.memory_space<vmem>>
    %dma_start3A_320 = tpu.memref_slice %arg6[%mul3A_284] : memref<64000xf32, #tpu.memory_space<hbm>> -> memref<80xf32, #tpu.memory_space<hbm>>
    tpu.enqueue_dma source(%dma_start3A_320 : memref<80xf32, #tpu.memory_space<hbm>>) target(%dma_start3A_319 : memref<80xf32, #tpu.memory_space<vmem>>) target_semaphore(%dma_start3A_316 : memref<!tpu.dma_semaphore, #tpu.memory_space<semaphore_mem>>)
    %add3A_321 = arith.constant 1 : i32
    %add3A_322 = arith.addi %mul3A_280, %add3A_321 : i32
    %mul3A_323 = arith.constant 80 : i32
    %mul3A_324 = arith.muli %add3A_322, %mul3A_323 : i32
    %dma_start3A_325 = arith.constant 1 : i32
    %dma_start3A_326 = arith.constant 1 : i32
    %dma_start3A_327 = arith.constant 0 : i32
    %dma_start3A_328 = tpu.memref_slice %arg9[%dma_start3A_325, %dma_start3A_327] : memref<8x80xi32, #tpu.memory_space<vmem>> -> memref<1x80xi32, #tpu.memory_space<vmem>>
    %dma_start3A_329 = tpu.memref_squeeze %dma_start3A_328 : memref<1x80xi32, #tpu.memory_space<vmem>> -> memref<80xi32, #tpu.memory_space<vmem>>
    %dma_start3A_330 = tpu.memref_slice %arg4[%mul3A_324] : memref<64000xi32, #tpu.memory_space<hbm>> -> memref<80xi32, #tpu.memory_space<hbm>>
    %dma_start3A_331 = tpu.memref_slice %arg14[%dma_start3A_326] : memref<8x!tpu.dma_semaphore, #tpu.memory_space<semaphore_mem>> -> memref<1x!tpu.dma_semaphore, #tpu.memory_space<semaphore_mem>>
    %dma_start3A_332 = tpu.memref_squeeze %dma_start3A_331 : memref<1x!tpu.dma_semaphore, #tpu.memory_space<semaphore_mem>> -> memref<!tpu.dma_semaphore, #tpu.memory_space<semaphore_mem>>
    %dma_start3A_333 = arith.constant 0 : i32
    %dma_start3A_334 = tpu.memref_slice %arg9[%dma_start3A_325, %dma_start3A_333] : memref<8x80xi32, #tpu.memory_space<vmem>> -> memref<1x80xi32, #tpu.memory_space<vmem>>
    %dma_start3A_335 = tpu.memref_squeeze %dma_start3A_334 : memref<1x80xi32, #tpu.memory_space<vmem>> -> memref<80xi32, #tpu.memory_space<vmem>>
    %dma_start3A_336 = tpu.memref_slice %arg4[%mul3A_324] : memref<64000xi32, #tpu.memory_space<hbm>> -> memref<80xi32, #tpu.memory_space<hbm>>
    tpu.enqueue_dma source(%dma_start3A_336 : memref<80xi32, #tpu.memory_space<hbm>>) target(%dma_start3A_335 : memref<80xi32, #tpu.memory_space<vmem>>) target_semaphore(%dma_start3A_332 : memref<!tpu.dma_semaphore, #tpu.memory_space<semaphore_mem>>)
    %dma_start3A_337 = arith.constant 1 : i32
    %dma_start3A_338 = arith.constant 1 : i32
    %dma_start3A_339 = arith.constant 0 : i32
    %dma_start3A_340 = tpu.memref_slice %arg10[%dma_start3A_337, %dma_start3A_339] : memref<8x80xi32, #tpu.memory_space<vmem>> -> memref<1x80xi32, #tpu.memory_space<vmem>>
    %dma_start3A_341 = tpu.memref_squeeze %dma_start3A_340 : memref<1x80xi32, #tpu.memory_space<vmem>> -> memref<80xi32, #tpu.memory_space<vmem>>
    %dma_start3A_342 = tpu.memref_slice %arg5[%mul3A_324] : memref<64000xi32, #tpu.memory_space<hbm>> -> memref<80xi32, #tpu.memory_space<hbm>>
    %dma_start3A_343 = tpu.memref_slice %arg14[%dma_start3A_338] : memref<8x!tpu.dma_semaphore, #tpu.memory_space<semaphore_mem>> -> memref<1x!tpu.dma_semaphore, #tpu.memory_space<semaphore_mem>>
    %dma_start3A_344 = tpu.memref_squeeze %dma_start3A_343 : memref<1x!tpu.dma_semaphore, #tpu.memory_space<semaphore_mem>> -> memref<!tpu.dma_semaphore, #tpu.memory_space<semaphore_mem>>
    %dma_start3A_345 = arith.constant 0 : i32
    %dma_start3A_346 = tpu.memref_slice %arg10[%dma_start3A_337, %dma_start3A_345] : memref<8x80xi32, #tpu.memory_space<vmem>> -> memref<1x80xi32, #tpu.memory_space<vmem>>
    %dma_start3A_347 = tpu.memref_squeeze %dma_start3A_346 : memref<1x80xi32, #tpu.memory_space<vmem>> -> memref<80xi32, #tpu.memory_space<vmem>>
    %dma_start3A_348 = tpu.memref_slice %arg5[%mul3A_324] : memref<64000xi32, #tpu.memory_space<hbm>> -> memref<80xi32, #tpu.memory_space<hbm>>
    tpu.enqueue_dma source(%dma_start3A_348 : memref<80xi32, #tpu.memory_space<hbm>>) target(%dma_start3A_347 : memref<80xi32, #tpu.memory_space<vmem>>) target_semaphore(%dma_start3A_344 : memref<!tpu.dma_semaphore, #tpu.memory_space<semaphore_mem>>)
    %dma_start3A_349 = arith.constant 1 : i32
    %dma_start3A_350 = arith.constant 1 : i32
    %dma_start3A_351 = arith.constant 0 : i32
    %dma_start3A_352 = tpu.memref_slice %arg12[%dma_start3A_349, %dma_start3A_351] : memref<8x80xf32, #tpu.memory_space<vmem>> -> memref<1x80xf32, #tpu.memory_space<vmem>>
    %dma_start3A_353 = tpu.memref_squeeze %dma_start3A_352 : memref<1x80xf32, #tpu.memory_space<vmem>> -> memref<80xf32, #tpu.memory_space<vmem>>
    %dma_start3A_354 = tpu.memref_slice %arg6[%mul3A_324] : memref<64000xf32, #tpu.memory_space<hbm>> -> memref<80xf32, #tpu.memory_space<hbm>>
    %dma_start3A_355 = tpu.memref_slice %arg14[%dma_start3A_350] : memref<8x!tpu.dma_semaphore, #tpu.memory_space<semaphore_mem>> -> memref<1x!tpu.dma_semaphore, #tpu.memory_space<semaphore_mem>>
    %dma_start3A_356 = tpu.memref_squeeze %dma_start3A_355 : memref<1x!tpu.dma_semaphore, #tpu.memory_space<semaphore_mem>> -> memref<!tpu.dma_semaphore, #tpu.memory_space<semaphore_mem>>
    %dma_start3A_357 = arith.constant 0 : i32
    %dma_start3A_358 = tpu.memref_slice %arg12[%dma_start3A_349, %dma_start3A_357] : memref<8x80xf32, #tpu.memory_space<vmem>> -> memref<1x80xf32, #tpu.memory_space<vmem>>
    %dma_start3A_359 = tpu.memref_squeeze %dma_start3A_358 : memref<1x80xf32, #tpu.memory_space<vmem>> -> memref<80xf32, #tpu.memory_space<vmem>>
    %dma_start3A_360 = tpu.memref_slice %arg6[%mul3A_324] : memref<64000xf32, #tpu.memory_space<hbm>> -> memref<80xf32, #tpu.memory_space<hbm>>
    tpu.enqueue_dma source(%dma_start3A_360 : memref<80xf32, #tpu.memory_space<hbm>>) target(%dma_start3A_359 : memref<80xf32, #tpu.memory_space<vmem>>) target_semaphore(%dma_start3A_356 : memref<!tpu.dma_semaphore, #tpu.memory_space<semaphore_mem>>)
    %add3A_361 = arith.constant 2 : i32
    %add3A_362 = arith.addi %mul3A_280, %add3A_361 : i32
    %mul3A_363 = arith.constant 80 : i32
    %mul3A_364 = arith.muli %add3A_362, %mul3A_363 : i32
    %dma_start3A_365 = arith.constant 2 : i32
    %dma_start3A_366 = arith.constant 2 : i32
    %dma_start3A_367 = arith.constant 0 : i32
    %dma_start3A_368 = tpu.memref_slice %arg9[%dma_start3A_365, %dma_start3A_367] : memref<8x80xi32, #tpu.memory_space<vmem>> -> memref<1x80xi32, #tpu.memory_space<vmem>>
    %dma_start3A_369 = tpu.memref_squeeze %dma_start3A_368 : memref<1x80xi32, #tpu.memory_space<vmem>> -> memref<80xi32, #tpu.memory_space<vmem>>
    %dma_start3A_370 = tpu.memref_slice %arg4[%mul3A_364] : memref<64000xi32, #tpu.memory_space<hbm>> -> memref<80xi32, #tpu.memory_space<hbm>>
    %dma_start3A_371 = tpu.memref_slice %arg14[%dma_start3A_366] : memref<8x!tpu.dma_semaphore, #tpu.memory_space<semaphore_mem>> -> memref<1x!tpu.dma_semaphore, #tpu.memory_space<semaphore_mem>>
    %dma_start3A_372 = tpu.memref_squeeze %dma_start3A_371 : memref<1x!tpu.dma_semaphore, #tpu.memory_space<semaphore_mem>> -> memref<!tpu.dma_semaphore, #tpu.memory_space<semaphore_mem>>
    %dma_start3A_373 = arith.constant 0 : i32
    %dma_start3A_374 = tpu.memref_slice %arg9[%dma_start3A_365, %dma_start3A_373] : memref<8x80xi32, #tpu.memory_space<vmem>> -> memref<1x80xi32, #tpu.memory_space<vmem>>
    %dma_start3A_375 = tpu.memref_squeeze %dma_start3A_374 : memref<1x80xi32, #tpu.memory_space<vmem>> -> memref<80xi32, #tpu.memory_space<vmem>>
    %dma_start3A_376 = tpu.memref_slice %arg4[%mul3A_364] : memref<64000xi32, #tpu.memory_space<hbm>> -> memref<80xi32, #tpu.memory_space<hbm>>
    tpu.enqueue_dma source(%dma_start3A_376 : memref<80xi32, #tpu.memory_space<hbm>>) target(%dma_start3A_375 : memref<80xi32, #tpu.memory_space<vmem>>) target_semaphore(%dma_start3A_372 : memref<!tpu.dma_semaphore, #tpu.memory_space<semaphore_mem>>)
    %dma_start3A_377 = arith.constant 2 : i32
    %dma_start3A_378 = arith.constant 2 : i32
    %dma_start3A_379 = arith.constant 0 : i32
    %dma_start3A_380 = tpu.memref_slice %arg10[%dma_start3A_377, %dma_start3A_379] : memref<8x80xi32, #tpu.memory_space<vmem>> -> memref<1x80xi32, #tpu.memory_space<vmem>>
    %dma_start3A_381 = tpu.memref_squeeze %dma_start3A_380 : memref<1x80xi32, #tpu.memory_space<vmem>> -> memref<80xi32, #tpu.memory_space<vmem>>
    %dma_start3A_382 = tpu.memref_slice %arg5[%mul3A_364] : memref<64000xi32, #tpu.memory_space<hbm>> -> memref<80xi32, #tpu.memory_space<hbm>>
    %dma_start3A_383 = tpu.memref_slice %arg14[%dma_start3A_378] : memref<8x!tpu.dma_semaphore, #tpu.memory_space<semaphore_mem>> -> memref<1x!tpu.dma_semaphore, #tpu.memory_space<semaphore_mem>>
    %dma_start3A_384 = tpu.memref_squeeze %dma_start3A_383 : memref<1x!tpu.dma_semaphore, #tpu.memory_space<semaphore_mem>> -> memref<!tpu.dma_semaphore, #tpu.memory_space<semaphore_mem>>
    %dma_start3A_385 = arith.constant 0 : i32
    %dma_start3A_386 = tpu.memref_slice %arg10[%dma_start3A_377, %dma_start3A_385] : memref<8x80xi32, #tpu.memory_space<vmem>> -> memref<1x80xi32, #tpu.memory_space<vmem>>
    %dma_start3A_387 = tpu.memref_squeeze %dma_start3A_386 : memref<1x80xi32, #tpu.memory_space<vmem>> -> memref<80xi32, #tpu.memory_space<vmem>>
    %dma_start3A_388 = tpu.memref_slice %arg5[%mul3A_364] : memref<64000xi32, #tpu.memory_space<hbm>> -> memref<80xi32, #tpu.memory_space<hbm>>
    tpu.enqueue_dma source(%dma_start3A_388 : memref<80xi32, #tpu.memory_space<hbm>>) target(%dma_start3A_387 : memref<80xi32, #tpu.memory_space<vmem>>) target_semaphore(%dma_start3A_384 : memref<!tpu.dma_semaphore, #tpu.memory_space<semaphore_mem>>)
    %dma_start3A_389 = arith.constant 2 : i32
    %dma_start3A_390 = arith.constant 2 : i32
    %dma_start3A_391 = arith.constant 0 : i32
    %dma_start3A_392 = tpu.memref_slice %arg12[%dma_start3A_389, %dma_start3A_391] : memref<8x80xf32, #tpu.memory_space<vmem>> -> memref<1x80xf32, #tpu.memory_space<vmem>>
    %dma_start3A_393 = tpu.memref_squeeze %dma_start3A_392 : memref<1x80xf32, #tpu.memory_space<vmem>> -> memref<80xf32, #tpu.memory_space<vmem>>
    %dma_start3A_394 = tpu.memref_slice %arg6[%mul3A_364] : memref<64000xf32, #tpu.memory_space<hbm>> -> memref<80xf32, #tpu.memory_space<hbm>>
    %dma_start3A_395 = tpu.memref_slice %arg14[%dma_start3A_390] : memref<8x!tpu.dma_semaphore, #tpu.memory_space<semaphore_mem>> -> memref<1x!tpu.dma_semaphore, #tpu.memory_space<semaphore_mem>>
    %dma_start3A_396 = tpu.memref_squeeze %dma_start3A_395 : memref<1x!tpu.dma_semaphore, #tpu.memory_space<semaphore_mem>> -> memref<!tpu.dma_semaphore, #tpu.memory_space<semaphore_mem>>
    %dma_start3A_397 = arith.constant 0 : i32
    %dma_start3A_398 = tpu.memref_slice %arg12[%dma_start3A_389, %dma_start3A_397] : memref<8x80xf32, #tpu.memory_space<vmem>> -> memref<1x80xf32, #tpu.memory_space<vmem>>
    %dma_start3A_399 = tpu.memref_squeeze %dma_start3A_398 : memref<1x80xf32, #tpu.memory_space<vmem>> -> memref<80xf32, #tpu.memory_space<vmem>>
    %dma_start3A_400 = tpu.memref_slice %arg6[%mul3A_364] : memref<64000xf32, #tpu.memory_space<hbm>> -> memref<80xf32, #tpu.memory_space<hbm>>
    tpu.enqueue_dma source(%dma_start3A_400 : memref<80xf32, #tpu.memory_space<hbm>>) target(%dma_start3A_399 : memref<80xf32, #tpu.memory_space<vmem>>) target_semaphore(%dma_start3A_396 : memref<!tpu.dma_semaphore, #tpu.memory_space<semaphore_mem>>)
    %add3A_401 = arith.constant 3 : i32
    %add3A_402 = arith.addi %mul3A_280, %add3A_401 : i32
    %mul3A_403 = arith.constant 80 : i32
    %mul3A_404 = arith.muli %add3A_402, %mul3A_403 : i32
    %dma_start3A_405 = arith.constant 3 : i32
    %dma_start3A_406 = arith.constant 3 : i32
    %dma_start3A_407 = arith.constant 0 : i32
    %dma_start3A_408 = tpu.memref_slice %arg9[%dma_start3A_405, %dma_start3A_407] : memref<8x80xi32, #tpu.memory_space<vmem>> -> memref<1x80xi32, #tpu.memory_space<vmem>>
    %dma_start3A_409 = tpu.memref_squeeze %dma_start3A_408 : memref<1x80xi32, #tpu.memory_space<vmem>> -> memref<80xi32, #tpu.memory_space<vmem>>
    %dma_start3A_410 = tpu.memref_slice %arg4[%mul3A_404] : memref<64000xi32, #tpu.memory_space<hbm>> -> memref<80xi32, #tpu.memory_space<hbm>>
    %dma_start3A_411 = tpu.memref_slice %arg14[%dma_start3A_406] : memref<8x!tpu.dma_semaphore, #tpu.memory_space<semaphore_mem>> -> memref<1x!tpu.dma_semaphore, #tpu.memory_space<semaphore_mem>>
    %dma_start3A_412 = tpu.memref_squeeze %dma_start3A_411 : memref<1x!tpu.dma_semaphore, #tpu.memory_space<semaphore_mem>> -> memref<!tpu.dma_semaphore, #tpu.memory_space<semaphore_mem>>
    %dma_start3A_413 = arith.constant 0 : i32
    %dma_start3A_414 = tpu.memref_slice %arg9[%dma_start3A_405, %dma_start3A_413] : memref<8x80xi32, #tpu.memory_space<vmem>> -> memref<1x80xi32, #tpu.memory_space<vmem>>
    %dma_start3A_415 = tpu.memref_squeeze %dma_start3A_414 : memref<1x80xi32, #tpu.memory_space<vmem>> -> memref<80xi32, #tpu.memory_space<vmem>>
    %dma_start3A_416 = tpu.memref_slice %arg4[%mul3A_404] : memref<64000xi32, #tpu.memory_space<hbm>> -> memref<80xi32, #tpu.memory_space<hbm>>
    tpu.enqueue_dma source(%dma_start3A_416 : memref<80xi32, #tpu.memory_space<hbm>>) target(%dma_start3A_415 : memref<80xi32, #tpu.memory_space<vmem>>) target_semaphore(%dma_start3A_412 : memref<!tpu.dma_semaphore, #tpu.memory_space<semaphore_mem>>)
    %dma_start3A_417 = arith.constant 3 : i32
    %dma_start3A_418 = arith.constant 3 : i32
    %dma_start3A_419 = arith.constant 0 : i32
    %dma_start3A_420 = tpu.memref_slice %arg10[%dma_start3A_417, %dma_start3A_419] : memref<8x80xi32, #tpu.memory_space<vmem>> -> memref<1x80xi32, #tpu.memory_space<vmem>>
    %dma_start3A_421 = tpu.memref_squeeze %dma_start3A_420 : memref<1x80xi32, #tpu.memory_space<vmem>> -> memref<80xi32, #tpu.memory_space<vmem>>
    %dma_start3A_422 = tpu.memref_slice %arg5[%mul3A_404] : memref<64000xi32, #tpu.memory_space<hbm>> -> memref<80xi32, #tpu.memory_space<hbm>>
    %dma_start3A_423 = tpu.memref_slice %arg14[%dma_start3A_418] : memref<8x!tpu.dma_semaphore, #tpu.memory_space<semaphore_mem>> -> memref<1x!tpu.dma_semaphore, #tpu.memory_space<semaphore_mem>>
    %dma_start3A_424 = tpu.memref_squeeze %dma_start3A_423 : memref<1x!tpu.dma_semaphore, #tpu.memory_space<semaphore_mem>> -> memref<!tpu.dma_semaphore, #tpu.memory_space<semaphore_mem>>
    %dma_start3A_425 = arith.constant 0 : i32
    %dma_start3A_426 = tpu.memref_slice %arg10[%dma_start3A_417, %dma_start3A_425] : memref<8x80xi32, #tpu.memory_space<vmem>> -> memref<1x80xi32, #tpu.memory_space<vmem>>
    %dma_start3A_427 = tpu.memref_squeeze %dma_start3A_426 : memref<1x80xi32, #tpu.memory_space<vmem>> -> memref<80xi32, #tpu.memory_space<vmem>>
    %dma_start3A_428 = tpu.memref_slice %arg5[%mul3A_404] : memref<64000xi32, #tpu.memory_space<hbm>> -> memref<80xi32, #tpu.memory_space<hbm>>
    tpu.enqueue_dma source(%dma_start3A_428 : memref<80xi32, #tpu.memory_space<hbm>>) target(%dma_start3A_427 : memref<80xi32, #tpu.memory_space<vmem>>) target_semaphore(%dma_start3A_424 : memref<!tpu.dma_semaphore, #tpu.memory_space<semaphore_mem>>)
    %dma_start3A_429 = arith.constant 3 : i32
    %dma_start3A_430 = arith.constant 3 : i32
    %dma_start3A_431 = arith.constant 0 : i32
    %dma_start3A_432 = tpu.memref_slice %arg12[%dma_start3A_429, %dma_start3A_431] : memref<8x80xf32, #tpu.memory_space<vmem>> -> memref<1x80xf32, #tpu.memory_space<vmem>>
    %dma_start3A_433 = tpu.memref_squeeze %dma_start3A_432 : memref<1x80xf32, #tpu.memory_space<vmem>> -> memref<80xf32, #tpu.memory_space<vmem>>
    %dma_start3A_434 = tpu.memref_slice %arg6[%mul3A_404] : memref<64000xf32, #tpu.memory_space<hbm>> -> memref<80xf32, #tpu.memory_space<hbm>>
    %dma_start3A_435 = tpu.memref_slice %arg14[%dma_start3A_430] : memref<8x!tpu.dma_semaphore, #tpu.memory_space<semaphore_mem>> -> memref<1x!tpu.dma_semaphore, #tpu.memory_space<semaphore_mem>>
    %dma_start3A_436 = tpu.memref_squeeze %dma_start3A_435 : memref<1x!tpu.dma_semaphore, #tpu.memory_space<semaphore_mem>> -> memref<!tpu.dma_semaphore, #tpu.memory_space<semaphore_mem>>
    %dma_start3A_437 = arith.constant 0 : i32
    %dma_start3A_438 = tpu.memref_slice %arg12[%dma_start3A_429, %dma_start3A_437] : memref<8x80xf32, #tpu.memory_space<vmem>> -> memref<1x80xf32, #tpu.memory_space<vmem>>
    %dma_start3A_439 = tpu.memref_squeeze %dma_start3A_438 : memref<1x80xf32, #tpu.memory_space<vmem>> -> memref<80xf32, #tpu.memory_space<vmem>>
    %dma_start3A_440 = tpu.memref_slice %arg6[%mul3A_404] : memref<64000xf32, #tpu.memory_space<hbm>> -> memref<80xf32, #tpu.memory_space<hbm>>
    tpu.enqueue_dma source(%dma_start3A_440 : memref<80xf32, #tpu.memory_space<hbm>>) target(%dma_start3A_439 : memref<80xf32, #tpu.memory_space<vmem>>) target_semaphore(%dma_start3A_436 : memref<!tpu.dma_semaphore, #tpu.memory_space<semaphore_mem>>)
    %add3A_441 = arith.constant 0 : i32
    %add3A_442 = arith.addi %mul3A_280, %add3A_441 : i32
    %mul3A_443 = arith.constant 80 : i32
    %mul3A_444 = arith.muli %add3A_442, %mul3A_443 : i32
    %dma_wait3A_445 = arith.constant 0 : i32
    %dma_wait3A_446 = arith.constant 0 : i32
    %dma_wait3A_447 = arith.constant 0 : i32
    %dma_wait3A_448 = tpu.memref_slice %arg9[%dma_wait3A_445, %dma_wait3A_447] : memref<8x80xi32, #tpu.memory_space<vmem>> -> memref<1x80xi32, #tpu.memory_space<vmem>>
    %dma_wait3A_449 = tpu.memref_squeeze %dma_wait3A_448 : memref<1x80xi32, #tpu.memory_space<vmem>> -> memref<80xi32, #tpu.memory_space<vmem>>
    %dma_wait3A_450 = tpu.memref_slice %arg4[%mul3A_444] : memref<64000xi32, #tpu.memory_space<hbm>> -> memref<80xi32, #tpu.memory_space<hbm>>
    %dma_wait3A_451 = tpu.memref_slice %arg14[%dma_wait3A_446] : memref<8x!tpu.dma_semaphore, #tpu.memory_space<semaphore_mem>> -> memref<1x!tpu.dma_semaphore, #tpu.memory_space<semaphore_mem>>
    %dma_wait3A_452 = tpu.memref_squeeze %dma_wait3A_451 : memref<1x!tpu.dma_semaphore, #tpu.memory_space<semaphore_mem>> -> memref<!tpu.dma_semaphore, #tpu.memory_space<semaphore_mem>>
    %dma_wait3A_453 = arith.constant 0 : i32
    %dma_wait3A_454 = tpu.memref_slice %arg9[%dma_wait3A_445, %dma_wait3A_453] : memref<8x80xi32, #tpu.memory_space<vmem>> -> memref<1x80xi32, #tpu.memory_space<vmem>>
    %dma_wait3A_455 = tpu.memref_squeeze %dma_wait3A_454 : memref<1x80xi32, #tpu.memory_space<vmem>> -> memref<80xi32, #tpu.memory_space<vmem>>
    %dma_wait3A_456 = tpu.memref_slice %arg4[%mul3A_444] : memref<64000xi32, #tpu.memory_space<hbm>> -> memref<80xi32, #tpu.memory_space<hbm>>
    tpu.wait_dma2 semaphore(%dma_wait3A_452 : memref<!tpu.dma_semaphore, #tpu.memory_space<semaphore_mem>>) src(%dma_wait3A_456 : memref<80xi32, #tpu.memory_space<hbm>>) dst(%dma_wait3A_455 : memref<80xi32, #tpu.memory_space<vmem>>)
    %dma_wait3A_457 = arith.constant 0 : i32
    %dma_wait3A_458 = arith.constant 0 : i32
    %dma_wait3A_459 = arith.constant 0 : i32
    %dma_wait3A_460 = tpu.memref_slice %arg10[%dma_wait3A_457, %dma_wait3A_459] : memref<8x80xi32, #tpu.memory_space<vmem>> -> memref<1x80xi32, #tpu.memory_space<vmem>>
    %dma_wait3A_461 = tpu.memref_squeeze %dma_wait3A_460 : memref<1x80xi32, #tpu.memory_space<vmem>> -> memref<80xi32, #tpu.memory_space<vmem>>
    %dma_wait3A_462 = tpu.memref_slice %arg5[%mul3A_444] : memref<64000xi32, #tpu.memory_space<hbm>> -> memref<80xi32, #tpu.memory_space<hbm>>
    %dma_wait3A_463 = tpu.memref_slice %arg14[%dma_wait3A_458] : memref<8x!tpu.dma_semaphore, #tpu.memory_space<semaphore_mem>> -> memref<1x!tpu.dma_semaphore, #tpu.memory_space<semaphore_mem>>
    %dma_wait3A_464 = tpu.memref_squeeze %dma_wait3A_463 : memref<1x!tpu.dma_semaphore, #tpu.memory_space<semaphore_mem>> -> memref<!tpu.dma_semaphore, #tpu.memory_space<semaphore_mem>>
    %dma_wait3A_465 = arith.constant 0 : i32
    %dma_wait3A_466 = tpu.memref_slice %arg10[%dma_wait3A_457, %dma_wait3A_465] : memref<8x80xi32, #tpu.memory_space<vmem>> -> memref<1x80xi32, #tpu.memory_space<vmem>>
    %dma_wait3A_467 = tpu.memref_squeeze %dma_wait3A_466 : memref<1x80xi32, #tpu.memory_space<vmem>> -> memref<80xi32, #tpu.memory_space<vmem>>
    %dma_wait3A_468 = tpu.memref_slice %arg5[%mul3A_444] : memref<64000xi32, #tpu.memory_space<hbm>> -> memref<80xi32, #tpu.memory_space<hbm>>
    tpu.wait_dma2 semaphore(%dma_wait3A_464 : memref<!tpu.dma_semaphore, #tpu.memory_space<semaphore_mem>>) src(%dma_wait3A_468 : memref<80xi32, #tpu.memory_space<hbm>>) dst(%dma_wait3A_467 : memref<80xi32, #tpu.memory_space<vmem>>)
    %dma_wait3A_469 = arith.constant 0 : i32
    %dma_wait3A_470 = arith.constant 0 : i32
    %dma_wait3A_471 = arith.constant 0 : i32
    %dma_wait3A_472 = tpu.memref_slice %arg12[%dma_wait3A_469, %dma_wait3A_471] : memref<8x80xf32, #tpu.memory_space<vmem>> -> memref<1x80xf32, #tpu.memory_space<vmem>>
    %dma_wait3A_473 = tpu.memref_squeeze %dma_wait3A_472 : memref<1x80xf32, #tpu.memory_space<vmem>> -> memref<80xf32, #tpu.memory_space<vmem>>
    %dma_wait3A_474 = tpu.memref_slice %arg6[%mul3A_444] : memref<64000xf32, #tpu.memory_space<hbm>> -> memref<80xf32, #tpu.memory_space<hbm>>
    %dma_wait3A_475 = tpu.memref_slice %arg14[%dma_wait3A_470] : memref<8x!tpu.dma_semaphore, #tpu.memory_space<semaphore_mem>> -> memref<1x!tpu.dma_semaphore, #tpu.memory_space<semaphore_mem>>
    %dma_wait3A_476 = tpu.memref_squeeze %dma_wait3A_475 : memref<1x!tpu.dma_semaphore, #tpu.memory_space<semaphore_mem>> -> memref<!tpu.dma_semaphore, #tpu.memory_space<semaphore_mem>>
    %dma_wait3A_477 = arith.constant 0 : i32
    %dma_wait3A_478 = tpu.memref_slice %arg12[%dma_wait3A_469, %dma_wait3A_477] : memref<8x80xf32, #tpu.memory_space<vmem>> -> memref<1x80xf32, #tpu.memory_space<vmem>>
    %dma_wait3A_479 = tpu.memref_squeeze %dma_wait3A_478 : memref<1x80xf32, #tpu.memory_space<vmem>> -> memref<80xf32, #tpu.memory_space<vmem>>
    %dma_wait3A_480 = tpu.memref_slice %arg6[%mul3A_444] : memref<64000xf32, #tpu.memory_space<hbm>> -> memref<80xf32, #tpu.memory_space<hbm>>
    tpu.wait_dma2 semaphore(%dma_wait3A_476 : memref<!tpu.dma_semaphore, #tpu.memory_space<semaphore_mem>>) src(%dma_wait3A_480 : memref<80xf32, #tpu.memory_space<hbm>>) dst(%dma_wait3A_479 : memref<80xf32, #tpu.memory_space<vmem>>)
    %dma_start3A_481 = arith.constant 0 : i32
    %dma_start3A_482 = arith.constant 0 : i32
    %dma_start3A_483 = arith.constant 0 : i32
    %dma_start3A_484 = arith.constant 0 : i32
    %dma_start3A_485 = arith.constant 0 : i32
    %dma_start3A_486 = tpu.memref_slice %arg11[%dma_start3A_482, %dma_start3A_484, %dma_start3A_485] : memref<4x80x128xf32, #tpu.memory_space<vmem>> -> memref<1x80x128xf32, #tpu.memory_space<vmem>>
    %dma_start3A_487 = tpu.memref_squeeze %dma_start3A_486 : memref<1x80x128xf32, #tpu.memory_space<vmem>> -> memref<80x128xf32, #tpu.memory_space<vmem>>
    %dma_start3A_488 = arith.constant 0 : i32
    %dma_start3A_489 = tpu.memref_slice %arg9[%dma_start3A_481, %dma_start3A_488] : memref<8x80xi32, #tpu.memory_space<vmem>> -> memref<1x80xi32, #tpu.memory_space<vmem>>
    %dma_start3A_490 = tpu.memref_squeeze %dma_start3A_489 : memref<1x80xi32, #tpu.memory_space<vmem>> -> memref<80xi32, #tpu.memory_space<vmem>>
    %dma_start3A_491 = arith.constant 0 : i32
    %dma_start3A_492 = arith.constant 0 : i32
    %dma_start3A_493 = tpu.memref_slice %arg7[%dma_start3A_491, %dma_start3A_492] : memref<10000x128xf32, #tpu.memory_space<hbm>> -> memref<10000x128xf32, #tpu.memory_space<hbm>>
    %dma_start3A_494 = tpu.memref_slice %arg15[%dma_start3A_483] : memref<4x!tpu.dma_semaphore, #tpu.memory_space<semaphore_mem>> -> memref<1x!tpu.dma_semaphore, #tpu.memory_space<semaphore_mem>>
    %dma_start3A_495 = tpu.memref_squeeze %dma_start3A_494 : memref<1x!tpu.dma_semaphore, #tpu.memory_space<semaphore_mem>> -> memref<!tpu.dma_semaphore, #tpu.memory_space<semaphore_mem>>
    tpu.enqueue_indirect_dma source(%dma_start3A_493 : memref<10000x128xf32, #tpu.memory_space<hbm>>) target(%dma_start3A_487 : memref<80x128xf32, #tpu.memory_space<vmem>>) offsets(%dma_start3A_490 : memref<80xi32, #tpu.memory_space<vmem>>) semaphore(%dma_start3A_495 : memref<!tpu.dma_semaphore, #tpu.memory_space<semaphore_mem>>)
    %add3A_496 = arith.constant 1 : i32
    %add3A_497 = arith.addi %mul3A_280, %add3A_496 : i32
    %mul3A_498 = arith.constant 80 : i32
    %mul3A_499 = arith.muli %add3A_497, %mul3A_498 : i32
    %dma_wait3A_500 = arith.constant 1 : i32
    %dma_wait3A_501 = arith.constant 1 : i32
    %dma_wait3A_502 = arith.constant 0 : i32
    %dma_wait3A_503 = tpu.memref_slice %arg9[%dma_wait3A_500, %dma_wait3A_502] : memref<8x80xi32, #tpu.memory_space<vmem>> -> memref<1x80xi32, #tpu.memory_space<vmem>>
    %dma_wait3A_504 = tpu.memref_squeeze %dma_wait3A_503 : memref<1x80xi32, #tpu.memory_space<vmem>> -> memref<80xi32, #tpu.memory_space<vmem>>
    %dma_wait3A_505 = tpu.memref_slice %arg4[%mul3A_499] : memref<64000xi32, #tpu.memory_space<hbm>> -> memref<80xi32, #tpu.memory_space<hbm>>
    %dma_wait3A_506 = tpu.memref_slice %arg14[%dma_wait3A_501] : memref<8x!tpu.dma_semaphore, #tpu.memory_space<semaphore_mem>> -> memref<1x!tpu.dma_semaphore, #tpu.memory_space<semaphore_mem>>
    %dma_wait3A_507 = tpu.memref_squeeze %dma_wait3A_506 : memref<1x!tpu.dma_semaphore, #tpu.memory_space<semaphore_mem>> -> memref<!tpu.dma_semaphore, #tpu.memory_space<semaphore_mem>>
    %dma_wait3A_508 = arith.constant 0 : i32
    %dma_wait3A_509 = tpu.memref_slice %arg9[%dma_wait3A_500, %dma_wait3A_508] : memref<8x80xi32, #tpu.memory_space<vmem>> -> memref<1x80xi32, #tpu.memory_space<vmem>>
    %dma_wait3A_510 = tpu.memref_squeeze %dma_wait3A_509 : memref<1x80xi32, #tpu.memory_space<vmem>> -> memref<80xi32, #tpu.memory_space<vmem>>
    %dma_wait3A_511 = tpu.memref_slice %arg4[%mul3A_499] : memref<64000xi32, #tpu.memory_space<hbm>> -> memref<80xi32, #tpu.memory_space<hbm>>
    tpu.wait_dma2 semaphore(%dma_wait3A_507 : memref<!tpu.dma_semaphore, #tpu.memory_space<semaphore_mem>>) src(%dma_wait3A_511 : memref<80xi32, #tpu.memory_space<hbm>>) dst(%dma_wait3A_510 : memref<80xi32, #tpu.memory_space<vmem>>)
    %dma_wait3A_512 = arith.constant 1 : i32
    %dma_wait3A_513 = arith.constant 1 : i32
    %dma_wait3A_514 = arith.constant 0 : i32
    %dma_wait3A_515 = tpu.memref_slice %arg10[%dma_wait3A_512, %dma_wait3A_514] : memref<8x80xi32, #tpu.memory_space<vmem>> -> memref<1x80xi32, #tpu.memory_space<vmem>>
    %dma_wait3A_516 = tpu.memref_squeeze %dma_wait3A_515 : memref<1x80xi32, #tpu.memory_space<vmem>> -> memref<80xi32, #tpu.memory_space<vmem>>
    %dma_wait3A_517 = tpu.memref_slice %arg5[%mul3A_499] : memref<64000xi32, #tpu.memory_space<hbm>> -> memref<80xi32, #tpu.memory_space<hbm>>
    %dma_wait3A_518 = tpu.memref_slice %arg14[%dma_wait3A_513] : memref<8x!tpu.dma_semaphore, #tpu.memory_space<semaphore_mem>> -> memref<1x!tpu.dma_semaphore, #tpu.memory_space<semaphore_mem>>
    %dma_wait3A_519 = tpu.memref_squeeze %dma_wait3A_518 : memref<1x!tpu.dma_semaphore, #tpu.memory_space<semaphore_mem>> -> memref<!tpu.dma_semaphore, #tpu.memory_space<semaphore_mem>>
    %dma_wait3A_520 = arith.constant 0 : i32
    %dma_wait3A_521 = tpu.memref_slice %arg10[%dma_wait3A_512, %dma_wait3A_520] : memref<8x80xi32, #tpu.memory_space<vmem>> -> memref<1x80xi32, #tpu.memory_space<vmem>>
    %dma_wait3A_522 = tpu.memref_squeeze %dma_wait3A_521 : memref<1x80xi32, #tpu.memory_space<vmem>> -> memref<80xi32, #tpu.memory_space<vmem>>
    %dma_wait3A_523 = tpu.memref_slice %arg5[%mul3A_499] : memref<64000xi32, #tpu.memory_space<hbm>> -> memref<80xi32, #tpu.memory_space<hbm>>
    tpu.wait_dma2 semaphore(%dma_wait3A_519 : memref<!tpu.dma_semaphore, #tpu.memory_space<semaphore_mem>>) src(%dma_wait3A_523 : memref<80xi32, #tpu.memory_space<hbm>>) dst(%dma_wait3A_522 : memref<80xi32, #tpu.memory_space<vmem>>)
    %dma_wait3A_524 = arith.constant 1 : i32
    %dma_wait3A_525 = arith.constant 1 : i32
    %dma_wait3A_526 = arith.constant 0 : i32
    %dma_wait3A_527 = tpu.memref_slice %arg12[%dma_wait3A_524, %dma_wait3A_526] : memref<8x80xf32, #tpu.memory_space<vmem>> -> memref<1x80xf32, #tpu.memory_space<vmem>>
    %dma_wait3A_528 = tpu.memref_squeeze %dma_wait3A_527 : memref<1x80xf32, #tpu.memory_space<vmem>> -> memref<80xf32, #tpu.memory_space<vmem>>
    %dma_wait3A_529 = tpu.memref_slice %arg6[%mul3A_499] : memref<64000xf32, #tpu.memory_space<hbm>> -> memref<80xf32, #tpu.memory_space<hbm>>
    %dma_wait3A_530 = tpu.memref_slice %arg14[%dma_wait3A_525] : memref<8x!tpu.dma_semaphore, #tpu.memory_space<semaphore_mem>> -> memref<1x!tpu.dma_semaphore, #tpu.memory_space<semaphore_mem>>
    %dma_wait3A_531 = tpu.memref_squeeze %dma_wait3A_530 : memref<1x!tpu.dma_semaphore, #tpu.memory_space<semaphore_mem>> -> memref<!tpu.dma_semaphore, #tpu.memory_space<semaphore_mem>>
    %dma_wait3A_532 = arith.constant 0 : i32
    %dma_wait3A_533 = tpu.memref_slice %arg12[%dma_wait3A_524, %dma_wait3A_532] : memref<8x80xf32, #tpu.memory_space<vmem>> -> memref<1x80xf32, #tpu.memory_space<vmem>>
    %dma_wait3A_534 = tpu.memref_squeeze %dma_wait3A_533 : memref<1x80xf32, #tpu.memory_space<vmem>> -> memref<80xf32, #tpu.memory_space<vmem>>
    %dma_wait3A_535 = tpu.memref_slice %arg6[%mul3A_499] : memref<64000xf32, #tpu.memory_space<hbm>> -> memref<80xf32, #tpu.memory_space<hbm>>
    tpu.wait_dma2 semaphore(%dma_wait3A_531 : memref<!tpu.dma_semaphore, #tpu.memory_space<semaphore_mem>>) src(%dma_wait3A_535 : memref<80xf32, #tpu.memory_space<hbm>>) dst(%dma_wait3A_534 : memref<80xf32, #tpu.memory_space<vmem>>)
    %dma_start3A_536 = arith.constant 1 : i32
    %dma_start3A_537 = arith.constant 1 : i32
    %dma_start3A_538 = arith.constant 1 : i32
    %dma_start3A_539 = arith.constant 0 : i32
    %dma_start3A_540 = arith.constant 0 : i32
    %dma_start3A_541 = tpu.memref_slice %arg11[%dma_start3A_537, %dma_start3A_539, %dma_start3A_540] : memref<4x80x128xf32, #tpu.memory_space<vmem>> -> memref<1x80x128xf32, #tpu.memory_space<vmem>>
    %dma_start3A_542 = tpu.memref_squeeze %dma_start3A_541 : memref<1x80x128xf32, #tpu.memory_space<vmem>> -> memref<80x128xf32, #tpu.memory_space<vmem>>
    %dma_start3A_543 = arith.constant 0 : i32
    %dma_start3A_544 = tpu.memref_slice %arg9[%dma_start3A_536, %dma_start3A_543] : memref<8x80xi32, #tpu.memory_space<vmem>> -> memref<1x80xi32, #tpu.memory_space<vmem>>
    %dma_start3A_545 = tpu.memref_squeeze %dma_start3A_544 : memref<1x80xi32, #tpu.memory_space<vmem>> -> memref<80xi32, #tpu.memory_space<vmem>>
    %dma_start3A_546 = arith.constant 0 : i32
    %dma_start3A_547 = arith.constant 0 : i32
    %dma_start3A_548 = tpu.memref_slice %arg7[%dma_start3A_546, %dma_start3A_547] : memref<10000x128xf32, #tpu.memory_space<hbm>> -> memref<10000x128xf32, #tpu.memory_space<hbm>>
    %dma_start3A_549 = tpu.memref_slice %arg15[%dma_start3A_538] : memref<4x!tpu.dma_semaphore, #tpu.memory_space<semaphore_mem>> -> memref<1x!tpu.dma_semaphore, #tpu.memory_space<semaphore_mem>>
    %dma_start3A_550 = tpu.memref_squeeze %dma_start3A_549 : memref<1x!tpu.dma_semaphore, #tpu.memory_space<semaphore_mem>> -> memref<!tpu.dma_semaphore, #tpu.memory_space<semaphore_mem>>
    tpu.enqueue_indirect_dma source(%dma_start3A_548 : memref<10000x128xf32, #tpu.memory_space<hbm>>) target(%dma_start3A_542 : memref<80x128xf32, #tpu.memory_space<vmem>>) offsets(%dma_start3A_545 : memref<80xi32, #tpu.memory_space<vmem>>) semaphore(%dma_start3A_550 : memref<!tpu.dma_semaphore, #tpu.memory_space<semaphore_mem>>)
    %scan3A_551 = arith.constant 0 : i32
    %scan3A_552 = arith.constant 0 : i32
    %scan3A_553 = arith.constant 25 : i32
    %scan3A_554 = arith.addi %scan3A_552, %scan3A_553 : i32
    %scan3A_555 = arith.constant 1 : i32
    scf.for %scan3A_592 = %scan3A_552 to %scan3A_554 step %scan3A_555  : i32 {
      %jit3A = arith.constant 8 : i32
      %eq3A = arith.constant 0 : i32
      %eq3A_593 = arith.cmpi eq, %jit3A, %eq3A : i32
      %jit3A_594 = arith.constant 1 : i32
      %select_n3A = arith.select %eq3A_593, %jit3A_594, %jit3A : i32
      %rem3A = arith.remsi %scan3A_592, %select_n3A : i32
      %ne3A = arith.constant 0 : i32
      %ne3A_595 = arith.cmpi ne, %rem3A, %ne3A : i32
      %lt3A = arith.constant 0 : i32
      %lt3A_596 = arith.cmpi slt, %rem3A, %lt3A : i32
      %lt3A_597 = arith.constant 0 : i32
      %lt3A_598 = arith.cmpi slt, %select_n3A, %lt3A_597 : i32
      %ne3A_599 = arith.xori %lt3A_596, %lt3A_598 : i1
      %and3A = arith.andi %ne3A_599, %ne3A_595 : i1
      %add3A_600 = arith.addi %rem3A, %select_n3A : i32
      %select_n3A_601 = arith.select %and3A, %add3A_600, %rem3A : i32
      %jit3A_602 = arith.constant 4 : i32
      %eq3A_603 = arith.constant 0 : i32
      %eq3A_604 = arith.cmpi eq, %jit3A_602, %eq3A_603 : i32
      %jit3A_605 = arith.constant 1 : i32
      %select_n3A_606 = arith.select %eq3A_604, %jit3A_605, %jit3A_602 : i32
      %rem3A_607 = arith.remsi %scan3A_592, %select_n3A_606 : i32
      %ne3A_608 = arith.constant 0 : i32
      %ne3A_609 = arith.cmpi ne, %rem3A_607, %ne3A_608 : i32
      %lt3A_610 = arith.constant 0 : i32
      %lt3A_611 = arith.cmpi slt, %rem3A_607, %lt3A_610 : i32
      %lt3A_612 = arith.constant 0 : i32
      %lt3A_613 = arith.cmpi slt, %select_n3A_606, %lt3A_612 : i32
      %ne3A_614 = arith.xori %lt3A_611, %lt3A_613 : i1
      %and3A_615 = arith.andi %ne3A_614, %ne3A_609 : i1
      %add3A_616 = arith.addi %rem3A_607, %select_n3A_606 : i32
      %select_n3A_617 = arith.select %and3A_615, %add3A_616, %rem3A_607 : i32
      %jit3A_618 = arith.constant 4 : i32
      %eq3A_619 = arith.constant 0 : i32
      %eq3A_620 = arith.cmpi eq, %jit3A_618, %eq3A_619 : i32
      %jit3A_621 = arith.constant 1 : i32
      %select_n3A_622 = arith.select %eq3A_620, %jit3A_621, %jit3A_618 : i32
      %rem3A_623 = arith.remsi %scan3A_592, %select_n3A_622 : i32
      %ne3A_624 = arith.constant 0 : i32
      %ne3A_625 = arith.cmpi ne, %rem3A_623, %ne3A_624 : i32
      %lt3A_626 = arith.constant 0 : i32
      %lt3A_627 = arith.cmpi slt, %rem3A_623, %lt3A_626 : i32
      %lt3A_628 = arith.constant 0 : i32
      %lt3A_629 = arith.cmpi slt, %select_n3A_622, %lt3A_628 : i32
      %ne3A_630 = arith.xori %lt3A_627, %lt3A_629 : i1
      %and3A_631 = arith.andi %ne3A_630, %ne3A_625 : i1
      %add3A_632 = arith.addi %rem3A_623, %select_n3A_622 : i32
      %select_n3A_633 = arith.select %and3A_631, %add3A_632, %rem3A_623 : i32
      %dma_wait3A_634 = arith.constant 0 : i32
      %dma_wait3A_635 = arith.constant 0 : i32
      %dma_wait3A_636 = tpu.memref_slice %arg11[%select_n3A_617, %dma_wait3A_634, %dma_wait3A_635] : memref<4x80x128xf32, #tpu.memory_space<vmem>> -> memref<1x80x128xf32, #tpu.memory_space<vmem>>
      %dma_wait3A_637 = tpu.memref_squeeze %dma_wait3A_636 : memref<1x80x128xf32, #tpu.memory_space<vmem>> -> memref<80x128xf32, #tpu.memory_space<vmem>>
      %dma_wait3A_638 = arith.constant 0 : i32
      %dma_wait3A_639 = tpu.memref_slice %arg9[%select_n3A_601, %dma_wait3A_638] : memref<8x80xi32, #tpu.memory_space<vmem>> -> memref<1x80xi32, #tpu.memory_space<vmem>>
      %dma_wait3A_640 = tpu.memref_squeeze %dma_wait3A_639 : memref<1x80xi32, #tpu.memory_space<vmem>> -> memref<80xi32, #tpu.memory_space<vmem>>
      %dma_wait3A_641 = arith.constant 0 : i32
      %dma_wait3A_642 = arith.constant 0 : i32
      %dma_wait3A_643 = tpu.memref_slice %arg7[%dma_wait3A_641, %dma_wait3A_642] : memref<10000x128xf32, #tpu.memory_space<hbm>> -> memref<10000x128xf32, #tpu.memory_space<hbm>>
      %dma_wait3A_644 = tpu.memref_slice %arg15[%select_n3A_633] : memref<4x!tpu.dma_semaphore, #tpu.memory_space<semaphore_mem>> -> memref<1x!tpu.dma_semaphore, #tpu.memory_space<semaphore_mem>>
      %dma_wait3A_645 = tpu.memref_squeeze %dma_wait3A_644 : memref<1x!tpu.dma_semaphore, #tpu.memory_space<semaphore_mem>> -> memref<!tpu.dma_semaphore, #tpu.memory_space<semaphore_mem>>
      tpu.wait_indirect_dma semaphore(%dma_wait3A_645 : memref<!tpu.dma_semaphore, #tpu.memory_space<semaphore_mem>>) src(%dma_wait3A_643 : memref<10000x128xf32, #tpu.memory_space<hbm>>) dst(%dma_wait3A_637 : memref<80x128xf32, #tpu.memory_space<vmem>>)
      %ge3A = arith.constant 2 : i32
      %ge3A_646 = arith.cmpi sge, %scan3A_592, %ge3A : i32
      %convert_element_type3A = arith.extui %ge3A_646 : i1 to i32
      %cond3A = arith.constant 0 : i32
      %cond3A_647 = arith.cmpi ne, %convert_element_type3A, %cond3A : i32
      scf.if %cond3A_647 {
        %sub3A = arith.constant 2 : i32
        %sub3A_760 = arith.subi %scan3A_592, %sub3A : i32
        %jit3A_761 = arith.constant 4 : i32
        %eq3A_762 = arith.constant 0 : i32
        %eq3A_763 = arith.cmpi eq, %jit3A_761, %eq3A_762 : i32
        %jit3A_764 = arith.constant 1 : i32
        %select_n3A_765 = arith.select %eq3A_763, %jit3A_764, %jit3A_761 : i32
        %rem3A_766 = arith.remsi %sub3A_760, %select_n3A_765 : i32
        %ne3A_767 = arith.constant 0 : i32
        %ne3A_768 = arith.cmpi ne, %rem3A_766, %ne3A_767 : i32
        %lt3A_769 = arith.constant 0 : i32
        %lt3A_770 = arith.cmpi slt, %rem3A_766, %lt3A_769 : i32
        %lt3A_771 = arith.constant 0 : i32
        %lt3A_772 = arith.cmpi slt, %select_n3A_765, %lt3A_771 : i32
        %ne3A_773 = arith.xori %lt3A_770, %lt3A_772 : i1
        %and3A_774 = arith.andi %ne3A_773, %ne3A_768 : i1
        %add3A_775 = arith.addi %rem3A_766, %select_n3A_765 : i32
        %select_n3A_776 = arith.select %and3A_774, %add3A_775, %rem3A_766 : i32
        %jit3A_777 = arith.constant 8 : i32
        %eq3A_778 = arith.constant 0 : i32
        %eq3A_779 = arith.cmpi eq, %jit3A_777, %eq3A_778 : i32
        %jit3A_780 = arith.constant 1 : i32
        %select_n3A_781 = arith.select %eq3A_779, %jit3A_780, %jit3A_777 : i32
        %rem3A_782 = arith.remsi %sub3A_760, %select_n3A_781 : i32
        %ne3A_783 = arith.constant 0 : i32
        %ne3A_784 = arith.cmpi ne, %rem3A_782, %ne3A_783 : i32
        %lt3A_785 = arith.constant 0 : i32
        %lt3A_786 = arith.cmpi slt, %rem3A_782, %lt3A_785 : i32
        %lt3A_787 = arith.constant 0 : i32
        %lt3A_788 = arith.cmpi slt, %select_n3A_781, %lt3A_787 : i32
        %ne3A_789 = arith.xori %lt3A_786, %lt3A_788 : i1
        %and3A_790 = arith.andi %ne3A_789, %ne3A_784 : i1
        %add3A_791 = arith.addi %rem3A_782, %select_n3A_781 : i32
        %select_n3A_792 = arith.select %and3A_790, %add3A_791, %rem3A_782 : i32
        %jit3A_793 = arith.constant 4 : i32
        %eq3A_794 = arith.constant 0 : i32
        %eq3A_795 = arith.cmpi eq, %jit3A_793, %eq3A_794 : i32
        %jit3A_796 = arith.constant 1 : i32
        %select_n3A_797 = arith.select %eq3A_795, %jit3A_796, %jit3A_793 : i32
        %rem3A_798 = arith.remsi %sub3A_760, %select_n3A_797 : i32
        %ne3A_799 = arith.constant 0 : i32
        %ne3A_800 = arith.cmpi ne, %rem3A_798, %ne3A_799 : i32
        %lt3A_801 = arith.constant 0 : i32
        %lt3A_802 = arith.cmpi slt, %rem3A_798, %lt3A_801 : i32
        %lt3A_803 = arith.constant 0 : i32
        %lt3A_804 = arith.cmpi slt, %select_n3A_797, %lt3A_803 : i32
        %ne3A_805 = arith.xori %lt3A_802, %lt3A_804 : i1
        %and3A_806 = arith.andi %ne3A_805, %ne3A_800 : i1
        %add3A_807 = arith.addi %rem3A_798, %select_n3A_797 : i32
        %select_n3A_808 = arith.select %and3A_806, %add3A_807, %rem3A_798 : i32
        %dma_wait3A_809 = arith.constant 0 : i32
        %dma_wait3A_810 = arith.constant 0 : i32
        %dma_wait3A_811 = tpu.memref_slice %arg11[%select_n3A_776, %dma_wait3A_809, %dma_wait3A_810] : memref<4x80x128xf32, #tpu.memory_space<vmem>> -> memref<1x80x128xf32, #tpu.memory_space<vmem>>
        %dma_wait3A_812 = tpu.memref_squeeze %dma_wait3A_811 : memref<1x80x128xf32, #tpu.memory_space<vmem>> -> memref<80x128xf32, #tpu.memory_space<vmem>>
        %dma_wait3A_813 = arith.constant 0 : i32
        %dma_wait3A_814 = tpu.memref_slice %arg10[%select_n3A_792, %dma_wait3A_813] : memref<8x80xi32, #tpu.memory_space<vmem>> -> memref<1x80xi32, #tpu.memory_space<vmem>>
        %dma_wait3A_815 = tpu.memref_squeeze %dma_wait3A_814 : memref<1x80xi32, #tpu.memory_space<vmem>> -> memref<80xi32, #tpu.memory_space<vmem>>
        %dma_wait3A_816 = arith.constant 0 : i32
        %dma_wait3A_817 = arith.constant 0 : i32
        %dma_wait3A_818 = tpu.memref_slice %arg13[%dma_wait3A_816, %dma_wait3A_817] : memref<10240x128xf32, #tpu.memory_space<vmem_shared>> -> memref<10240x128xf32, #tpu.memory_space<vmem_shared>>
        %dma_wait3A_819 = tpu.memref_slice %arg16[%select_n3A_808] : memref<4x!tpu.dma_semaphore, #tpu.memory_space<semaphore_mem>> -> memref<1x!tpu.dma_semaphore, #tpu.memory_space<semaphore_mem>>
        %dma_wait3A_820 = tpu.memref_squeeze %dma_wait3A_819 : memref<1x!tpu.dma_semaphore, #tpu.memory_space<semaphore_mem>> -> memref<!tpu.dma_semaphore, #tpu.memory_space<semaphore_mem>>
        tpu.wait_indirect_dma semaphore(%dma_wait3A_820 : memref<!tpu.dma_semaphore, #tpu.memory_space<semaphore_mem>>) src(%dma_wait3A_812 : memref<80x128xf32, #tpu.memory_space<vmem>>) dst(%dma_wait3A_818 : memref<10240x128xf32, #tpu.memory_space<vmem_shared>>)
      } else {
      }
      %add3A_648 = arith.constant 2 : i32
      %add3A_649 = arith.addi %scan3A_592, %add3A_648 : i32
      %lt3A_650 = arith.constant 25 : i32
      %lt3A_651 = arith.cmpi slt, %add3A_649, %lt3A_650 : i32
      %convert_element_type3A_652 = arith.extui %lt3A_651 : i1 to i32
      %cond3A_653 = arith.constant 0 : i32
      %cond3A_654 = arith.cmpi ne, %convert_element_type3A_652, %cond3A_653 : i32
      scf.if %cond3A_654 {
        %add3A_760 = arith.constant 2 : i32
        %add3A_761 = arith.addi %scan3A_592, %add3A_760 : i32
        %add3A_762 = arith.addi %mul3A_280, %add3A_761 : i32
        %mul3A_763 = arith.constant 80 : i32
        %mul3A_764 = arith.muli %add3A_762, %mul3A_763 : i32
        %jit3A_765 = arith.constant 8 : i32
        %eq3A_766 = arith.constant 0 : i32
        %eq3A_767 = arith.cmpi eq, %jit3A_765, %eq3A_766 : i32
        %jit3A_768 = arith.constant 1 : i32
        %select_n3A_769 = arith.select %eq3A_767, %jit3A_768, %jit3A_765 : i32
        %rem3A_770 = arith.remsi %add3A_761, %select_n3A_769 : i32
        %ne3A_771 = arith.constant 0 : i32
        %ne3A_772 = arith.cmpi ne, %rem3A_770, %ne3A_771 : i32
        %lt3A_773 = arith.constant 0 : i32
        %lt3A_774 = arith.cmpi slt, %rem3A_770, %lt3A_773 : i32
        %lt3A_775 = arith.constant 0 : i32
        %lt3A_776 = arith.cmpi slt, %select_n3A_769, %lt3A_775 : i32
        %ne3A_777 = arith.xori %lt3A_774, %lt3A_776 : i1
        %and3A_778 = arith.andi %ne3A_777, %ne3A_772 : i1
        %add3A_779 = arith.addi %rem3A_770, %select_n3A_769 : i32
        %select_n3A_780 = arith.select %and3A_778, %add3A_779, %rem3A_770 : i32
        %dma_wait3A_781 = arith.constant 0 : i32
        %dma_wait3A_782 = tpu.memref_slice %arg9[%select_n3A_780, %dma_wait3A_781] : memref<8x80xi32, #tpu.memory_space<vmem>> -> memref<1x80xi32, #tpu.memory_space<vmem>>
        %dma_wait3A_783 = tpu.memref_squeeze %dma_wait3A_782 : memref<1x80xi32, #tpu.memory_space<vmem>> -> memref<80xi32, #tpu.memory_space<vmem>>
        %dma_wait3A_784 = tpu.memref_slice %arg4[%mul3A_764] : memref<64000xi32, #tpu.memory_space<hbm>> -> memref<80xi32, #tpu.memory_space<hbm>>
        %dma_wait3A_785 = tpu.memref_slice %arg14[%select_n3A_780] : memref<8x!tpu.dma_semaphore, #tpu.memory_space<semaphore_mem>> -> memref<1x!tpu.dma_semaphore, #tpu.memory_space<semaphore_mem>>
        %dma_wait3A_786 = tpu.memref_squeeze %dma_wait3A_785 : memref<1x!tpu.dma_semaphore, #tpu.memory_space<semaphore_mem>> -> memref<!tpu.dma_semaphore, #tpu.memory_space<semaphore_mem>>
        %dma_wait3A_787 = arith.constant 0 : i32
        %dma_wait3A_788 = tpu.memref_slice %arg9[%select_n3A_780, %dma_wait3A_787] : memref<8x80xi32, #tpu.memory_space<vmem>> -> memref<1x80xi32, #tpu.memory_space<vmem>>
        %dma_wait3A_789 = tpu.memref_squeeze %dma_wait3A_788 : memref<1x80xi32, #tpu.memory_space<vmem>> -> memref<80xi32, #tpu.memory_space<vmem>>
        %dma_wait3A_790 = tpu.memref_slice %arg4[%mul3A_764] : memref<64000xi32, #tpu.memory_space<hbm>> -> memref<80xi32, #tpu.memory_space<hbm>>
        tpu.wait_dma2 semaphore(%dma_wait3A_786 : memref<!tpu.dma_semaphore, #tpu.memory_space<semaphore_mem>>) src(%dma_wait3A_790 : memref<80xi32, #tpu.memory_space<hbm>>) dst(%dma_wait3A_789 : memref<80xi32, #tpu.memory_space<vmem>>)
        %dma_wait3A_791 = arith.constant 0 : i32
        %dma_wait3A_792 = tpu.memref_slice %arg10[%select_n3A_780, %dma_wait3A_791] : memref<8x80xi32, #tpu.memory_space<vmem>> -> memref<1x80xi32, #tpu.memory_space<vmem>>
        %dma_wait3A_793 = tpu.memref_squeeze %dma_wait3A_792 : memref<1x80xi32, #tpu.memory_space<vmem>> -> memref<80xi32, #tpu.memory_space<vmem>>
        %dma_wait3A_794 = tpu.memref_slice %arg5[%mul3A_764] : memref<64000xi32, #tpu.memory_space<hbm>> -> memref<80xi32, #tpu.memory_space<hbm>>
        %dma_wait3A_795 = tpu.memref_slice %arg14[%select_n3A_780] : memref<8x!tpu.dma_semaphore, #tpu.memory_space<semaphore_mem>> -> memref<1x!tpu.dma_semaphore, #tpu.memory_space<semaphore_mem>>
        %dma_wait3A_796 = tpu.memref_squeeze %dma_wait3A_795 : memref<1x!tpu.dma_semaphore, #tpu.memory_space<semaphore_mem>> -> memref<!tpu.dma_semaphore, #tpu.memory_space<semaphore_mem>>
        %dma_wait3A_797 = arith.constant 0 : i32
        %dma_wait3A_798 = tpu.memref_slice %arg10[%select_n3A_780, %dma_wait3A_797] : memref<8x80xi32, #tpu.memory_space<vmem>> -> memref<1x80xi32, #tpu.memory_space<vmem>>
        %dma_wait3A_799 = tpu.memref_squeeze %dma_wait3A_798 : memref<1x80xi32, #tpu.memory_space<vmem>> -> memref<80xi32, #tpu.memory_space<vmem>>
        %dma_wait3A_800 = tpu.memref_slice %arg5[%mul3A_764] : memref<64000xi32, #tpu.memory_space<hbm>> -> memref<80xi32, #tpu.memory_space<hbm>>
        tpu.wait_dma2 semaphore(%dma_wait3A_796 : memref<!tpu.dma_semaphore, #tpu.memory_space<semaphore_mem>>) src(%dma_wait3A_800 : memref<80xi32, #tpu.memory_space<hbm>>) dst(%dma_wait3A_799 : memref<80xi32, #tpu.memory_space<vmem>>)
        %dma_wait3A_801 = arith.constant 0 : i32
        %dma_wait3A_802 = tpu.memref_slice %arg12[%select_n3A_780, %dma_wait3A_801] : memref<8x80xf32, #tpu.memory_space<vmem>> -> memref<1x80xf32, #tpu.memory_space<vmem>>
        %dma_wait3A_803 = tpu.memref_squeeze %dma_wait3A_802 : memref<1x80xf32, #tpu.memory_space<vmem>> -> memref<80xf32, #tpu.memory_space<vmem>>
        %dma_wait3A_804 = tpu.memref_slice %arg6[%mul3A_764] : memref<64000xf32, #tpu.memory_space<hbm>> -> memref<80xf32, #tpu.memory_space<hbm>>
        %dma_wait3A_805 = tpu.memref_slice %arg14[%select_n3A_780] : memref<8x!tpu.dma_semaphore, #tpu.memory_space<semaphore_mem>> -> memref<1x!tpu.dma_semaphore, #tpu.memory_space<semaphore_mem>>
        %dma_wait3A_806 = tpu.memref_squeeze %dma_wait3A_805 : memref<1x!tpu.dma_semaphore, #tpu.memory_space<semaphore_mem>> -> memref<!tpu.dma_semaphore, #tpu.memory_space<semaphore_mem>>
        %dma_wait3A_807 = arith.constant 0 : i32
        %dma_wait3A_808 = tpu.memref_slice %arg12[%select_n3A_780, %dma_wait3A_807] : memref<8x80xf32, #tpu.memory_space<vmem>> -> memref<1x80xf32, #tpu.memory_space<vmem>>
        %dma_wait3A_809 = tpu.memref_squeeze %dma_wait3A_808 : memref<1x80xf32, #tpu.memory_space<vmem>> -> memref<80xf32, #tpu.memory_space<vmem>>
        %dma_wait3A_810 = tpu.memref_slice %arg6[%mul3A_764] : memref<64000xf32, #tpu.memory_space<hbm>> -> memref<80xf32, #tpu.memory_space<hbm>>
        tpu.wait_dma2 semaphore(%dma_wait3A_806 : memref<!tpu.dma_semaphore, #tpu.memory_space<semaphore_mem>>) src(%dma_wait3A_810 : memref<80xf32, #tpu.memory_space<hbm>>) dst(%dma_wait3A_809 : memref<80xf32, #tpu.memory_space<vmem>>)
        %add3A_811 = arith.constant 2 : i32
        %add3A_812 = arith.addi %scan3A_592, %add3A_811 : i32
        %jit3A_813 = arith.constant 8 : i32
        %eq3A_814 = arith.constant 0 : i32
        %eq3A_815 = arith.cmpi eq, %jit3A_813, %eq3A_814 : i32
        %jit3A_816 = arith.constant 1 : i32
        %select_n3A_817 = arith.select %eq3A_815, %jit3A_816, %jit3A_813 : i32
        %rem3A_818 = arith.remsi %add3A_812, %select_n3A_817 : i32
        %ne3A_819 = arith.constant 0 : i32
        %ne3A_820 = arith.cmpi ne, %rem3A_818, %ne3A_819 : i32
        %lt3A_821 = arith.constant 0 : i32
        %lt3A_822 = arith.cmpi slt, %rem3A_818, %lt3A_821 : i32
        %lt3A_823 = arith.constant 0 : i32
        %lt3A_824 = arith.cmpi slt, %select_n3A_817, %lt3A_823 : i32
        %ne3A_825 = arith.xori %lt3A_822, %lt3A_824 : i1
        %and3A_826 = arith.andi %ne3A_825, %ne3A_820 : i1
        %add3A_827 = arith.addi %rem3A_818, %select_n3A_817 : i32
        %select_n3A_828 = arith.select %and3A_826, %add3A_827, %rem3A_818 : i32
        %jit3A_829 = arith.constant 4 : i32
        %eq3A_830 = arith.constant 0 : i32
        %eq3A_831 = arith.cmpi eq, %jit3A_829, %eq3A_830 : i32
        %jit3A_832 = arith.constant 1 : i32
        %select_n3A_833 = arith.select %eq3A_831, %jit3A_832, %jit3A_829 : i32
        %rem3A_834 = arith.remsi %add3A_812, %select_n3A_833 : i32
        %ne3A_835 = arith.constant 0 : i32
        %ne3A_836 = arith.cmpi ne, %rem3A_834, %ne3A_835 : i32
        %lt3A_837 = arith.constant 0 : i32
        %lt3A_838 = arith.cmpi slt, %rem3A_834, %lt3A_837 : i32
        %lt3A_839 = arith.constant 0 : i32
        %lt3A_840 = arith.cmpi slt, %select_n3A_833, %lt3A_839 : i32
        %ne3A_841 = arith.xori %lt3A_838, %lt3A_840 : i1
        %and3A_842 = arith.andi %ne3A_841, %ne3A_836 : i1
        %add3A_843 = arith.addi %rem3A_834, %select_n3A_833 : i32
        %select_n3A_844 = arith.select %and3A_842, %add3A_843, %rem3A_834 : i32
        %jit3A_845 = arith.constant 4 : i32
        %eq3A_846 = arith.constant 0 : i32
        %eq3A_847 = arith.cmpi eq, %jit3A_845, %eq3A_846 : i32
        %jit3A_848 = arith.constant 1 : i32
        %select_n3A_849 = arith.select %eq3A_847, %jit3A_848, %jit3A_845 : i32
        %rem3A_850 = arith.remsi %add3A_812, %select_n3A_849 : i32
        %ne3A_851 = arith.constant 0 : i32
        %ne3A_852 = arith.cmpi ne, %rem3A_850, %ne3A_851 : i32
        %lt3A_853 = arith.constant 0 : i32
        %lt3A_854 = arith.cmpi slt, %rem3A_850, %lt3A_853 : i32
        %lt3A_855 = arith.constant 0 : i32
        %lt3A_856 = arith.cmpi slt, %select_n3A_849, %lt3A_855 : i32
        %ne3A_857 = arith.xori %lt3A_854, %lt3A_856 : i1
        %and3A_858 = arith.andi %ne3A_857, %ne3A_852 : i1
        %add3A_859 = arith.addi %rem3A_850, %select_n3A_849 : i32
        %select_n3A_860 = arith.select %and3A_858, %add3A_859, %rem3A_850 : i32
        %dma_start3A_861 = arith.constant 0 : i32
        %dma_start3A_862 = arith.constant 0 : i32
        %dma_start3A_863 = tpu.memref_slice %arg11[%select_n3A_844, %dma_start3A_861, %dma_start3A_862] : memref<4x80x128xf32, #tpu.memory_space<vmem>> -> memref<1x80x128xf32, #tpu.memory_space<vmem>>
        %dma_start3A_864 = tpu.memref_squeeze %dma_start3A_863 : memref<1x80x128xf32, #tpu.memory_space<vmem>> -> memref<80x128xf32, #tpu.memory_space<vmem>>
        %dma_start3A_865 = arith.constant 0 : i32
        %dma_start3A_866 = tpu.memref_slice %arg9[%select_n3A_828, %dma_start3A_865] : memref<8x80xi32, #tpu.memory_space<vmem>> -> memref<1x80xi32, #tpu.memory_space<vmem>>
        %dma_start3A_867 = tpu.memref_squeeze %dma_start3A_866 : memref<1x80xi32, #tpu.memory_space<vmem>> -> memref<80xi32, #tpu.memory_space<vmem>>
        %dma_start3A_868 = arith.constant 0 : i32
        %dma_start3A_869 = arith.constant 0 : i32
        %dma_start3A_870 = tpu.memref_slice %arg7[%dma_start3A_868, %dma_start3A_869] : memref<10000x128xf32, #tpu.memory_space<hbm>> -> memref<10000x128xf32, #tpu.memory_space<hbm>>
        %dma_start3A_871 = tpu.memref_slice %arg15[%select_n3A_860] : memref<4x!tpu.dma_semaphore, #tpu.memory_space<semaphore_mem>> -> memref<1x!tpu.dma_semaphore, #tpu.memory_space<semaphore_mem>>
        %dma_start3A_872 = tpu.memref_squeeze %dma_start3A_871 : memref<1x!tpu.dma_semaphore, #tpu.memory_space<semaphore_mem>> -> memref<!tpu.dma_semaphore, #tpu.memory_space<semaphore_mem>>
        tpu.enqueue_indirect_dma source(%dma_start3A_870 : memref<10000x128xf32, #tpu.memory_space<hbm>>) target(%dma_start3A_864 : memref<80x128xf32, #tpu.memory_space<vmem>>) offsets(%dma_start3A_867 : memref<80xi32, #tpu.memory_space<vmem>>) semaphore(%dma_start3A_872 : memref<!tpu.dma_semaphore, #tpu.memory_space<semaphore_mem>>)
      } else {
      }
      %add3A_655 = arith.constant 4 : i32
      %add3A_656 = arith.addi %scan3A_592, %add3A_655 : i32
      %lt3A_657 = arith.constant 25 : i32
      %lt3A_658 = arith.cmpi slt, %add3A_656, %lt3A_657 : i32
      %convert_element_type3A_659 = arith.extui %lt3A_658 : i1 to i32
      %cond3A_660 = arith.constant 0 : i32
      %cond3A_661 = arith.cmpi ne, %convert_element_type3A_659, %cond3A_660 : i32
      scf.if %cond3A_661 {
        %add3A_760 = arith.constant 4 : i32
        %add3A_761 = arith.addi %scan3A_592, %add3A_760 : i32
        %add3A_762 = arith.addi %mul3A_280, %add3A_761 : i32
        %mul3A_763 = arith.constant 80 : i32
        %mul3A_764 = arith.muli %add3A_762, %mul3A_763 : i32
        %jit3A_765 = arith.constant 8 : i32
        %eq3A_766 = arith.constant 0 : i32
        %eq3A_767 = arith.cmpi eq, %jit3A_765, %eq3A_766 : i32
        %jit3A_768 = arith.constant 1 : i32
        %select_n3A_769 = arith.select %eq3A_767, %jit3A_768, %jit3A_765 : i32
        %rem3A_770 = arith.remsi %add3A_761, %select_n3A_769 : i32
        %ne3A_771 = arith.constant 0 : i32
        %ne3A_772 = arith.cmpi ne, %rem3A_770, %ne3A_771 : i32
        %lt3A_773 = arith.constant 0 : i32
        %lt3A_774 = arith.cmpi slt, %rem3A_770, %lt3A_773 : i32
        %lt3A_775 = arith.constant 0 : i32
        %lt3A_776 = arith.cmpi slt, %select_n3A_769, %lt3A_775 : i32
        %ne3A_777 = arith.xori %lt3A_774, %lt3A_776 : i1
        %and3A_778 = arith.andi %ne3A_777, %ne3A_772 : i1
        %add3A_779 = arith.addi %rem3A_770, %select_n3A_769 : i32
        %select_n3A_780 = arith.select %and3A_778, %add3A_779, %rem3A_770 : i32
        %dma_start3A_781 = arith.constant 0 : i32
        %dma_start3A_782 = tpu.memref_slice %arg9[%select_n3A_780, %dma_start3A_781] : memref<8x80xi32, #tpu.memory_space<vmem>> -> memref<1x80xi32, #tpu.memory_space<vmem>>
        %dma_start3A_783 = tpu.memref_squeeze %dma_start3A_782 : memref<1x80xi32, #tpu.memory_space<vmem>> -> memref<80xi32, #tpu.memory_space<vmem>>
        %dma_start3A_784 = tpu.memref_slice %arg4[%mul3A_764] : memref<64000xi32, #tpu.memory_space<hbm>> -> memref<80xi32, #tpu.memory_space<hbm>>
        %dma_start3A_785 = tpu.memref_slice %arg14[%select_n3A_780] : memref<8x!tpu.dma_semaphore, #tpu.memory_space<semaphore_mem>> -> memref<1x!tpu.dma_semaphore, #tpu.memory_space<semaphore_mem>>
        %dma_start3A_786 = tpu.memref_squeeze %dma_start3A_785 : memref<1x!tpu.dma_semaphore, #tpu.memory_space<semaphore_mem>> -> memref<!tpu.dma_semaphore, #tpu.memory_space<semaphore_mem>>
        %dma_start3A_787 = arith.constant 0 : i32
        %dma_start3A_788 = tpu.memref_slice %arg9[%select_n3A_780, %dma_start3A_787] : memref<8x80xi32, #tpu.memory_space<vmem>> -> memref<1x80xi32, #tpu.memory_space<vmem>>
        %dma_start3A_789 = tpu.memref_squeeze %dma_start3A_788 : memref<1x80xi32, #tpu.memory_space<vmem>> -> memref<80xi32, #tpu.memory_space<vmem>>
        %dma_start3A_790 = tpu.memref_slice %arg4[%mul3A_764] : memref<64000xi32, #tpu.memory_space<hbm>> -> memref<80xi32, #tpu.memory_space<hbm>>
        tpu.enqueue_dma source(%dma_start3A_790 : memref<80xi32, #tpu.memory_space<hbm>>) target(%dma_start3A_789 : memref<80xi32, #tpu.memory_space<vmem>>) target_semaphore(%dma_start3A_786 : memref<!tpu.dma_semaphore, #tpu.memory_space<semaphore_mem>>)
        %dma_start3A_791 = arith.constant 0 : i32
        %dma_start3A_792 = tpu.memref_slice %arg10[%select_n3A_780, %dma_start3A_791] : memref<8x80xi32, #tpu.memory_space<vmem>> -> memref<1x80xi32, #tpu.memory_space<vmem>>
        %dma_start3A_793 = tpu.memref_squeeze %dma_start3A_792 : memref<1x80xi32, #tpu.memory_space<vmem>> -> memref<80xi32, #tpu.memory_space<vmem>>
        %dma_start3A_794 = tpu.memref_slice %arg5[%mul3A_764] : memref<64000xi32, #tpu.memory_space<hbm>> -> memref<80xi32, #tpu.memory_space<hbm>>
        %dma_start3A_795 = tpu.memref_slice %arg14[%select_n3A_780] : memref<8x!tpu.dma_semaphore, #tpu.memory_space<semaphore_mem>> -> memref<1x!tpu.dma_semaphore, #tpu.memory_space<semaphore_mem>>
        %dma_start3A_796 = tpu.memref_squeeze %dma_start3A_795 : memref<1x!tpu.dma_semaphore, #tpu.memory_space<semaphore_mem>> -> memref<!tpu.dma_semaphore, #tpu.memory_space<semaphore_mem>>
        %dma_start3A_797 = arith.constant 0 : i32
        %dma_start3A_798 = tpu.memref_slice %arg10[%select_n3A_780, %dma_start3A_797] : memref<8x80xi32, #tpu.memory_space<vmem>> -> memref<1x80xi32, #tpu.memory_space<vmem>>
        %dma_start3A_799 = tpu.memref_squeeze %dma_start3A_798 : memref<1x80xi32, #tpu.memory_space<vmem>> -> memref<80xi32, #tpu.memory_space<vmem>>
        %dma_start3A_800 = tpu.memref_slice %arg5[%mul3A_764] : memref<64000xi32, #tpu.memory_space<hbm>> -> memref<80xi32, #tpu.memory_space<hbm>>
        tpu.enqueue_dma source(%dma_start3A_800 : memref<80xi32, #tpu.memory_space<hbm>>) target(%dma_start3A_799 : memref<80xi32, #tpu.memory_space<vmem>>) target_semaphore(%dma_start3A_796 : memref<!tpu.dma_semaphore, #tpu.memory_space<semaphore_mem>>)
        %dma_start3A_801 = arith.constant 0 : i32
        %dma_start3A_802 = tpu.memref_slice %arg12[%select_n3A_780, %dma_start3A_801] : memref<8x80xf32, #tpu.memory_space<vmem>> -> memref<1x80xf32, #tpu.memory_space<vmem>>
        %dma_start3A_803 = tpu.memref_squeeze %dma_start3A_802 : memref<1x80xf32, #tpu.memory_space<vmem>> -> memref<80xf32, #tpu.memory_space<vmem>>
        %dma_start3A_804 = tpu.memref_slice %arg6[%mul3A_764] : memref<64000xf32, #tpu.memory_space<hbm>> -> memref<80xf32, #tpu.memory_space<hbm>>
        %dma_start3A_805 = tpu.memref_slice %arg14[%select_n3A_780] : memref<8x!tpu.dma_semaphore, #tpu.memory_space<semaphore_mem>> -> memref<1x!tpu.dma_semaphore, #tpu.memory_space<semaphore_mem>>
        %dma_start3A_806 = tpu.memref_squeeze %dma_start3A_805 : memref<1x!tpu.dma_semaphore, #tpu.memory_space<semaphore_mem>> -> memref<!tpu.dma_semaphore, #tpu.memory_space<semaphore_mem>>
        %dma_start3A_807 = arith.constant 0 : i32
        %dma_start3A_808 = tpu.memref_slice %arg12[%select_n3A_780, %dma_start3A_807] : memref<8x80xf32, #tpu.memory_space<vmem>> -> memref<1x80xf32, #tpu.memory_space<vmem>>
        %dma_start3A_809 = tpu.memref_squeeze %dma_start3A_808 : memref<1x80xf32, #tpu.memory_space<vmem>> -> memref<80xf32, #tpu.memory_space<vmem>>
        %dma_start3A_810 = tpu.memref_slice %arg6[%mul3A_764] : memref<64000xf32, #tpu.memory_space<hbm>> -> memref<80xf32, #tpu.memory_space<hbm>>
        tpu.enqueue_dma source(%dma_start3A_810 : memref<80xf32, #tpu.memory_space<hbm>>) target(%dma_start3A_809 : memref<80xf32, #tpu.memory_space<vmem>>) target_semaphore(%dma_start3A_806 : memref<!tpu.dma_semaphore, #tpu.memory_space<semaphore_mem>>)
      } else {
      }
      %jit3A_662 = arith.constant 4 : i32
      %eq3A_663 = arith.constant 0 : i32
      %eq3A_664 = arith.cmpi eq, %jit3A_662, %eq3A_663 : i32
      %jit3A_665 = arith.constant 1 : i32
      %select_n3A_666 = arith.select %eq3A_664, %jit3A_665, %jit3A_662 : i32
      %rem3A_667 = arith.remsi %scan3A_592, %select_n3A_666 : i32
      %ne3A_668 = arith.constant 0 : i32
      %ne3A_669 = arith.cmpi ne, %rem3A_667, %ne3A_668 : i32
      %lt3A_670 = arith.constant 0 : i32
      %lt3A_671 = arith.cmpi slt, %rem3A_667, %lt3A_670 : i32
      %lt3A_672 = arith.constant 0 : i32
      %lt3A_673 = arith.cmpi slt, %select_n3A_666, %lt3A_672 : i32
      %ne3A_674 = arith.xori %lt3A_671, %lt3A_673 : i1
      %and3A_675 = arith.andi %ne3A_674, %ne3A_669 : i1
      %add3A_676 = arith.addi %rem3A_667, %select_n3A_666 : i32
      %select_n3A_677 = arith.select %and3A_675, %add3A_676, %rem3A_667 : i32
      %jit3A_678 = arith.constant 8 : i32
      %eq3A_679 = arith.constant 0 : i32
      %eq3A_680 = arith.cmpi eq, %jit3A_678, %eq3A_679 : i32
      %jit3A_681 = arith.constant 1 : i32
      %select_n3A_682 = arith.select %eq3A_680, %jit3A_681, %jit3A_678 : i32
      %rem3A_683 = arith.remsi %scan3A_592, %select_n3A_682 : i32
      %ne3A_684 = arith.constant 0 : i32
      %ne3A_685 = arith.cmpi ne, %rem3A_683, %ne3A_684 : i32
      %lt3A_686 = arith.constant 0 : i32
      %lt3A_687 = arith.cmpi slt, %rem3A_683, %lt3A_686 : i32
      %lt3A_688 = arith.constant 0 : i32
      %lt3A_689 = arith.cmpi slt, %select_n3A_682, %lt3A_688 : i32
      %ne3A_690 = arith.xori %lt3A_687, %lt3A_689 : i1
      %and3A_691 = arith.andi %ne3A_690, %ne3A_685 : i1
      %add3A_692 = arith.addi %rem3A_683, %select_n3A_682 : i32
      %select_n3A_693 = arith.select %and3A_691, %add3A_692, %rem3A_683 : i32
      %scan3A_694 = arith.constant 0 : i32
      %scan3A_695 = arith.constant 0 : i32
      %scan3A_696 = arith.constant 80 : i32
      %scan3A_697 = arith.addi %scan3A_695, %scan3A_696 : i32
      %scan3A_698 = arith.constant 1 : i32
      scf.for %scan3A_760 = %scan3A_695 to %scan3A_697 step %scan3A_698  : i32 {
        %jit3A_761 = arith.constant 16 : i32
        %div3A = arith.divsi %scan3A_760, %jit3A_761 : i32
        %sign3A = arith.constant 0 : i32
        %sign3A_762 = arith.cmpi sgt, %scan3A_760, %sign3A : i32
        %sign3A_763 = arith.extui %sign3A_762 : i1 to i32
        %sign3A_764 = arith.constant 0 : i32
        %sign3A_765 = arith.cmpi slt, %scan3A_760, %sign3A_764 : i32
        %sign3A_766 = arith.extui %sign3A_765 : i1 to i32
        %sign3A_767 = arith.subi %sign3A_763, %sign3A_766 : i32
        %sign3A_768 = arith.constant 0 : i32
        %sign3A_769 = arith.cmpi sgt, %jit3A_761, %sign3A_768 : i32
        %sign3A_770 = arith.extui %sign3A_769 : i1 to i32
        %sign3A_771 = arith.constant 0 : i32
        %sign3A_772 = arith.cmpi slt, %jit3A_761, %sign3A_771 : i32
        %sign3A_773 = arith.extui %sign3A_772 : i1 to i32
        %sign3A_774 = arith.subi %sign3A_770, %sign3A_773 : i32
        %ne3A_775 = arith.cmpi ne, %sign3A_767, %sign3A_774 : i32
        %rem3A_776 = arith.remsi %scan3A_760, %jit3A_761 : i32
        %ne3A_777 = arith.constant 0 : i32
        %ne3A_778 = arith.cmpi ne, %rem3A_776, %ne3A_777 : i32
        %and3A_779 = arith.andi %ne3A_775, %ne3A_778 : i1
        %sub3A = arith.constant 1 : i32
        %sub3A_780 = arith.subi %div3A, %sub3A : i32
        %select_n3A_781 = arith.select %and3A_779, %sub3A_780, %div3A : i32
        %mul3A_782 = arith.constant 16 : i32
        %mul3A_783 = arith.muli %select_n3A_781, %mul3A_782 : i32
        %get3A = arith.index_cast %select_n3A_693 : i32 to index
        %get3A_784 = arith.index_cast %mul3A_783 : i32 to index
        %get3A_785 = tpu.vector_load %arg12[%get3A, %get3A_784] {strides = array<i32>} : memref<8x80xf32, #tpu.memory_space<vmem>>, vector<16xf32>,
        %iota3A = tpu.iota {dimensions = array<i32: 0>} : vector<16xi32>
        %jit3A_786 = arith.constant 16 : i32
        %eq3A_787 = arith.constant 0 : i32
        %eq3A_788 = arith.cmpi eq, %jit3A_786, %eq3A_787 : i32
        %jit3A_789 = arith.constant 1 : i32
        %select_n3A_790 = arith.select %eq3A_788, %jit3A_789, %jit3A_786 : i32
        %rem3A_791 = arith.remsi %scan3A_760, %select_n3A_790 : i32
        %ne3A_792 = arith.constant 0 : i32
        %ne3A_793 = arith.cmpi ne, %rem3A_791, %ne3A_792 : i32
        %lt3A_794 = arith.constant 0 : i32
        %lt3A_795 = arith.cmpi slt, %rem3A_791, %lt3A_794 : i32
        %lt3A_796 = arith.constant 0 : i32
        %lt3A_797 = arith.cmpi slt, %select_n3A_790, %lt3A_796 : i32
        %ne3A_798 = arith.xori %lt3A_795, %lt3A_797 : i1
        %and3A_799 = arith.andi %ne3A_798, %ne3A_793 : i1
        %add3A_800 = arith.addi %rem3A_791, %select_n3A_790 : i32
        %select_n3A_801 = arith.select %and3A_799, %add3A_800, %rem3A_791 : i32
        %eq3A_802 = vector.broadcast %select_n3A_801 : i32 to vector<16xi32>
        %eq3A_803 = arith.cmpi eq, %iota3A, %eq3A_802 : vector<16xi32>
        %jit3A_804 = arith.constant 0.000000e+00 : f32
        %broadcast_in_dim3A = vector.broadcast %jit3A_804 : f32 to vector<16xf32>
        %select_n3A_805 = arith.select %eq3A_803, %get3A_785, %broadcast_in_dim3A : vector<16xi1>, vector<16xf32>
        %reduce_sum3A = arith.constant true
        %reduce_sum3A_806 = vector.broadcast %reduce_sum3A : i1 to vector<16xi1>
        %reduce_sum3A_807 = tpu.scan <sum>, %select_n3A_805 masked %reduce_sum3A_806 : vector<16xf32>, vector<16xi1> -> vector<16xf32>
        %reduce_sum3A_808 = vector.extract %reduce_sum3A_807[15] : f32 from vector<16xf32>
        %broadcast_in_dim3A_809 = vector.broadcast %reduce_sum3A_808 : f32 to vector<16xf32>
        %get3A_810 = arith.index_cast %select_n3A_677 : i32 to index
        %get3A_811 = arith.index_cast %scan3A_760 : i32 to index
        %get3A_812 = arith.constant 0 : index
        %get3A_813 = tpu.vector_load %arg11[%get3A_810, %get3A_811, %get3A_812] {strides = array<i32>} : memref<4x80x128xf32, #tpu.memory_space<vmem>>, vector<16xf32>,
        %mul3A_814 = arith.mulf %get3A_813, %broadcast_in_dim3A_809 : vector<16xf32>
        %swap3A = arith.index_cast %select_n3A_677 : i32 to index
        %swap3A_815 = arith.index_cast %scan3A_760 : i32 to index
        %swap3A_816 = arith.constant 0 : index
        %swap3A_817 = tpu.vector_load %arg11[%swap3A, %swap3A_815, %swap3A_816] {strides = array<i32>} : memref<4x80x128xf32, #tpu.memory_space<vmem>>, vector<16xf32>,
        tpu.vector_store %arg11[%swap3A, %swap3A_815, %swap3A_816], %mul3A_814 {strides = array<i32>} : memref<4x80x128xf32, #tpu.memory_space<vmem>>, vector<16xf32>,
        %get3A_818 = arith.index_cast %select_n3A_677 : i32 to index
        %get3A_819 = arith.index_cast %scan3A_760 : i32 to index
        %get3A_820 = arith.constant 16 : index
        %get3A_821 = tpu.vector_load %arg11[%get3A_818, %get3A_819, %get3A_820] {strides = array<i32>} : memref<4x80x128xf32, #tpu.memory_space<vmem>>, vector<16xf32>,
        %mul3A_822 = arith.mulf %get3A_821, %broadcast_in_dim3A_809 : vector<16xf32>
        %swap3A_823 = arith.index_cast %select_n3A_677 : i32 to index
        %swap3A_824 = arith.index_cast %scan3A_760 : i32 to index
        %swap3A_825 = arith.constant 16 : index
        %swap3A_826 = tpu.vector_load %arg11[%swap3A_823, %swap3A_824, %swap3A_825] {strides = array<i32>} : memref<4x80x128xf32, #tpu.memory_space<vmem>>, vector<16xf32>,
        tpu.vector_store %arg11[%swap3A_823, %swap3A_824, %swap3A_825], %mul3A_822 {strides = array<i32>} : memref<4x80x128xf32, #tpu.memory_space<vmem>>, vector<16xf32>,
        %get3A_827 = arith.index_cast %select_n3A_677 : i32 to index
        %get3A_828 = arith.index_cast %scan3A_760 : i32 to index
        %get3A_829 = arith.constant 32 : index
        %get3A_830 = tpu.vector_load %arg11[%get3A_827, %get3A_828, %get3A_829] {strides = array<i32>} : memref<4x80x128xf32, #tpu.memory_space<vmem>>, vector<16xf32>,
        %mul3A_831 = arith.mulf %get3A_830, %broadcast_in_dim3A_809 : vector<16xf32>
        %swap3A_832 = arith.index_cast %select_n3A_677 : i32 to index
        %swap3A_833 = arith.index_cast %scan3A_760 : i32 to index
        %swap3A_834 = arith.constant 32 : index
        %swap3A_835 = tpu.vector_load %arg11[%swap3A_832, %swap3A_833, %swap3A_834] {strides = array<i32>} : memref<4x80x128xf32, #tpu.memory_space<vmem>>, vector<16xf32>,
        tpu.vector_store %arg11[%swap3A_832, %swap3A_833, %swap3A_834], %mul3A_831 {strides = array<i32>} : memref<4x80x128xf32, #tpu.memory_space<vmem>>, vector<16xf32>,
        %get3A_836 = arith.index_cast %select_n3A_677 : i32 to index
        %get3A_837 = arith.index_cast %scan3A_760 : i32 to index
        %get3A_838 = arith.constant 48 : index
        %get3A_839 = tpu.vector_load %arg11[%get3A_836, %get3A_837, %get3A_838] {strides = array<i32>} : memref<4x80x128xf32, #tpu.memory_space<vmem>>, vector<16xf32>,
        %mul3A_840 = arith.mulf %get3A_839, %broadcast_in_dim3A_809 : vector<16xf32>
        %swap3A_841 = arith.index_cast %select_n3A_677 : i32 to index
        %swap3A_842 = arith.index_cast %scan3A_760 : i32 to index
        %swap3A_843 = arith.constant 48 : index
        %swap3A_844 = tpu.vector_load %arg11[%swap3A_841, %swap3A_842, %swap3A_843] {strides = array<i32>} : memref<4x80x128xf32, #tpu.memory_space<vmem>>, vector<16xf32>,
        tpu.vector_store %arg11[%swap3A_841, %swap3A_842, %swap3A_843], %mul3A_840 {strides = array<i32>} : memref<4x80x128xf32, #tpu.memory_space<vmem>>, vector<16xf32>,
        %get3A_845 = arith.index_cast %select_n3A_677 : i32 to index
        %get3A_846 = arith.index_cast %scan3A_760 : i32 to index
        %get3A_847 = arith.constant 64 : index
        %get3A_848 = tpu.vector_load %arg11[%get3A_845, %get3A_846, %get3A_847] {strides = array<i32>} : memref<4x80x128xf32, #tpu.memory_space<vmem>>, vector<16xf32>,
        %mul3A_849 = arith.mulf %get3A_848, %broadcast_in_dim3A_809 : vector<16xf32>
        %swap3A_850 = arith.index_cast %select_n3A_677 : i32 to index
        %swap3A_851 = arith.index_cast %scan3A_760 : i32 to index
        %swap3A_852 = arith.constant 64 : index
        %swap3A_853 = tpu.vector_load %arg11[%swap3A_850, %swap3A_851, %swap3A_852] {strides = array<i32>} : memref<4x80x128xf32, #tpu.memory_space<vmem>>, vector<16xf32>,
        tpu.vector_store %arg11[%swap3A_850, %swap3A_851, %swap3A_852], %mul3A_849 {strides = array<i32>} : memref<4x80x128xf32, #tpu.memory_space<vmem>>, vector<16xf32>,
        %get3A_854 = arith.index_cast %select_n3A_677 : i32 to index
        %get3A_855 = arith.index_cast %scan3A_760 : i32 to index
        %get3A_856 = arith.constant 80 : index
        %get3A_857 = tpu.vector_load %arg11[%get3A_854, %get3A_855, %get3A_856] {strides = array<i32>} : memref<4x80x128xf32, #tpu.memory_space<vmem>>, vector<16xf32>,
        %mul3A_858 = arith.mulf %get3A_857, %broadcast_in_dim3A_809 : vector<16xf32>
        %swap3A_859 = arith.index_cast %select_n3A_677 : i32 to index
        %swap3A_860 = arith.index_cast %scan3A_760 : i32 to index
        %swap3A_861 = arith.constant 80 : index
        %swap3A_862 = tpu.vector_load %arg11[%swap3A_859, %swap3A_860, %swap3A_861] {strides = array<i32>} : memref<4x80x128xf32, #tpu.memory_space<vmem>>, vector<16xf32>,
        tpu.vector_store %arg11[%swap3A_859, %swap3A_860, %swap3A_861], %mul3A_858 {strides = array<i32>} : memref<4x80x128xf32, #tpu.memory_space<vmem>>, vector<16xf32>,
        %get3A_863 = arith.index_cast %select_n3A_677 : i32 to index
        %get3A_864 = arith.index_cast %scan3A_760 : i32 to index
        %get3A_865 = arith.constant 96 : index
        %get3A_866 = tpu.vector_load %arg11[%get3A_863, %get3A_864, %get3A_865] {strides = array<i32>} : memref<4x80x128xf32, #tpu.memory_space<vmem>>, vector<16xf32>,
        %mul3A_867 = arith.mulf %get3A_866, %broadcast_in_dim3A_809 : vector<16xf32>
        %swap3A_868 = arith.index_cast %select_n3A_677 : i32 to index
        %swap3A_869 = arith.index_cast %scan3A_760 : i32 to index
        %swap3A_870 = arith.constant 96 : index
        %swap3A_871 = tpu.vector_load %arg11[%swap3A_868, %swap3A_869, %swap3A_870] {strides = array<i32>} : memref<4x80x128xf32, #tpu.memory_space<vmem>>, vector<16xf32>,
        tpu.vector_store %arg11[%swap3A_868, %swap3A_869, %swap3A_870], %mul3A_867 {strides = array<i32>} : memref<4x80x128xf32, #tpu.memory_space<vmem>>, vector<16xf32>,
        %get3A_872 = arith.index_cast %select_n3A_677 : i32 to index
        %get3A_873 = arith.index_cast %scan3A_760 : i32 to index
        %get3A_874 = arith.constant 112 : index
        %get3A_875 = tpu.vector_load %arg11[%get3A_872, %get3A_873, %get3A_874] {strides = array<i32>} : memref<4x80x128xf32, #tpu.memory_space<vmem>>, vector<16xf32>,
        %mul3A_876 = arith.mulf %get3A_875, %broadcast_in_dim3A_809 : vector<16xf32>
        %swap3A_877 = arith.index_cast %select_n3A_677 : i32 to index
        %swap3A_878 = arith.index_cast %scan3A_760 : i32 to index
        %swap3A_879 = arith.constant 112 : index
        %swap3A_880 = tpu.vector_load %arg11[%swap3A_877, %swap3A_878, %swap3A_879] {strides = array<i32>} : memref<4x80x128xf32, #tpu.memory_space<vmem>>, vector<16xf32>,
        tpu.vector_store %arg11[%swap3A_877, %swap3A_878, %swap3A_879], %mul3A_876 {strides = array<i32>} : memref<4x80x128xf32, #tpu.memory_space<vmem>>, vector<16xf32>,
      }
      %scan3A_699 = arith.constant 80 : i32
      %jit3A_700 = arith.constant 4 : i32
      %eq3A_701 = arith.constant 0 : i32
      %eq3A_702 = arith.cmpi eq, %jit3A_700, %eq3A_701 : i32
      %jit3A_703 = arith.constant 1 : i32
      %select_n3A_704 = arith.select %eq3A_702, %jit3A_703, %jit3A_700 : i32
      %rem3A_705 = arith.remsi %scan3A_592, %select_n3A_704 : i32
      %ne3A_706 = arith.constant 0 : i32
      %ne3A_707 = arith.cmpi ne, %rem3A_705, %ne3A_706 : i32
      %lt3A_708 = arith.constant 0 : i32
      %lt3A_709 = arith.cmpi slt, %rem3A_705, %lt3A_708 : i32
      %lt3A_710 = arith.constant 0 : i32
      %lt3A_711 = arith.cmpi slt, %select_n3A_704, %lt3A_710 : i32
      %ne3A_712 = arith.xori %lt3A_709, %lt3A_711 : i1
      %and3A_713 = arith.andi %ne3A_712, %ne3A_707 : i1
      %add3A_714 = arith.addi %rem3A_705, %select_n3A_704 : i32
      %select_n3A_715 = arith.select %and3A_713, %add3A_714, %rem3A_705 : i32
      %jit3A_716 = arith.constant 8 : i32
      %eq3A_717 = arith.constant 0 : i32
      %eq3A_718 = arith.cmpi eq, %jit3A_716, %eq3A_717 : i32
      %jit3A_719 = arith.constant 1 : i32
      %select_n3A_720 = arith.select %eq3A_718, %jit3A_719, %jit3A_716 : i32
      %rem3A_721 = arith.remsi %scan3A_592, %select_n3A_720 : i32
      %ne3A_722 = arith.constant 0 : i32
      %ne3A_723 = arith.cmpi ne, %rem3A_721, %ne3A_722 : i32
      %lt3A_724 = arith.constant 0 : i32
      %lt3A_725 = arith.cmpi slt, %rem3A_721, %lt3A_724 : i32
      %lt3A_726 = arith.constant 0 : i32
      %lt3A_727 = arith.cmpi slt, %select_n3A_720, %lt3A_726 : i32
      %ne3A_728 = arith.xori %lt3A_725, %lt3A_727 : i1
      %and3A_729 = arith.andi %ne3A_728, %ne3A_723 : i1
      %add3A_730 = arith.addi %rem3A_721, %select_n3A_720 : i32
      %select_n3A_731 = arith.select %and3A_729, %add3A_730, %rem3A_721 : i32
      %jit3A_732 = arith.constant 4 : i32
      %eq3A_733 = arith.constant 0 : i32
      %eq3A_734 = arith.cmpi eq, %jit3A_732, %eq3A_733 : i32
      %jit3A_735 = arith.constant 1 : i32
      %select_n3A_736 = arith.select %eq3A_734, %jit3A_735, %jit3A_732 : i32
      %rem3A_737 = arith.remsi %scan3A_592, %select_n3A_736 : i32
      %ne3A_738 = arith.constant 0 : i32
      %ne3A_739 = arith.cmpi ne, %rem3A_737, %ne3A_738 : i32
      %lt3A_740 = arith.constant 0 : i32
      %lt3A_741 = arith.cmpi slt, %rem3A_737, %lt3A_740 : i32
      %lt3A_742 = arith.constant 0 : i32
      %lt3A_743 = arith.cmpi slt, %select_n3A_736, %lt3A_742 : i32
      %ne3A_744 = arith.xori %lt3A_741, %lt3A_743 : i1
      %and3A_745 = arith.andi %ne3A_744, %ne3A_739 : i1
      %add3A_746 = arith.addi %rem3A_737, %select_n3A_736 : i32
      %select_n3A_747 = arith.select %and3A_745, %add3A_746, %rem3A_737 : i32
      %dma_start3A_748 = arith.constant 0 : i32
      %dma_start3A_749 = arith.constant 0 : i32
      %dma_start3A_750 = tpu.memref_slice %arg11[%select_n3A_715, %dma_start3A_748, %dma_start3A_749] : memref<4x80x128xf32, #tpu.memory_space<vmem>> -> memref<1x80x128xf32, #tpu.memory_space<vmem>>
      %dma_start3A_751 = tpu.memref_squeeze %dma_start3A_750 : memref<1x80x128xf32, #tpu.memory_space<vmem>> -> memref<80x128xf32, #tpu.memory_space<vmem>>
      %dma_start3A_752 = arith.constant 0 : i32
      %dma_start3A_753 = tpu.memref_slice %arg10[%select_n3A_731, %dma_start3A_752] : memref<8x80xi32, #tpu.memory_space<vmem>> -> memref<1x80xi32, #tpu.memory_space<vmem>>
      %dma_start3A_754 = tpu.memref_squeeze %dma_start3A_753 : memref<1x80xi32, #tpu.memory_space<vmem>> -> memref<80xi32, #tpu.memory_space<vmem>>
      %dma_start3A_755 = arith.constant 0 : i32
      %dma_start3A_756 = arith.constant 0 : i32
      %dma_start3A_757 = tpu.memref_slice %arg13[%dma_start3A_755, %dma_start3A_756] : memref<10240x128xf32, #tpu.memory_space<vmem_shared>> -> memref<10240x128xf32, #tpu.memory_space<vmem_shared>>
      %dma_start3A_758 = tpu.memref_slice %arg16[%select_n3A_747] : memref<4x!tpu.dma_semaphore, #tpu.memory_space<semaphore_mem>> -> memref<1x!tpu.dma_semaphore, #tpu.memory_space<semaphore_mem>>
      %dma_start3A_759 = tpu.memref_squeeze %dma_start3A_758 : memref<1x!tpu.dma_semaphore, #tpu.memory_space<semaphore_mem>> -> memref<!tpu.dma_semaphore, #tpu.memory_space<semaphore_mem>>
      tpu.enqueue_indirect_dma source(%dma_start3A_751 : memref<80x128xf32, #tpu.memory_space<vmem>>) target(%dma_start3A_757 : memref<10240x128xf32, #tpu.memory_space<vmem_shared>>) offsets(%dma_start3A_754 : memref<80xi32, #tpu.memory_space<vmem>>) semaphore(%dma_start3A_759 : memref<!tpu.dma_semaphore, #tpu.memory_space<semaphore_mem>>) {add = true}
    }
    %scan3A_556 = arith.constant 25 : i32
    %dma_wait3A_557 = arith.constant 3 : i32
    %dma_wait3A_558 = arith.constant 7 : i32
    %dma_wait3A_559 = arith.constant 3 : i32
    %dma_wait3A_560 = arith.constant 0 : i32
    %dma_wait3A_561 = arith.constant 0 : i32
    %dma_wait3A_562 = tpu.memref_slice %arg11[%dma_wait3A_557, %dma_wait3A_560, %dma_wait3A_561] : memref<4x80x128xf32, #tpu.memory_space<vmem>> -> memref<1x80x128xf32, #tpu.memory_space<vmem>>
    %dma_wait3A_563 = tpu.memref_squeeze %dma_wait3A_562 : memref<1x80x128xf32, #tpu.memory_space<vmem>> -> memref<80x128xf32, #tpu.memory_space<vmem>>
    %dma_wait3A_564 = arith.constant 0 : i32
    %dma_wait3A_565 = tpu.memref_slice %arg10[%dma_wait3A_558, %dma_wait3A_564] : memref<8x80xi32, #tpu.memory_space<vmem>> -> memref<1x80xi32, #tpu.memory_space<vmem>>
    %dma_wait3A_566 = tpu.memref_squeeze %dma_wait3A_565 : memref<1x80xi32, #tpu.memory_space<vmem>> -> memref<80xi32, #tpu.memory_space<vmem>>
    %dma_wait3A_567 = arith.constant 0 : i32
    %dma_wait3A_568 = arith.constant 0 : i32
    %dma_wait3A_569 = tpu.memref_slice %arg13[%dma_wait3A_567, %dma_wait3A_568] : memref<10240x128xf32, #tpu.memory_space<vmem_shared>> -> memref<10240x128xf32, #tpu.memory_space<vmem_shared>>
    %dma_wait3A_570 = tpu.memref_slice %arg16[%dma_wait3A_559] : memref<4x!tpu.dma_semaphore, #tpu.memory_space<semaphore_mem>> -> memref<1x!tpu.dma_semaphore, #tpu.memory_space<semaphore_mem>>
    %dma_wait3A_571 = tpu.memref_squeeze %dma_wait3A_570 : memref<1x!tpu.dma_semaphore, #tpu.memory_space<semaphore_mem>> -> memref<!tpu.dma_semaphore, #tpu.memory_space<semaphore_mem>>
    tpu.wait_indirect_dma semaphore(%dma_wait3A_571 : memref<!tpu.dma_semaphore, #tpu.memory_space<semaphore_mem>>) src(%dma_wait3A_563 : memref<80x128xf32, #tpu.memory_space<vmem>>) dst(%dma_wait3A_569 : memref<10240x128xf32, #tpu.memory_space<vmem_shared>>)
    %dma_wait3A_572 = arith.constant 0 : i32
    %dma_wait3A_573 = arith.constant 0 : i32
    %dma_wait3A_574 = arith.constant 0 : i32
    %dma_wait3A_575 = arith.constant 0 : i32
    %dma_wait3A_576 = arith.constant 0 : i32
    %dma_wait3A_577 = tpu.memref_slice %arg11[%dma_wait3A_572, %dma_wait3A_575, %dma_wait3A_576] : memref<4x80x128xf32, #tpu.memory_space<vmem>> -> memref<1x80x128xf32, #tpu.memory_space<vmem>>
    %dma_wait3A_578 = tpu.memref_squeeze %dma_wait3A_577 : memref<1x80x128xf32, #tpu.memory_space<vmem>> -> memref<80x128xf32, #tpu.memory_space<vmem>>
    %dma_wait3A_579 = arith.constant 0 : i32
    %dma_wait3A_580 = tpu.memref_slice %arg10[%dma_wait3A_573, %dma_wait3A_579] : memref<8x80xi32, #tpu.memory_space<vmem>> -> memref<1x80xi32, #tpu.memory_space<vmem>>
    %dma_wait3A_581 = tpu.memref_squeeze %dma_wait3A_580 : memref<1x80xi32, #tpu.memory_space<vmem>> -> memref<80xi32, #tpu.memory_space<vmem>>
    %dma_wait3A_582 = arith.constant 0 : i32
    %dma_wait3A_583 = arith.constant 0 : i32
    %dma_wait3A_584 = tpu.memref_slice %arg13[%dma_wait3A_582, %dma_wait3A_583] : memref<10240x128xf32, #tpu.memory_space<vmem_shared>> -> memref<10240x128xf32, #tpu.memory_space<vmem_shared>>
    %dma_wait3A_585 = tpu.memref_slice %arg16[%dma_wait3A_574] : memref<4x!tpu.dma_semaphore, #tpu.memory_space<semaphore_mem>> -> memref<1x!tpu.dma_semaphore, #tpu.memory_space<semaphore_mem>>
    %dma_wait3A_586 = tpu.memref_squeeze %dma_wait3A_585 : memref<1x!tpu.dma_semaphore, #tpu.memory_space<semaphore_mem>> -> memref<!tpu.dma_semaphore, #tpu.memory_space<semaphore_mem>>
    tpu.wait_indirect_dma semaphore(%dma_wait3A_586 : memref<!tpu.dma_semaphore, #tpu.memory_space<semaphore_mem>>) src(%dma_wait3A_578 : memref<80x128xf32, #tpu.memory_space<vmem>>) dst(%dma_wait3A_584 : memref<10240x128xf32, #tpu.memory_space<vmem_shared>>)
    %barrier3A_587 = arith.constant 0 : index
    tpu.barrier barrier_id(%barrier3A_587)
    %mul3A_588 = arith.constant 640 : i32
    %mul3A_589 = arith.muli %arg1, %mul3A_588 : i32
    %mul3A_590 = arith.constant 640 : i32
    %mul3A_591 = arith.muli %arg1, %mul3A_590 : i32
    "tpu.region"() ({
      %run_scoped3A_592 = tpu.sem_alloc : memref<!tpu.dma_semaphore, #tpu.memory_space<semaphore_mem>>
      %dma_start3A_593 = arith.constant 0 : i32
      %dma_start3A_594 = tpu.memref_slice %arg8[%arg0, %mul3A_591, %dma_start3A_593] : memref<2x10240x128xf32, #tpu.memory_space<hbm>> -> memref<1x640x128xf32, #tpu.memory_space<hbm>>
      %dma_start3A_595 = tpu.memref_squeeze %dma_start3A_594 : memref<1x640x128xf32, #tpu.memory_space<hbm>> -> memref<640x128xf32, #tpu.memory_space<hbm>>
      %dma_start3A_596 = arith.constant 0 : i32
      %dma_start3A_597 = tpu.memref_slice %arg13[%mul3A_589, %dma_start3A_596] : memref<10240x128xf32, #tpu.memory_space<vmem_shared>> -> memref<640x128xf32, #tpu.memory_space<vmem_shared>>
      tpu.enqueue_dma source(%dma_start3A_597 : memref<640x128xf32, #tpu.memory_space<vmem_shared>>) target(%dma_start3A_595 : memref<640x128xf32, #tpu.memory_space<hbm>>) target_semaphore(%run_scoped3A_592 : memref<!tpu.dma_semaphore, #tpu.memory_space<semaphore_mem>>)
      %dma_wait3A_598 = arith.constant 0 : i32
      %dma_wait3A_599 = tpu.memref_slice %arg8[%arg0, %mul3A_591, %dma_wait3A_598] : memref<2x10240x128xf32, #tpu.memory_space<hbm>> -> memref<1x640x128xf32, #tpu.memory_space<hbm>>
      %dma_wait3A_600 = tpu.memref_squeeze %dma_wait3A_599 : memref<1x640x128xf32, #tpu.memory_space<hbm>> -> memref<640x128xf32, #tpu.memory_space<hbm>>
      %dma_wait3A_601 = arith.constant 0 : i32
      %dma_wait3A_602 = tpu.memref_slice %arg13[%mul3A_589, %dma_wait3A_601] : memref<10240x128xf32, #tpu.memory_space<vmem_shared>> -> memref<640x128xf32, #tpu.memory_space<vmem_shared>>
      tpu.wait_dma2 semaphore(%run_scoped3A_592 : memref<!tpu.dma_semaphore, #tpu.memory_space<semaphore_mem>>) src(%dma_wait3A_602 : memref<640x128xf32, #tpu.memory_space<vmem_shared>>) dst(%dma_wait3A_600 : memref<640x128xf32, #tpu.memory_space<hbm>>)
      tpu.yield
    }) : () -> ()
    return
  }
}

module attributes {stable_mosaic.version = 14 : i64} {
  func.func @_root_body(%arg0: i32, %arg1: memref<1000x128xf32, #tpu.memory_space<vmem>>, %arg2: memref<128x128xf32, #tpu.memory_space<vmem>>, %arg3: memref<1x128xf32, #tpu.memory_space<vmem>>, %arg4: memref<1000x128xf32, #tpu.memory_space<vmem>>) attributes {dimension_semantics = [#tpu.dimension_semantics<arbitrary>], iteration_bounds = array<i64: 10>, scalar_prefetch = 0 : i64, scratch_operands = 0 : i64, tpu.core_type = #tpu.core_type<tc>, window_params = [{transform_indices = @transform_0, window_bounds = array<i64: 1000, 128>}, {pipeline_mode = #tpu.pipeline_mode<synchronous>, transform_indices = @transform_1, window_bounds = array<i64: 128, 128>}, {pipeline_mode = #tpu.pipeline_mode<synchronous>, transform_indices = @transform_2, window_bounds = array<i64: 1, 128>}, {transform_indices = @transform_3, window_bounds = array<i64: 1000, 128>}]} {
    %get3A = arith.constant 0 : index
    %get3A_0 = arith.constant 0 : index
    %get3A_1 = vector.load %arg1[%get3A, %get3A_0] : memref<1000x128xf32, #tpu.memory_space<vmem>>, vector<1000x128xf32>
    %get3A_2 = arith.constant 0 : index
    %get3A_3 = arith.constant 0 : index
    %get3A_4 = vector.load %arg2[%get3A_2, %get3A_3] : memref<128x128xf32, #tpu.memory_space<vmem>>, vector<128x128xf32>
    %dot_general3A = arith.constant dense<0.000000e+00> : vector<1000x128xf32>
    %dot_general3A_5 = tpu.matmul %get3A_1, %get3A_4, %dot_general3A {dimension_numbers = #tpu.dot_dimension_numbers<[1], [0], [0], [1], [0, 0, 1, 1], [], []>, transpose_lhs_hint = false} : vector<1000x128xf32>, vector<128x128xf32>, vector<1000x128xf32> -> vector<1000x128xf32>
    %get3A_6 = arith.constant 0 : index
    %get3A_7 = arith.constant 0 : index
    %get3A_8 = vector.load %arg3[%get3A_6, %get3A_7] : memref<1x128xf32, #tpu.memory_space<vmem>>, vector<1x128xf32>
    %add3A = vector.broadcast %get3A_8 : vector<1x128xf32> to vector<1000x128xf32>
    %add3A_9 = arith.addf %dot_general3A_5, %add3A : vector<1000x128xf32>
    %swap3A = arith.constant 0 : index
    %swap3A_10 = arith.constant 0 : index
    %swap3A_11 = vector.load %arg4[%swap3A, %swap3A_10] : memref<1000x128xf32, #tpu.memory_space<vmem>>, vector<1000x128xf32>
    tpu.vector_store %arg4[%swap3A, %swap3A_10], %add3A_9 {strides = array<i32>} : memref<1000x128xf32, #tpu.memory_space<vmem>>, vector<1000x128xf32>,
    return
  }
  func.func @transform_0(%arg0: i32) -> (i32, i32) {
    %c0_i32 = arith.constant 0 : i32
    %c0_i32_0 = arith.constant 0 : i32
    return %arg0, %c0_i32 : i32, i32
  }
  func.func @transform_1(%arg0: i32) -> (i32, i32) {
    %c0_i32 = arith.constant 0 : i32
    %c0_i32_0 = arith.constant 0 : i32
    %c0_i32_1 = arith.constant 0 : i32
    return %c0_i32, %c0_i32_0 : i32, i32
  }
  func.func @transform_2(%arg0: i32) -> (i32, i32) {
    %c0_i32 = arith.constant 0 : i32
    %c0_i32_0 = arith.constant 0 : i32
    %c0_i32_1 = arith.constant 0 : i32
    return %c0_i32, %c0_i32_0 : i32, i32
  }
  func.func @transform_3(%arg0: i32) -> (i32, i32) {
    %c0_i32 = arith.constant 0 : i32
    %c0_i32_0 = arith.constant 0 : i32
    return %arg0, %c0_i32 : i32, i32
  }
}

module attributes {stable_mosaic.version = 14 : i64} {
  func.func @_dense_body(%arg0: i32, %arg1: memref<2x1000x128xf32, #tpu.memory_space<vmem>>, %arg2: memref<1000x128xf32, #tpu.memory_space<vmem>>, %arg3: memref<128x128xf32, #tpu.memory_space<vmem>>, %arg4: memref<128x128xf32, #tpu.memory_space<vmem>>, %arg5: memref<1x128xf32, #tpu.memory_space<vmem>>, %arg6: memref<1000x128xf32, #tpu.memory_space<vmem>>) attributes {dimension_semantics = [#tpu.dimension_semantics<arbitrary>], iteration_bounds = array<i64: 10>, scalar_prefetch = 0 : i64, scratch_operands = 0 : i64, tpu.core_type = #tpu.core_type<tc>, window_params = [{transform_indices = @transform_0, window_bounds = array<i64: 2, 1000, 128>}, {transform_indices = @transform_1, window_bounds = array<i64: 1000, 128>}, {pipeline_mode = #tpu.pipeline_mode<synchronous>, transform_indices = @transform_2, window_bounds = array<i64: 128, 128>}, {pipeline_mode = #tpu.pipeline_mode<synchronous>, transform_indices = @transform_3, window_bounds = array<i64: 128, 128>}, {pipeline_mode = #tpu.pipeline_mode<synchronous>, transform_indices = @transform_4, window_bounds = array<i64: 1, 128>}, {transform_indices = @transform_5, window_bounds = array<i64: 1000, 128>}]} {
    %get3A = arith.constant 0 : index
    %get3A_0 = arith.constant 0 : index
    %get3A_1 = arith.constant 0 : index
    %get3A_2 = vector.load %arg1[%get3A, %get3A_0, %get3A_1] : memref<2x1000x128xf32, #tpu.memory_space<vmem>>, vector<1x1000x128xf32>
    %get3A_3 = vector.shape_cast %get3A_2 : vector<1x1000x128xf32> to vector<1000x128xf32>
    %get3A_4 = arith.constant 1 : index
    %get3A_5 = arith.constant 0 : index
    %get3A_6 = arith.constant 0 : index
    %get3A_7 = vector.load %arg1[%get3A_4, %get3A_5, %get3A_6] : memref<2x1000x128xf32, #tpu.memory_space<vmem>>, vector<1x1000x128xf32>
    %get3A_8 = vector.shape_cast %get3A_7 : vector<1x1000x128xf32> to vector<1000x128xf32>
    %add3A = arith.addf %get3A_3, %get3A_8 : vector<1000x128xf32>
    %get3A_9 = arith.constant 0 : index
    %get3A_10 = arith.constant 0 : index
    %get3A_11 = vector.load %arg3[%get3A_9, %get3A_10] : memref<128x128xf32, #tpu.memory_space<vmem>>, vector<128x128xf32>
    %dot_general3A = arith.constant dense<0.000000e+00> : vector<1000x128xf32>
    %dot_general3A_12 = tpu.matmul %add3A, %get3A_11, %dot_general3A {dimension_numbers = #tpu.dot_dimension_numbers<[1], [0], [0], [1], [0, 0, 1, 1], [], []>, transpose_lhs_hint = false} : vector<1000x128xf32>, vector<128x128xf32>, vector<1000x128xf32> -> vector<1000x128xf32>
    %get3A_13 = arith.constant 0 : index
    %get3A_14 = arith.constant 0 : index
    %get3A_15 = vector.load %arg2[%get3A_13, %get3A_14] : memref<1000x128xf32, #tpu.memory_space<vmem>>, vector<1000x128xf32>
    %add3A_16 = arith.addf %dot_general3A_12, %get3A_15 : vector<1000x128xf32>
    %max3A = arith.constant 0.000000e+00 : f32
    %max3A_17 = vector.broadcast %max3A : f32 to vector<1000x128xf32>
    %max3A_18 = arith.maximumf %add3A_16, %max3A_17 : vector<1000x128xf32>
    %get3A_19 = arith.constant 0 : index
    %get3A_20 = arith.constant 0 : index
    %get3A_21 = vector.load %arg4[%get3A_19, %get3A_20] : memref<128x128xf32, #tpu.memory_space<vmem>>, vector<128x128xf32>
    %dot_general3A_22 = arith.constant dense<0.000000e+00> : vector<1000x128xf32>
    %dot_general3A_23 = tpu.matmul %max3A_18, %get3A_21, %dot_general3A_22 {dimension_numbers = #tpu.dot_dimension_numbers<[1], [0], [0], [1], [0, 0, 1, 1], [], []>, transpose_lhs_hint = false} : vector<1000x128xf32>, vector<128x128xf32>, vector<1000x128xf32> -> vector<1000x128xf32>
    %get3A_24 = arith.constant 0 : index
    %get3A_25 = arith.constant 0 : index
    %get3A_26 = vector.load %arg5[%get3A_24, %get3A_25] : memref<1x128xf32, #tpu.memory_space<vmem>>, vector<1x128xf32>
    %add3A_27 = vector.broadcast %get3A_26 : vector<1x128xf32> to vector<1000x128xf32>
    %add3A_28 = arith.addf %dot_general3A_23, %add3A_27 : vector<1000x128xf32>
    %max3A_29 = arith.constant 0.000000e+00 : f32
    %max3A_30 = vector.broadcast %max3A_29 : f32 to vector<1000x128xf32>
    %max3A_31 = arith.maximumf %add3A_28, %max3A_30 : vector<1000x128xf32>
    %swap3A = arith.constant 0 : index
    %swap3A_32 = arith.constant 0 : index
    %swap3A_33 = vector.load %arg6[%swap3A, %swap3A_32] : memref<1000x128xf32, #tpu.memory_space<vmem>>, vector<1000x128xf32>
    tpu.vector_store %arg6[%swap3A, %swap3A_32], %max3A_31 {strides = array<i32>} : memref<1000x128xf32, #tpu.memory_space<vmem>>, vector<1000x128xf32>,
    return
  }
  func.func @transform_0(%arg0: i32) -> (i32, i32, i32) {
    %c0_i32 = arith.constant 0 : i32
    %c0_i32_0 = arith.constant 0 : i32
    %c0_i32_1 = arith.constant 0 : i32
    return %c0_i32, %arg0, %c0_i32_0 : i32, i32, i32
  }
  func.func @transform_1(%arg0: i32) -> (i32, i32) {
    %c0_i32 = arith.constant 0 : i32
    %c0_i32_0 = arith.constant 0 : i32
    return %arg0, %c0_i32 : i32, i32
  }
  func.func @transform_2(%arg0: i32) -> (i32, i32) {
    %c0_i32 = arith.constant 0 : i32
    %c0_i32_0 = arith.constant 0 : i32
    %c0_i32_1 = arith.constant 0 : i32
    return %c0_i32, %c0_i32_0 : i32, i32
  }
  func.func @transform_3(%arg0: i32) -> (i32, i32) {
    %c0_i32 = arith.constant 0 : i32
    %c0_i32_0 = arith.constant 0 : i32
    %c0_i32_1 = arith.constant 0 : i32
    return %c0_i32, %c0_i32_0 : i32, i32
  }
  func.func @transform_4(%arg0: i32) -> (i32, i32) {
    %c0_i32 = arith.constant 0 : i32
    %c0_i32_0 = arith.constant 0 : i32
    %c0_i32_1 = arith.constant 0 : i32
    return %c0_i32, %c0_i32_0 : i32, i32
  }
  func.func @transform_5(%arg0: i32) -> (i32, i32) {
    %c0_i32 = arith.constant 0 : i32
    %c0_i32_0 = arith.constant 0 : i32
    return %arg0, %c0_i32 : i32, i32
  }
}

</mosaic_0001>

<sc_bundles>
// kernel: kernel.5.cloned.1.call-start
scs
__scs_entry_jumppad:
0x0: {  	(pc) =	sbr.rel $0x88, $3  }
0x1: {  	(tag) =	ssettag $0x0;
	lr =	simm.s32 $0x1  }
0x2: {  	[smem:$0x3F98] =	sst lr;
	_ =	strace $0xD0000000  }
0x3: {  	_ = 	snop  }
0x4: {  	_ = 	snop  }
0x5: {  	_ = 	snop  }
0x6: {  	_ = 	snop  }
0x7: {  	_ = 	snop  }
__scs_overlays_trampoline_lowered:
0x8: {  	[smem:$0x3FA7] =	sst s0  }
0x9: {  	[smem:$0x3FA8] =	sst s1  }
0xa: {  	[smem:$0x3FA9] =	sst s2  }
0xb: {  	[smem:$0x3FAA] =	sst s3  }
0xc: {  	[smem:$0x3FAB] =	sst s4  }
0xd: {  	[smem:$0x3FAC] =	sst s5  }
0xe: {  	[smem:$0x3FAD] =	sst s6  }
0xf: {  	[smem:$0x3FAE] =	sst s7  }
0x10: {  	[smem:$0x3FAF] =	sst s8  }
0x11: {  	[smem:$0x3FB0] =	sst s9;
	s0 =	simm.s32 @!p0 $0x0  }
0x12: {  	s1 =	sld [smem:$0x3F96];
	s0 =	simm.s32 @p0 $0x1  }
0x13: {  	[smem:$0x3FB1] =	sst s0;
	s0 =	simm.s32 @!p1 $0x0  }
0x14: {  	s2 =	sld [smem:$0x3F95];
	s0 =	simm.s32 @p1 $0x1  }
0x15: {  	[smem:$0x3FB2] =	sst s0;
	s0 =	simm.s32 @!p2 $0x0  }
0x16: {  	s3 =	sld [smem:$0x3FDB];
	s0 =	simm.s32 @p2 $0x1  }
0x17: {  	s4 =	simm.s32 $0x1BF5;
	[smem:$0x3FB4] =	sst s0  }
0x18: {  	s0 =	sld [smem:$0x3F97];
	_ =	swait.ge [sflag:s4], $0x0  }
0x19: {  	s7 =	sld [smem:$0x3F98]  }
0x1a: {  	s8 =	sadd.s32 $0xFFFFE003, lr  }
0x1b: {  	s9 =	sadd.s32 $0xFFFFFEF7, lr;
	s5 =	simm.s32 $0xFFFFFFFF;
	p2 =	slt.u32 s8, $0xFFFFF086  }
0x1c: {  	p1 =	slt.u32 s9, $0xF7A;
	s5 =	simm.s32 @!p2 $0x0  }
0x1d: {  	s5 =	simm.s32 @p1 $0x1;
	p0 =	seq.s32 s7, s2  }
0x1e: {  	s7 =	smul.u32 @!p0 $0xF7A, s2;
	p2 =	seq.s32 @!p0 s5, $0x0  }
0x1f: {  	s9 =	smul.u32 $0xF7A, s1;
	s8 =	simm.s32 @!p0 $0x1BF5;
	p2 =	por !p2, p0  }
0x20: {  	[sflag:s8] =	ssyncset.s32 @!p0 $0xFFFFF086;
	s6 =	sadd.s32 @!p0 s3, s7;
	s7 =	simm.s32 @!p0 $0x108  }
0x21: {  	s3 =	sadd.s32 s3, s9;
	s6 =	sadd.s32 @!p0 $0x88, s6;
	s7 =	simm.s32 @p2 $0x1082  }
0x22: {  	[simem:s7], [sflag:s8] =	dma.local @!p0 [hbm:s6], $0xF7A  }
0x23: {  	s9 =	sor.u32 $0xD0000000, s2;
	s6 =	simm.s32 $0x108;
	_ =	swait.ge @!p0 [sflag:s8], $0x0  }
0x24: {  	s3 =	sadd.s32 $0x88, s3;
	s6 =	simm.s32 @!p1 $0x1082;
	[sflag:s4] =	ssyncset.s32 $0xFFFFF086  }
0x25: {  	[simem:s6], [sflag:s4] =	dma.local [hbm:s3], $0xF7A  }
0x26: {  	[smem:$0x3F98] =	sst s1;
	(tag) =	ssettag s2;
	_ =	strace s9  }
0x27: {  	s1 =	sld [smem:$0x3FA8]  }
0x28: {  	s2 =	sld [smem:$0x3FA9]  }
0x29: {  	s4 =	sld [smem:$0x3FAB]  }
0x2a: {  	p0 =	seq.s32 s5, $0x0;
	s5 =	sld [smem:$0x3FAC]  }
0x2b: {  	s6 =	sld [smem:$0x3FAD]  }
0x2c: {  	s7 =	sld [smem:$0x3FAE]  }
0x2d: {  	s3 =	simm.s32 $0x108;
	s8 =	sld [smem:$0x3FAF]  }
0x2e: {  	s3 =	simm.s32 @!p0 $0x1082;
	s9 =	sld [smem:$0x3FB0]  }
0x2f: {  	lr =	sadd.s32 s0, s3;
	s0 =	sld [smem:$0x3FA7]  }
0x30: {  	s3 =	sld [smem:$0x3FAA]  }
0x31: {  	[smem:$0x3FB3] =	sst s10  }
0x32: {  	s10 =	sld [smem:$0x3FB1];
	_ =	sdelay $0x3  }
0x33: {  	p0 =	seq.s32 s10, $0x1;
	s10 =	sld [smem:$0x3FB3];
	_ =	sdelay $0x3  }
0x34: {  	[smem:$0x3FB3] =	sst s10  }
0x35: {  	s10 =	sld [smem:$0x3FB2];
	_ =	sdelay $0x3  }
0x36: {  	p1 =	seq.s32 s10, $0x1;
	s10 =	sld [smem:$0x3FB3];
	_ =	sdelay $0x3  }
0x37: {  	[smem:$0x3FB3] =	sst s10  }
0x38: {  	s10 =	sld [smem:$0x3FB4]  }
0x39: {  	_ = 	snop;
	(pc) =	sbr.ind lr, $3  }
0x3a: {  	_ = 	snop  }
0x3b: {  	_ = 	snop  }
0x3c: {  	p2 =	seq.s32 s10, $0x1;
	s10 =	sld [smem:$0x3FB3]  }
0x3d: {  	_ =	shalt  }
0x3e: {  	_ =	shalt  }
0x3f: {  	_ =	shalt  }
0x40: {  	_ =	shalt  }
0x41: {  	_ =	shalt  }
0x42: {  	_ =	shalt  }
0x43: {  	_ =	shalt  }
0x44: {  	_ =	shalt  }
0x45: {  	_ =	shalt  }
0x46: {  	_ =	shalt  }
0x47: {  	_ =	shalt  }
0x48: {  	_ =	shalt  }
0x49: {  	_ =	shalt  }
0x4a: {  	_ =	shalt  }
0x4b: {  	_ =	shalt  }
0x4c: {  	_ =	shalt  }
0x4d: {  	_ =	shalt  }
0x4e: {  	_ =	shalt  }
0x4f: {  	_ =	shalt  }
0x50: {  	_ =	shalt  }
0x51: {  	_ =	shalt  }
0x52: {  	_ =	shalt  }
0x53: {  	_ =	shalt  }
0x54: {  	_ =	shalt  }
0x55: {  	_ =	shalt  }
0x56: {  	_ =	shalt  }
0x57: {  	_ =	shalt  }
0x58: {  	_ =	shalt  }
0x59: {  	_ =	shalt  }
0x5a: {  	_ =	shalt  }
0x5b: {  	_ =	shalt  }
0x5c: {  	_ =	shalt  }
0x5d: {  	_ =	shalt  }
0x5e: {  	_ =	shalt  }
0x5f: {  	_ =	shalt  }
0x60: {  	_ =	shalt  }
0x61: {  	_ =	shalt  }
0x62: {  	_ =	shalt  }
0x63: {  	_ =	shalt  }
0x64: {  	_ =	shalt  }
0x65: {  	_ =	shalt  }
0x66: {  	_ =	shalt  }
0x67: {  	_ =	shalt  }
0x68: {  	_ =	shalt  }
0x69: {  	_ =	shalt  }
0x6a: {  	_ =	shalt  }
0x6b: {  	_ =	shalt  }
0x6c: {  	_ =	shalt  }
0x6d: {  	_ =	shalt  }
0x6e: {  	_ =	shalt  }
0x6f: {  	_ =	shalt  }
0x70: {  	_ =	shalt  }
0x71: {  	_ =	shalt  }
0x72: {  	_ =	shalt  }
0x73: {  	_ =	shalt  }
0x74: {  	_ =	shalt  }
0x75: {  	_ =	shalt  }
0x76: {  	_ =	shalt  }
0x77: {  	_ =	shalt  }
0x78: {  	_ =	shalt  }
0x79: {  	_ =	shalt  }
0x7a: {  	_ =	shalt  }
0x7b: {  	_ =	shalt  }
0x7c: {  	_ =	shalt  }
0x7d: {  	_ =	shalt  }
0x7e: {  	_ =	shalt  }
0x7f: {  	_ =	shalt  }
0x80: {  	_ =	shalt  }
0x81: {  	_ =	shalt  }
0x82: {  	_ =	shalt  }
0x83: {  	_ =	shalt  }
0x84: {  	_ =	shalt  }
0x85: {  	_ =	shalt  }
0x86: {  	_ =	shalt  }
0x87: {  	_ =	shalt  }
.Lfunc_end0:
.L_simem_size_0:
called_computation_lowered:
.L_overlay_start_0:
0x88: {  	s2 =	sld [smem:$0x3FD9]  }
0x89: {  	s3 =	sld [smem:$0x3FFE];
	_ =	sdelay $0x1  }
0x8a: {  	s1 =	srdreg.scid  }
0x8b: {  	s0 =	sand.u32 $0x1, s1  }
0x8c: {  	s14 =	sshll.u32 s0, $0xA;
	s2 =	sadd.s32 s3, s2  }
0x8d: {  	s2 =	sadd.s32 s2, s14  }
0x8e: {  	[smem:$0x3FBF] =	sst s2  }
0x8f: {  	_ = 	snop  }
0x90: {  	s2 =	sld [smem:$0x3FD0];
	_ =	sdelay $0x1  }
0x91: {  	s15 =	sld [smem:$0x3FC9]  }
0x92: {  	s5 =	simm.s32 $0xA;
	s6 =	simm.s32 $0x10;
	s4 =	sld [smem:$0x3FC6]  }
0x93: {  	[smem:s6], [sflag:s5] =	dma.local [hbm:s2], $0x1  }
0x94: {  	_ =	swait.eq [sflag:s5], $0x1  }
0x95: {  	[sflag:s5] =	ssyncset.done $0x0  }
0x96: {  	s16 =	sld [smem:$0x10];
	[sflag:s5] =	ssyncadd.s32 $0xFFFFFFFF  }
0x97: {  	s17 =	sld [smem:$0x11];
	(tm) =	ssettm $0x1  }
0x98: {  	s18 =	sld [smem:$0x3FFB];
	_ =	sdelay $0x3  }
0x99: {  	_ =	strace s18  }
0x9a: {  	s6 =	sld [smem:$0x3FFC];
	_ =	sdelay $0x3  }
0x9b: {  	_ =	strace s6  }
0x9c: {  	s6 =	sld [smem:$0x3FFD];
	_ =	sdelay $0x3  }
0x9d: {  	_ =	strace s6  }
0x9e: {  	_ =	strace $0x8FFFFFFF  }
0x9f: {  	s19 =	sld [smem:$0x3FDB];
	_ =	sdelay $0x1  }
0xa0: {  	s7 =	simm.s32 $_scs_section_size  }
0xa1: {  	s8 =	simm.s32 $_size__tile_overlayer_lowered;
	s9 =	simm.s32 $_tile_overlayer_lowered  }
0xa2: {  	s22 =	simm.s32 $0x1BFF;
	s21 =	sshll.u32 s9, $0x1;
	s6 =	sadd.s32 s7, s19  }
0xa3: {  	s10 =	simm.s32 $0x0;
	s20 =	sshll.u32 s8, $0x1;
	s8 =	sadd.s32 s21, s6  }
0xa4: {  	[timem:s10], [sflag:s22] =	dma.local [hbm:s8], s20  }
0xa5: {  	_ =	swait.ge [sflag:s22], s20  }
0xa6: {  	s7 =	ssub.s32 $0x0, s20;
	[sflag:s22] =	ssyncset.done $0x0  }
0xa7: {  	[sflag:s22] =	ssyncadd.s32 s7;
	_ =	sdelay $0x1  }
0xa8: {  	s23 =	simm.s32 $0x1B8B  }
0xa9: {  	_ =	swait.ge [sflag:s23], $0x1  }
0xaa: {  	[sflag:s23] =	ssyncset.done $0x0  }
0xab: {  	s25 =	simm.s32 $0x1B8E;
	s24 =	sld [smem:$0x3FFE];
	[sflag:s23] =	ssyncadd.s32 $0xFFFFFFFF  }
0xac: {  	s26 =	simm.s32 $execute0_lowered;
	[smem:$0x3FD2] =	sst s25  }
0xad: {  	s8 =	sshll.u32 s26, $0x1;
	_ =	strace $0x80000046;
	[dreg:$0x1] =	wrdreg $0xFFFFFFFF  }
0xae: {  	s28 =	simm.s32 $_size_execute0_lowered;
	s6 =	sadd.s32 s6, s8;
	[dreg:$0x0] =	wrdreg $0x0  }
0xaf: {  	s8 =	sshll.u32 s28, $0x1;
	[dreg:$0x2] =	wrdreg s6  }
0xb0: {  	[dreg:$0x3] =	wrdreg s8  }
0xb1: {  	[dreg:$0x4] =	wrdreg $0xC0  }
0xb2: {  	_ =	task [dreg:s10], $0x5FFFF  }
0xb3: {  	[dreg:$0x1] =	wrdreg $0xFFFFFFFF  }
0xb4: {  	[dreg:$0x0] =	wrdreg $0x60  }
0xb5: {  	[dreg:$0x2] =	wrdreg s24  }
0xb6: {  	[dreg:$0x3] =	wrdreg s16  }
0xb7: {  	[dreg:$0x4] =	wrdreg s17  }
0xb8: {  	[dreg:$0x5] =	wrdreg s4  }
0xb9: {  	[dreg:$0x6] =	wrdreg s15  }
0xba: {  	[dreg:$0x7] =	wrdreg $0xAC000  }
0xbb: {  	[dreg:$0x8] =	wrdreg $0x9  }
0xbc: {  	_ =	task.clear_ibuf [dreg:s10], $0x9FFFF;
	_ =	strace $0x90000046  }
0xbd: {  	s29 =	simm.s32 $0x9;
	_ =	strace $0x80000048  }
0xbe: {  	_ =	swait.ge [sflag:s29], $0x1  }
0xbf: {  	[sflag:s29] =	ssyncadd.s32 $0xFFFFFFFF  }
0xc0: {  	_ =	strace $0x90000048  }
0xc1: {  	_ =	sfence  }
0xc2: {  	s30 =	sld [smem:$0x0];
	_ =	sdelay $0x2  }
0xc3: {  	s31 =	sshll.u32 s1, $0xD;
	s1 =	sshrl.u32 s1, $0x2  }
0xc4: {  	s3 =	sand.u32 $0x4000, s31;
	s1 =	sadd.s32 s1, s30  }
0xc5: {  	s0 =	sor.u32 s3, s0;
	s1 =	sshll.u32 s1, $0x11  }
0xc6: {  	s0 =	sor.u32 s1, s0  }
0xc7: {  	s0 =	sadd.s32 $0x8F2B, s0  }
0xc8: {  	[sflag:s0] =	ssyncadd.remote.s32 $0x1  }
0xc9: {  	_ =	sfence.sel $0xFFFF  }
0xca: {  	[dreg:$0x0] =	wrdreg $0xFFFFFFFF;
	(pc) =	sbr.abs _section_cstart, $3  }
0xcb: {  	[dreg:$0x1] =	wrdreg $0xFFFFFFFF  }
0xcc: {  	_ =	task.clear_ibuf [dreg:s10], $0x2FFFF;
	_ =	strace $0x9FFFFFFF  }
0xcd: {  	(tm) =	ssettm $0x7FFFFFFF  }
tec
execute0_lowered:
.L_overlay_start_1:
0x0: {  	(tag) =	ssettag $0x1  }
0x1: {  	s0 =	rddreg [dreg:$0x0]  }
0x2: {  	s6 =	rddreg [dreg:$0x1]  }
0x3: {  	s1 =	rddreg [dreg:$0x2]  }
0x4: {  	s2 =	rddreg [dreg:$0x3]  }
0x5: {  	s3 =	rddreg [dreg:$0x4];
	s18 =	stileid.u32  }
0x6: {  	s7 =	srdreg.scid;
	s11 =	smul.u32 $0x14000, s18  }
0x7: {  	s4 =	rddreg [dreg:$0x5];
	s9 =	sand.u32 $0x1, s7;
	s13 =	smul.u32 $0x50000, s18  }
0x8: {  	s5 =	simm.s32 $0x0;
	s12 =	sshll.u32 s18, $0x1;
	s8 =	smul.u32 $0x140000, s9  }
0x9: {  	s12 =	sor.u32 s9, s12;
	s23 =	ssub.s32 $0x2, s9;
	s9 =	smul.u32 $0x3E8, s9  }
0xa: {  	[smem:$0x7FF] =	sst s5;
	s14 =	smul.u32 $0x3E8, s12  }
0xb: {  	s10 =	sadd.s32 $0x1400, s0;
	s7 =	sadd.s32 $0x9200, s0;
	s16 =	smul.u32 $0x1F40, s12  }
0xc: {  	_ =	strace $0x80000047;
	s15 =	sshrl.u32 s23, $0x1;
	s17 =	smul.u32 $0xFA, s12  }
0xd: {  	s24 =	sshrl.u32 s13, $0x2;
	s8 =	sadd.s32 s11, s8;
	s11 =	smul.u32 $0x19, s12  }
0xe: {  	s15 =	ssub.s32 s23, s15;
	s12 =	smul.u32 $0x7D0, s12;
	s25 =	sadd.s32 s10, s14  }
0xf: {  	s8 =	sshrl.u32 s8, $0x3;
	s19 =	sadd.s32 s6, s14;
	[dreg:$0x7] =	wrdreg s25  }
0x10: {  	s26 =	sshrl.u32 s16, $0x3;
	s16 =	sadd.s32 s7, s17;
	[dreg:$0x8] =	wrdreg s19  }
0x11: {  	s25 =	smul.u32 $0x7D0, s18;
	[dreg:$0xf] =	wrdreg s16;
	s18 =	sadd.s32 s1, s17  }
0x12: {  	s20 =	sadd.s32 $0xA, s26;
	s19 =	sadd.s32 s2, s17;
	[dreg:$0x10] =	wrdreg s18  }
0x13: {  	s0 =	sadd.s32 s8, s0;
	s21 =	sadd.s32 s10, s20;
	[dreg:$0x11] =	wrdreg s19  }
0x14: {  	s22 =	sadd.s32 $0x14, s26;
	s14 =	sadd.s32 s6, s20;
	[dreg:$0x9] =	wrdreg s21  }
0x15: {  	s8 =	sadd.s32 s24, s4;
	s23 =	sadd.s32 s10, s22;
	[dreg:$0xa] =	wrdreg s14  }
0x16: {  	s13 =	sadd.s32 $0x1E, s26;
	s24 =	sadd.s32 s6, s22;
	[dreg:$0xb] =	wrdreg s23  }
0x17: {  	s12 =	sshrl.u32 s12, $0x3;
	s26 =	sadd.s32 s10, s13;
	[dreg:$0xc] =	wrdreg s24  }
0x18: {  	s13 =	sadd.s32 s6, s13;
	s20 =	sadd.s32 $0xA, s12;
	[dreg:$0xd] =	wrdreg s26  }
0x19: {  	s0 =	sadd.s32 $0xB200, s0;
	s18 =	smax.u32 s15, $0x1;
	[dreg:$0xe] =	wrdreg s13  }
0x1a: {  	s10 =	sadd.s32 s25, s10;
	s6 =	sadd.s32 s25, s6;
	[dreg:$0x1b] =	wrdreg s0  }
0x1b: {  	s21 =	sadd.s32 s7, s20;
	s22 =	sadd.s32 s1, s20;
	[dreg:$0x1c] =	wrdreg s18  }
0x1c: {  	s23 =	sadd.s32 $0x14, s12;
	s10 =	sadd.s32 s9, s10;
	[dreg:$0x12] =	wrdreg s21  }
0x1d: {  	s6 =	sadd.s32 s9, s6;
	[dreg:$0x13] =	wrdreg s22;
	s9 =	sadd.s32 s2, s20  }
0x1e: {  	s25 =	sadd.s32 s7, s23;
	[dreg:$0x14] =	wrdreg s9  }
0x1f: {  	s26 =	sadd.s32 s1, s23;
	[dreg:$0x15] =	wrdreg s25  }
0x20: {  	s24 =	sadd.s32 $0x1E, s12;
	s14 =	sadd.s32 s2, s23;
	[dreg:$0x16] =	wrdreg s26  }
0x21: {  	s16 =	sadd.s32 s7, s24;
	[dreg:$0x17] =	wrdreg s14  }
0x22: {  	s17 =	sadd.s32 s1, s24;
	[dreg:$0x18] =	wrdreg s16  }
0x23: {  	s21 =	sadd.s32 $0x2800, s8;
	[dreg:$0x19] =	wrdreg s17  }
0x24: {  	s28 =	simm.s32 $0x1;
	s22 =	sadd.s32 $0x5000, s8;
	[dreg:$0x1f] =	wrdreg s21  }
0x25: {  	s29 =	simm.s32 $0x50;
	s23 =	sadd.s32 $0x7800, s8;
	[smem:$0x7F9] =	sst s22  }
0x26: {  	s30 =	simm.s32 $0x2;
	s9 =	sadd.s32 s2, s24;
	[smem:$0x7FA] =	sst s23  }
0x27: {  	s31 =	simm.s32 $0x3000;
	s19 =	sadd.s32 $0x28, s10;
	[dreg:$0x1a] =	wrdreg s9  }
0x28: {  	s18 =	simm.s32 $0x800;
	s20 =	sadd.s32 $0x28, s6;
	[dreg:$0x1d] =	wrdreg s19  }
0x29: {  	s0 =	simm.s32 $0xF;
	s24 =	sadd.s32 $0xA000, s8;
	[dreg:$0x1e] =	wrdreg s20  }
0x2a: {  	s12 =	simm.s32 $0xD;
	s25 =	sadd.s32 $0xC800, s8;
	[smem:$0x7FB] =	sst s24  }
0x2b: {  	s26 =	sadd.s32 $0xF000, s8;
	s17 =	sadd.s32 $0x11800, s8;
	[smem:$0x7FC] =	sst s25  }
0x2c: {  	s21 =	simm.s32 $0x80;
	s10 =	simm.s32 $0x10;
	[smem:$0x7FD] =	sst s26  }
0x2d: {  	v0 =	vimm.f32 $0.0e+00;
	v1 =	vlaneseq.u32;
	s19 =	simm.s32 $0x11;
	s25 =	simm.s32 $0x180;
	s26 =	simm.s32 $0x580  }
.LBB2_1:
0x2e: {  	s6 =	simm.s32 $0x0;
	s9 =	simm.s32 $0x200  }
.LBB2_2:
0x2f: {  	p0 =	sne.s32 s9, $0x9E00;
	[tilespmem:s6+$0x870] =	vst v0  }
0x30: {  	[tilespmem:s6+$0x800] =	vst v0  }
0x31: {  	[tilespmem:s6+$0x810] =	vst v0  }
.Ltmp0:
0x32: {  	[tilespmem:s6+$0x820] =	vst v0;
	(pc) =	sbr.rel @p0 .LBB2_2-.Ltmp0, $4  }
0x33: {  	[tilespmem:s6+$0x830] =	vst v0  }
0x34: {  	[tilespmem:s6+$0x840] =	vst v0  }
0x35: {  	[tilespmem:s6+$0x850] =	vst v0  }
0x36: {  	[tilespmem:s6+$0x860] =	vst v0;
	s6 =	sshra.s32 s9, $0x2;
	s9 =	sadd.s32 $0x200, s9  }
0x37: {  	[tilespmem:s6+$0x870] =	vst v0  }
0x38: {  	[tilespmem:s6+$0x800] =	vst v0  }
0x39: {  	[tilespmem:s6+$0x810] =	vst v0  }
0x3a: {  	[tilespmem:s6+$0x820] =	vst v0  }
0x3b: {  	[tilespmem:s6+$0x830] =	vst v0  }
0x3c: {  	[tilespmem:s6+$0x840] =	vst v0  }
0x3d: {  	[tilespmem:s6+$0x850] =	vst v0  }
0x3e: {  	[tilespmem:s6+$0x860] =	vst v0  }
0x3f: {  	[spmem:s8] =	stream.linear.scatter [tilespmem:s18], [sflag:$0x11], $0x2800, $0x38;
	[tilespmem:$0x1EC00] =	vst v63  }
0x40: {  	_ =	swait.ge [sflag:s19], $0x2800  }
0x41: {  	[sflag:s19] =	ssyncset.done $0x0  }
0x42: {  	s13 =	rddreg [dreg:$0x1f];
	[sflag:s19] =	ssyncadd.s32 $0xFFFFD800  }
0x43: {  	[spmem:s13] =	stream.linear.scatter [tilespmem:s18], [sflag:$0x11], $0x2800, $0x38;
	[tilespmem:$0x1EC00] =	vst v63  }
0x44: {  	_ =	swait.ge [sflag:s19], $0x2800  }
0x45: {  	s14 =	sld [smem:$0x7F9]  }
0x46: {  	[sflag:s19] =	ssyncset.done $0x0  }
0x47: {  	[sflag:s19] =	ssyncadd.s32 $0xFFFFD800  }
0x48: {  	[spmem:s14] =	stream.linear.scatter [tilespmem:s18], [sflag:$0x11], $0x2800, $0x38;
	[tilespmem:$0x1EC00] =	vst v63  }
0x49: {  	_ =	swait.ge [sflag:s19], $0x2800  }
0x4a: {  	s15 =	sld [smem:$0x7FA]  }
0x4b: {  	[sflag:s19] =	ssyncset.done $0x0  }
0x4c: {  	[sflag:s19] =	ssyncadd.s32 $0xFFFFD800  }
0x4d: {  	[spmem:s15] =	stream.linear.scatter [tilespmem:s18], [sflag:$0x11], $0x2800, $0x38;
	[tilespmem:$0x1EC00] =	vst v63  }
0x4e: {  	_ =	swait.ge [sflag:s19], $0x2800  }
0x4f: {  	s16 =	sld [smem:$0x7FB]  }
0x50: {  	[sflag:s19] =	ssyncset.done $0x0  }
0x51: {  	[sflag:s19] =	ssyncadd.s32 $0xFFFFD800  }
0x52: {  	[spmem:s16] =	stream.linear.scatter [tilespmem:s18], [sflag:$0x11], $0x2800, $0x38;
	[tilespmem:$0x1EC00] =	vst v63  }
0x53: {  	_ =	swait.ge [sflag:s19], $0x2800  }
0x54: {  	s20 =	sld [smem:$0x7FC]  }
0x55: {  	[sflag:s19] =	ssyncset.done $0x0  }
0x56: {  	[sflag:s19] =	ssyncadd.s32 $0xFFFFD800  }
0x57: {  	[spmem:s20] =	stream.linear.scatter [tilespmem:s18], [sflag:$0x11], $0x2800, $0x38;
	[tilespmem:$0x1EC00] =	vst v63  }
0x58: {  	_ =	swait.ge [sflag:s19], $0x2800  }
0x59: {  	s22 =	sld [smem:$0x7FD]  }
0x5a: {  	[sflag:s19] =	ssyncset.done $0x0  }
0x5b: {  	[sflag:s19] =	ssyncadd.s32 $0xFFFFD800  }
0x5c: {  	[spmem:s22] =	stream.linear.scatter [tilespmem:s18], [sflag:$0x11], $0x2800, $0x38;
	[tilespmem:$0x1EC00] =	vst v63  }
0x5d: {  	_ =	swait.ge [sflag:s19], $0x2800  }
0x5e: {  	[sflag:s19] =	ssyncset.done $0x0  }
0x5f: {  	[sflag:s19] =	ssyncadd.s32 $0xFFFFD800  }
0x60: {  	[spmem:s17] =	stream.linear.scatter [tilespmem:s18], [sflag:$0x11], $0x2800, $0x38;
	[tilespmem:$0x1EC00] =	vst v63  }
0x61: {  	_ =	swait.ge [sflag:s19], $0x2800  }
0x62: {  	[sflag:s19] =	ssyncset.done $0x0  }
0x63: {  	[sflag:s19] =	ssyncadd.s32 $0xFFFFD800  }
0x64: {  	[bflag:$0x0] =	sbarrier.arrive $0xFFFF  }
0x65: {  	s6 =	simm.s32 $0x0;
	s9 =	rddreg [dreg:$0x7]  }
0x66: {  	[tilespmem:s6], [sflag:$0x1] =	stream.linear.gather [hbm4b:s9+s6], $0x50, $0x38;
	[tilespmem:$0x1EC00] =	vst v63  }
0x67: {  	s13 =	simm.s32 $0x400;
	s23 =	rddreg [dreg:$0x8]  }
0x68: {  	[tilespmem:s13], [sflag:$0x1] =	stream.linear.gather [hbm4b:s23+s6], $0x50, $0x38;
	[tilespmem:$0x1EC00] =	vst v63  }
0x69: {  	s24 =	rddreg [dreg:$0x9]  }
0x6a: {  	[tilespmem:s21], [sflag:$0x2] =	stream.linear.gather [hbm4b:s24+s6], $0x50, $0x38;
	[tilespmem:$0x1EC00] =	vst v63  }
0x6b: {  	s14 =	simm.s32 $0x480;
	s13 =	rddreg [dreg:$0xa]  }
0x6c: {  	[tilespmem:s14], [sflag:$0x2] =	stream.linear.gather [hbm4b:s13+s6], $0x50, $0x38;
	[tilespmem:$0x1EC00] =	vst v63  }
0x6d: {  	s16 =	simm.s32 $0x100;
	s15 =	rddreg [dreg:$0xb]  }
0x6e: {  	[tilespmem:s16], [sflag:$0x3] =	stream.linear.gather [hbm4b:s15+s6], $0x50, $0x38;
	[tilespmem:$0x1EC00] =	vst v63  }
0x6f: {  	s22 =	simm.s32 $0x500;
	s20 =	rddreg [dreg:$0xc]  }
0x70: {  	[tilespmem:s22], [sflag:$0x3] =	stream.linear.gather [hbm4b:s20+s6], $0x50, $0x38;
	[tilespmem:$0x1EC00] =	vst v63  }
0x71: {  	s23 =	rddreg [dreg:$0xd]  }
0x72: {  	[tilespmem:s25], [sflag:$0x4] =	stream.linear.gather [hbm4b:s23+s6], $0x50, $0x38;
	[tilespmem:$0x1EC00] =	vst v63  }
0x73: {  	s24 =	rddreg [dreg:$0xe]  }
0x74: {  	[tilespmem:s26], [sflag:$0x4] =	stream.linear.gather [hbm4b:s24+s6], $0x50, $0x38;
	[tilespmem:$0x1EC00] =	vst v63  }
0x75: {  	_ =	swait.ge [sflag:s28], $0x50  }
0x76: {  	[sflag:s28] =	ssyncset.done $0x0  }
0x77: {  	[sflag:s28] =	ssyncadd.s32 $0xFFFFFFB0  }
0x78: {  	_ =	swait.ge [sflag:s28], $0x50  }
0x79: {  	[sflag:s28] =	ssyncset.done $0x0  }
0x7a: {  	[sflag:s28] =	ssyncadd.s32 $0xFFFFFFB0  }
0x7b: {  	[tilespmem:s18], [sflag:$0x9] =	stream.indirect.gather [hbm4b:s3+s29], $0x80, s6, s29, $0xb8;
	[tilespmem:$0x1EC00] =	vst v63  }
0x7c: {  	_ =	swait.ge [sflag:s30], $0x50  }
0x7d: {  	[sflag:s30] =	ssyncset.done $0x0  }
.Ltmp1:
0x7e: {  	[sflag:s30] =	ssyncadd.s32 $0xFFFFFFB0;
	(pc) =	sbr.rel .LBB2_4-.Ltmp1, $4  }
0x7f: {  	_ =	swait.ge [sflag:s30], $0x50  }
0x80: {  	[sflag:s30] =	ssyncset.done $0x0;
	s13 =	rddreg [dreg:$0x1e]  }
0x81: {  	s9 =	simm.s32 $0x4;
	s14 =	rddreg [dreg:$0x1d];
	[sflag:s30] =	ssyncadd.s32 $0xFFFFFFB0  }
0x82: {  	[tilespmem:s31], [sflag:$0xA] =	stream.indirect.gather [hbm4b:s3+s29], $0x80, s21, s29, $0xb8;
	[tilespmem:$0x1EC00] =	vst v63  }
.LBB2_6:
0x83: {  	s9 =	sadd.s32 $0x1, s9  }
0x84: {  	s16 =	smul.u32 $0xA000, s15;
	p0 =	sne.s32 s9, $0x68  }
.Ltmp2:
0x85: {  	_ = 	snop;
	(pc) =	sbr.rel @!p0 .LBB2_7-.Ltmp2, $4  }
0x86: {  	s20 =	sand.u32 $0x380, s6;
	s24 =	sadd.s32 $0xD, s15  }
0x87: {  	s14 =	sadd.s32 $0xA, s14;
	s13 =	sadd.s32 $0xA, s13;
	s16 =	sshrl.u32 s16, $0x2  }
0x88: {  	s6 =	sadd.s32 $0x80, s6;
	s20 =	sor.u32 $0x400, s20;
	s16 =	sadd.s32 $0x800, s16  }
0x89: {  	[spmem:s4] =	stream.indirect.scatter.add.f32 [tilespmem:s16], [sflag:s24], $0x80, s20, s29, $0xb8;
	[tilespmem:$0x1EC00] =	vst v63  }
.LBB2_4:
0x8a: {  	s20 =	sadd.s32 $0xFFFFFFFC, s9  }
0x8b: {  	s15 =	sand.u32 $0x3, s20;
	p0 =	slt.u32 s20, $0x2  }
0x8c: {  	s16 =	sadd.s32 $0x9, s15;
	p1 =	sgt.u32 @!p0 s20, $0x61  }
0x8d: {  	_ =	swait.ge [sflag:s16], $0x2800;
	p1 =	por p0, !p1  }
.Ltmp3:
0x8e: {  	s22 =	sxor.u32 @!p0 $0x2, s15;
	[sflag:s16] =	ssyncset.done $0x0;
	(pc) =	sbr.rel @!p1 .LBB2_6-.Ltmp3, $4  }
0x8f: {  	[sflag:s16] =	ssyncadd.s32 $0xFFFFD800;
	s16 =	sadd.s32 @!p0 $0xD, s22  }
0x90: {  	_ =	swait.ge @!p0 [sflag:s16], $0x2800  }
0x91: {  	[sflag:s16] =	ssyncset.done @!p0 $0x0  }
0x92: {  	[sflag:s16] =	ssyncadd.s32 @!p0 $0xFFFFD800  }
0x93: {  	s16 =	sadd.s32 $0xFFFFFFFE, s9  }
0x94: {  	s22 =	sand.u32 $0x7, s16  }
0x95: {  	s23 =	sadd.s32 $0x1, s22  }
0x96: {  	_ =	swait.ge [sflag:s23], $0x50  }
0x97: {  	s16 =	sand.u32 $0x3, s16;
	[sflag:s23] =	ssyncset.done $0x0  }
0x98: {  	s24 =	smul.u32 $0xA000, s16;
	[sflag:s23] =	ssyncadd.s32 $0xFFFFFFB0  }
0x99: {  	p0 =	sgt.u32 s20, $0x5F;
	_ =	swait.ge [sflag:s23], $0x50  }
0x9a: {  	s22 =	sshll.u32 s22, $0x7;
	s24 =	sshrl.u32 s24, $0x2;
	[sflag:s23] =	ssyncset.done $0x0  }
0x9b: {  	s16 =	sadd.s32 $0x9, s16;
	[sflag:s23] =	ssyncadd.s32 $0xFFFFFFB0;
	s23 =	sadd.s32 $0x800, s24  }
0x9c: {  	[tilespmem:s23], [sflag:s16] =	stream.indirect.gather [hbm4b:s3+s29], $0x80, s22, s29, $0xb8;
	[tilespmem:$0x1EC00] =	vst v63  }
.Ltmp4:
0x9d: {  	s16 =	sand.u32 @!p0 $0x7, s9;
	(pc) =	sbr.rel .LBB2_6-.Ltmp4, $4  }
0x9e: {  	s22 =	simm.s32 @!p0 $0x0;
	s20 =	sadd.s32 @!p0 $0x1, s16;
	s16 =	sshll.u32 @!p0 s16, $0x7  }
0x9f: {  	[tilespmem:s16], [sflag:s20] =	stream.linear.gather @!p0 [hbm4b:s14+s22], $0x50, $0x38;
	[tilespmem:$0x1EC00] =	vst v63  }
0xa0: {  	s16 =	sor.u32 @!p0 $0x400, s16  }
0xa1: {  	[tilespmem:s16], [sflag:s20] =	stream.linear.gather @!p0 [hbm4b:s13+s22], $0x50, $0x38;
	[tilespmem:$0x1EC00] =	vst v63  }
.LBB2_7:
0xa2: {  	_ =	swait.ge [sflag:s0], $0x2800  }
0xa3: {  	[sflag:s0] =	ssyncset.done $0x0  }
0xa4: {  	[sflag:s0] =	ssyncadd.s32 $0xFFFFD800  }
0xa5: {  	_ =	swait.ge [sflag:s10], $0x2800  }
0xa6: {  	[sflag:s10] =	ssyncset.done $0x0  }
0xa7: {  	s20 =	simm.s32 $0x0;
	s6 =	rddreg [dreg:$0xf];
	[sflag:s10] =	ssyncadd.s32 $0xFFFFD800  }
0xa8: {  	[tilespmem:s20], [sflag:$0x1] =	stream.linear.gather [hbm4b:s6+s20], $0x50, $0x38;
	[tilespmem:$0x1EC00] =	vst v63  }
0xa9: {  	s9 =	simm.s32 $0x400;
	s22 =	rddreg [dreg:$0x10]  }
0xaa: {  	[tilespmem:s9], [sflag:$0x1] =	stream.linear.gather [hbm4b:s22+s20], $0x50, $0x38;
	[tilespmem:$0x1EC00] =	vst v63  }
0xab: {  	s24 =	simm.s32 $0xA800;
	s23 =	rddreg [dreg:$0x11]  }
0xac: {  	[tilespmem:s24], [sflag:$0x1] =	stream.linear.gather [hbm4b:s23+s20], $0x50, $0x38;
	[tilespmem:$0x1EC00] =	vst v63  }
0xad: {  	s13 =	rddreg [dreg:$0x12]  }
0xae: {  	[tilespmem:s21], [sflag:$0x2] =	stream.linear.gather [hbm4b:s13+s20], $0x50, $0x38;
	[tilespmem:$0x1EC00] =	vst v63  }
0xaf: {  	s15 =	simm.s32 $0x480;
	s14 =	rddreg [dreg:$0x13]  }
0xb0: {  	[tilespmem:s15], [sflag:$0x2] =	stream.linear.gather [hbm4b:s14+s20], $0x50, $0x38;
	[tilespmem:$0x1EC00] =	vst v63  }
0xb1: {  	s16 =	rddreg [dreg:$0x14];
	s22 =	simm.s32 $0xA880  }
0xb2: {  	[tilespmem:s22], [sflag:$0x2] =	stream.linear.gather [hbm4b:s16+s20], $0x50, $0x38;
	[tilespmem:$0x1EC00] =	vst v63  }
0xb3: {  	s23 =	rddreg [dreg:$0x15];
	s24 =	simm.s32 $0x100  }
0xb4: {  	[tilespmem:s24], [sflag:$0x3] =	stream.linear.gather [hbm4b:s23+s20], $0x50, $0x38;
	[tilespmem:$0x1EC00] =	vst v63  }
0xb5: {  	s9 =	rddreg [dreg:$0x16];
	s13 =	simm.s32 $0x500  }
0xb6: {  	[tilespmem:s13], [sflag:$0x3] =	stream.linear.gather [hbm4b:s9+s20], $0x50, $0x38;
	[tilespmem:$0x1EC00] =	vst v63  }
0xb7: {  	s14 =	rddreg [dreg:$0x17];
	s15 =	simm.s32 $0xA900  }
0xb8: {  	[tilespmem:s15], [sflag:$0x3] =	stream.linear.gather [hbm4b:s14+s20], $0x50, $0x38;
	[tilespmem:$0x1EC00] =	vst v63  }
0xb9: {  	s16 =	rddreg [dreg:$0x18]  }
0xba: {  	[tilespmem:s25], [sflag:$0x4] =	stream.linear.gather [hbm4b:s16+s20], $0x50, $0x38;
	[tilespmem:$0x1EC00] =	vst v63  }
0xbb: {  	s22 =	rddreg [dreg:$0x19]  }
0xbc: {  	[tilespmem:s26], [sflag:$0x4] =	stream.linear.gather [hbm4b:s22+s20], $0x50, $0x38;
	[tilespmem:$0x1EC00] =	vst v63  }
0xbd: {  	s23 =	rddreg [dreg:$0x1a];
	s24 =	simm.s32 $0xA980  }
0xbe: {  	[tilespmem:s24], [sflag:$0x4] =	stream.linear.gather [hbm4b:s23+s20], $0x50, $0x38;
	[tilespmem:$0x1EC00] =	vst v63  }
0xbf: {  	_ =	swait.ge [sflag:s28], $0x50  }
0xc0: {  	[sflag:s28] =	ssyncset.done $0x0  }
0xc1: {  	[sflag:s28] =	ssyncadd.s32 $0xFFFFFFB0  }
0xc2: {  	_ =	swait.ge [sflag:s28], $0x50  }
0xc3: {  	[sflag:s28] =	ssyncset.done $0x0  }
0xc4: {  	[sflag:s28] =	ssyncadd.s32 $0xFFFFFFB0  }
0xc5: {  	_ =	swait.ge [sflag:s28], $0x50  }
0xc6: {  	[sflag:s28] =	ssyncset.done $0x0  }
0xc7: {  	[sflag:s28] =	ssyncadd.s32 $0xFFFFFFB0  }
0xc8: {  	[tilespmem:s18], [sflag:$0x9] =	stream.indirect.gather [hbm4b:s3+s29], $0x80, s20, s29, $0xb8;
	[tilespmem:$0x1EC00] =	vst v63  }
0xc9: {  	_ =	swait.ge [sflag:s30], $0x50  }
0xca: {  	[sflag:s30] =	ssyncset.done $0x0  }
0xcb: {  	[sflag:s30] =	ssyncadd.s32 $0xFFFFFFB0  }
0xcc: {  	_ =	swait.ge [sflag:s30], $0x50  }
0xcd: {  	[sflag:s30] =	ssyncset.done $0x0  }
0xce: {  	[sflag:s30] =	ssyncadd.s32 $0xFFFFFFB0  }
0xcf: {  	_ =	swait.ge [sflag:s30], $0x50  }
0xd0: {  	[sflag:s30] =	ssyncset.done $0x0  }
0xd1: {  	s13 =	simm.s32 $0x0;
	[sflag:s30] =	ssyncadd.s32 $0xFFFFFFB0  }
0xd2: {  	[tilespmem:s31], [sflag:$0xA] =	stream.indirect.gather [hbm4b:s3+s29], $0x80, s21, s29, $0xb8;
	[tilespmem:$0x1EC00] =	vst v63  }
.LBB2_8:
0xd3: {  	s6 =	sand.u32 $0x3, s13;
	p0 =	slt.u32 s13, $0x2  }
0xd4: {  	s9 =	sadd.s32 $0x9, s6;
	p1 =	sgt.u32 @!p0 s13, $0x16  }
0xd5: {  	_ =	swait.ge [sflag:s9], $0x2800;
	p1 =	por p0, !p1  }
.Ltmp5:
0xd6: {  	s14 =	sxor.u32 @!p0 $0x2, s6;
	[sflag:s9] =	ssyncset.done $0x0;
	(pc) =	sbr.rel @!p1 .LBB2_10-.Ltmp5, $4  }
0xd7: {  	[sflag:s9] =	ssyncadd.s32 $0xFFFFD800;
	s9 =	sadd.s32 @!p0 $0xD, s14  }
0xd8: {  	_ =	swait.ge @!p0 [sflag:s9], $0x2800  }
0xd9: {  	[sflag:s9] =	ssyncset.done @!p0 $0x0  }
0xda: {  	[sflag:s9] =	ssyncadd.s32 @!p0 $0xFFFFD800  }
0xdb: {  	s9 =	sadd.s32 $0x2, s13  }
0xdc: {  	s14 =	sand.u32 $0x7, s9  }
0xdd: {  	s15 =	sadd.s32 $0x1, s14  }
0xde: {  	_ =	swait.ge [sflag:s15], $0x50  }
0xdf: {  	[sflag:s15] =	ssyncset.done $0x0  }
0xe0: {  	[sflag:s15] =	ssyncadd.s32 $0xFFFFFFB0  }
0xe1: {  	_ =	swait.ge [sflag:s15], $0x50  }
0xe2: {  	s9 =	sand.u32 $0x3, s9;
	[sflag:s15] =	ssyncset.done $0x0  }
0xe3: {  	s16 =	smul.u32 $0xA000, s9;
	[sflag:s15] =	ssyncadd.s32 $0xFFFFFFB0  }
0xe4: {  	p0 =	sgt.u32 s13, $0x14;
	_ =	swait.ge [sflag:s15], $0x50  }
0xe5: {  	s14 =	sshll.u32 s14, $0x7;
	s16 =	sshrl.u32 s16, $0x2;
	[sflag:s15] =	ssyncset.done $0x0  }
0xe6: {  	s9 =	sadd.s32 $0x9, s9;
	s24 =	sadd.s32 $0x800, s16;
	[sflag:s15] =	ssyncadd.s32 $0xFFFFFFB0  }
0xe7: {  	[tilespmem:s24], [sflag:s9] =	stream.indirect.gather [hbm4b:s3+s29], $0x80, s14, s29, $0xb8;
	[tilespmem:$0x1EC00] =	vst v63  }
0xe8: {  	s9 =	sadd.s32 @!p0 $0x4, s13  }
0xe9: {  	s14 =	sadd.s32 @!p0 s11, s9  }
0xea: {  	s14 =	smul.u32 @!p0 $0xA, s14  }
0xeb: {  	s22 =	simm.s32 @!p0 $0x0;
	s9 =	sand.u32 @!p0 $0x7, s9  }
0xec: {  	s15 =	sadd.s32 @!p0 $0x1, s9;
	s9 =	sshll.u32 @!p0 s9, $0x7;
	s16 =	sadd.s32 @!p0 s7, s14  }
0xed: {  	[tilespmem:s9], [sflag:s15] =	stream.linear.gather @!p0 [hbm4b:s16+s22], $0x50, $0x38;
	[tilespmem:$0x1EC00] =	vst v63  }
0xee: {  	s23 =	sadd.s32 @!p0 s1, s14;
	s16 =	sor.u32 @!p0 $0x400, s9  }
0xef: {  	[tilespmem:s16], [sflag:s15] =	stream.linear.gather @!p0 [hbm4b:s23+s22], $0x50, $0x38;
	[tilespmem:$0x1EC00] =	vst v63  }
0xf0: {  	s14 =	sadd.s32 @!p0 s2, s14;
	s9 =	sor.u32 @!p0 $0xA800, s9  }
0xf1: {  	[tilespmem:s9], [sflag:s15] =	stream.linear.gather @!p0 [hbm4b:s14+s22], $0x50, $0x38;
	[tilespmem:$0x1EC00] =	vst v63  }
.LBB2_10:
0xf2: {  	s9 =	sshll.u32 s13, $0x9  }
0xf3: {  	s9 =	sand.u32 $0xE00, s9  }
0xf4: {  	s14 =	sshrl.u32 s9, $0x2  }
0xf5: {  	s9 =	sor.u32 $0xA800, s14  }
0xf6: {  	v2 =	vmov s9;
	_ =	sdelay $0x2  }
0xf7: {  	s22 =	simm.s32 $0x0  }
0xf8: {  	s15 =	sand.u32 $0x70, s22  }
0xf9: {  	v3 =	vld.idx.msk [tilespmem:v2+s15+$0x0 ss:$0x1], $0xffff;
	_ =	sdelay $0x1  }
0xfa: {  	s9 =	sand.u32 $0xF, s22  }
0xfb: {  	v4 =	vmov s9  }
0xfc: {  	vm0 =	veq.s32 v4, v1  }
0xfd: {  	v3 =	vnsel vm0, $0x0, v3  }
0xfe: {  	(xrf2) =	vadd.scan.msk.f32 $0xffff, v3;
	_ =	sdelay $0x2  }
0xff: {  	s23 =	sand.u32 $0x3, s20  }
0x100: {  	s9 =	smul.u32 $0xA000, s23;
	_ =	sdelay $0x1  }
0x101: {  	s9 =	sshrl.u32 s9, $0x2  }
0x102: {  	s22 =	sadd.s32 $0x840, s9  }
0x103: {  	v3 =	vld [tilespmem:s22+$0xFFFFFFC0]  }
0x104: {  	v60 =	vld [tilespmem:s22+$0xFFFFFFD0]  }
0x105: {  	v5 =	vld [tilespmem:s22+$0xFFFFFFE0];
	v6, _, _ =	vpop (xrf2)  }
0x106: {  	v8 =	vld [tilespmem:s22+$0x0];
	v6 =	vbroadcast v6, $0xF  }
0x107: {  	v9 =	vld [tilespmem:s22+$0x10]  }
0x108: {  	v7 =	vld [tilespmem:s22+$0xFFFFFFF0];
	v3 =	vmul.f32 v6, v3  }
0x109: {  	v11 =	vld [tilespmem:s22+$0x30];
	v4 =	vmul.f32 v6, v60  }
0x10a: {  	v10 =	vld [tilespmem:s22+$0x20];
	v5 =	vmul.f32 v5, v6;
	[tilespmem:s22+$0xFFFFFFC0] =	vst v3  }
0x10b: {  	v61 =	vmul.f32 v8, v6;
	[tilespmem:s22+$0xFFFFFFD0] =	vst v4  }
0x10c: {  	v62 =	vmul.f32 v9, v6;
	[tilespmem:s22+$0xFFFFFFE0] =	vst v5  }
0x10d: {  	v3 =	vmul.f32 v7, v6;
	[tilespmem:s22+$0x0] =	vst v61  }
0x10e: {  	s24 =	smul.u32 $0xA000, s6;
	v63 =	vmul.f32 v11, v6;
	[tilespmem:s22+$0x10] =	vst v62  }
0x10f: {  	[tilespmem:s22+$0xFFFFFFF0] =	vst v3;
	v3 =	vmul.f32 v10, v6  }
0x110: {  	s9 =	sshrl.u32 s24, $0x2;
	s15 =	simm.s32 $0x1;
	[tilespmem:s22+$0x30] =	vst v63  }
0x111: {  	s23 =	simm.s32 $0x2;
	s9 =	sadd.s32 $0x800, s9;
	s16 =	sand.u32 $0x70, s15;
	[tilespmem:s22+$0x20] =	vst v3  }
.LBB2_11:
0x112: {  	p0 =	sne.s32 s23, $0x4F;
	v3 =	vld.idx.msk [tilespmem:v2+s16+$0x0 ss:$0x1], $0xffff;
	_ =	sdelay $0x2  }
0x113: {  	s16 =	sand.u32 $0xF, s15;
	s15 =	smov.u32 s23  }
0x114: {  	v4 =	vmov s16  }
0x115: {  	vm0 =	veq.s32 v4, v1  }
0x116: {  	v3 =	vnsel vm0, $0x0, v3  }
0x117: {  	(xrf2) =	vadd.scan.msk.f32 $0xffff, v3;
	_ =	sdelay $0x2  }
0x118: {  	s22 =	sadd.s32 $0x80, s22  }
0x119: {  	v3 =	vld [tilespmem:s22+$0xFFFFFFF0]  }
0x11a: {  	v4 =	vld [tilespmem:s22+$0x30]  }
0x11b: {  	v5 =	vld [tilespmem:s22+$0x10]  }
0x11c: {  	v6 =	vld [tilespmem:s22+$0xFFFFFFD0]  }
0x11d: {  	v7 =	vld [tilespmem:s22+$0xFFFFFFC0]  }
0x11e: {  	v8 =	vld [tilespmem:s22+$0xFFFFFFE0]  }
0x11f: {  	v9 =	vld [tilespmem:s22+$0x0];
	v10, _, _ =	vpop (xrf2)  }
0x120: {  	v10 =	vbroadcast v10, $0xF;
	v11 =	vld [tilespmem:s22+$0x20];
	_ =	sdelay $0x1  }
0x121: {  	v7 =	vmul.f32 v10, v7;
	v6 =	vmul.f32 v10, v6  }
0x122: {  	v3 =	vmul.f32 v3, v10;
	v8 =	vmul.f32 v8, v10  }
0x123: {  	v5 =	vmul.f32 v5, v10;
	[tilespmem:s22+$0xFFFFFFC0] =	vst v7;
	v7 =	vmul.f32 v9, v10  }
0x124: {  	v4 =	vmul.f32 v4, v10;
	[tilespmem:s22+$0xFFFFFFD0] =	vst v6;
	v6 =	vmul.f32 v11, v10  }
0x125: {  	[tilespmem:s22+$0xFFFFFFE0] =	vst v8  }
.Ltmp6:
0x126: {  	[tilespmem:s22+$0xFFFFFFF0] =	vst v3;
	(pc) =	sbr.rel @p0 .LBB2_11-.Ltmp6, $4  }
0x127: {  	[tilespmem:s22+$0x0] =	vst v7  }
0x128: {  	[tilespmem:s22+$0x10] =	vst v5  }
0x129: {  	[tilespmem:s22+$0x20] =	vst v6  }
0x12a: {  	s23 =	sadd.s32 $0x1, s23;
	s16 =	sand.u32 $0x70, s15;
	[tilespmem:s22+$0x30] =	vst v4  }
0x12b: {  	_ =	sdelay $0x3  }
0x12c: {  	v2 =	vld.idx.msk [tilespmem:v2+s16+$0x0 ss:$0x1], $0xffff;
	_ =	sdelay $0x1  }
0x12d: {  	s15 =	sand.u32 $0xF, s15  }
0x12e: {  	v3 =	vmov s15  }
0x12f: {  	vm0 =	veq.s32 v3, v1  }
0x130: {  	v2 =	vnsel vm0, $0x0, v2  }
0x131: {  	(xrf2) =	vadd.scan.msk.f32 $0xffff, v2;
	_ =	sdelay $0x6  }
0x132: {  	s24 =	sadd.s32 $0x80, s22  }
0x133: {  	v2 =	vld [tilespmem:s24+$0xFFFFFFC0]  }
0x134: {  	v3 =	vld [tilespmem:s24+$0xFFFFFFD0]  }
0x135: {  	v4 =	vld [tilespmem:s24+$0xFFFFFFE0];
	v5, _, _ =	vpop (xrf2)  }
0x136: {  	v8 =	vld [tilespmem:s24+$0x10];
	v5 =	vbroadcast v5, $0xF  }
0x137: {  	v6 =	vld [tilespmem:s24+$0xFFFFFFF0]  }
0x138: {  	v7 =	vld [tilespmem:s24+$0x0];
	v2 =	vmul.f32 v5, v2  }
0x139: {  	v9 =	vld [tilespmem:s24+$0x20];
	v3 =	vmul.f32 v5, v3  }
0x13a: {  	v10 =	vld [tilespmem:s24+$0x30];
	v4 =	vmul.f32 v4, v5;
	[tilespmem:s24+$0xFFFFFFC0] =	vst v2  }
0x13b: {  	v63 =	vmul.f32 v8, v5;
	[tilespmem:s24+$0xFFFFFFD0] =	vst v3  }
0x13c: {  	s13 =	sadd.s32 $0x1, s13;
	v2 =	vmul.f32 v6, v5;
	[tilespmem:s24+$0xFFFFFFE0] =	vst v4  }
0x13d: {  	p0 =	sne.s32 s13, $0x19;
	v3 =	vmul.f32 v7, v5;
	[tilespmem:s24+$0x10] =	vst v63  }
.Ltmp7:
0x13e: {  	[tilespmem:s24+$0xFFFFFFF0] =	vst v2;
	v2 =	vmul.f32 v9, v5;
	(pc) =	sbr.rel @p0 .LBB2_8-.Ltmp7, $4  }
0x13f: {  	[tilespmem:s24+$0x0] =	vst v3;
	v3 =	vmul.f32 v10, v5  }
0x140: {  	[tilespmem:s24+$0x20] =	vst v2  }
0x141: {  	s14 =	sor.u32 $0x400, s14;
	s6 =	sadd.s32 $0xD, s6;
	s20 =	sadd.s32 $0x1, s20;
	[tilespmem:s24+$0x30] =	vst v3  }
0x142: {  	[spmem:s4] =	stream.indirect.scatter.add.f32 [tilespmem:s9], [sflag:s6], $0x80, s14, s29, $0xb8;
	[tilespmem:$0x1EC00] =	vst v63  }
0x143: {  	_ =	swait.ge [sflag:s10], $0x2800  }
0x144: {  	[sflag:s10] =	ssyncset.done $0x0  }
0x145: {  	[sflag:s10] =	ssyncadd.s32 $0xFFFFD800  }
0x146: {  	_ =	swait.ge [sflag:s12], $0x2800  }
0x147: {  	[sflag:s12] =	ssyncset.done $0x0  }
0x148: {  	s6 =	stileid.u32;
	[sflag:s12] =	ssyncadd.s32 $0xFFFFD800  }
0x149: {  	s6 =	sshll.u32 s6, $0x6;
	[bflag:$0x0] =	sbarrier.arrive $0xFFFF  }
0x14a: {  	s9 =	sshrl.u32 s8, $0x3;
	s6 =	sor.u32 $0x1C11, s6;
	s13 =	rddreg [dreg:$0x1b]  }
0x14b: {  	[hbm:s13], [sflag:s6] =	dma.local [spmem:s9], $0x2800  }
0x14c: {  	_ =	swait.ge [sflag:s19], $0x2800  }
0x14d: {  	s5 =	sadd.s32 $0x1, s5;
	s24 =	rddreg [dreg:$0x1c]  }
0x14e: {  	p0 =	sne.s32 s5, s24  }
.Ltmp8:
0x14f: {  	_ = 	snop;
	(pc) =	sbr.rel @p0 .LBB2_1-.Ltmp8, $3  }
0x150: {  	_ =	sdelay $0x1  }
0x151: {  	[sflag:s19] =	ssyncset.done $0x0  }
0x152: {  	[sflag:s19] =	ssyncadd.s32 $0xFFFFD800  }
0x153: {  	_ =	sfence.sel $0x180000  }
0x154: {  	[bflag:$0x0] =	sbarrier.arrive $0xFFFF  }
0x155: {  	_ =	strace $0x90000047  }
0x156: {  	s0 =	stileid.u32;
	[bflag:$0x2] =	sbarrier.arrive $0xFFFF  }
0x157: {  	p0 =	sne.s32 s0, $0x0;
	s0 =	rddreg [dreg:$0x6]  }
0x158: {  	s0 =	sadd.s32 @!p0 $0x100000, s0  }
0x159: {  	[sflag:s0] =	ssyncadd.tile.s32 @!p0 $0x1;
	_ =	shalt  }
.Lfunc_end2:
_tile_overlayer_lowered:
.L_overlay_start_2:
0x15a: {  	(tag) =	ssettag $0x2  }
0x15b: {  	s0 =	rddreg [dreg:$0x0];
	s2 =	stileid.u32  }
0x15c: {  	s1 =	rddreg [dreg:$0x1];
	p0 =	sne.s32 s2, $0x0  }
0x15d: {  	s3 =	rddreg [dreg:$0x2];
	[bflag:$0x3] =	sbarrier.arrive $0xFFFF;
	s2 =	simm.s32 @!p0 $0x1C11  }
0x15e: {  	[timem:s3], [sflag:s2] =	dma.local @!p0 [hbm:s0], s1  }
0x15f: {  	s0 =	simm.s32 @!p0 $0x11  }
0x160: {  	_ =	swait.ge @!p0 [sflag:s0], s1  }
0x161: {  	s1 =	ssub.s32 @!p0 $0x0, s1;
	[sflag:s0] =	ssyncset.done @!p0 $0x0  }
0x162: {  	[sflag:s0] =	ssyncadd.s32 @!p0 s1  }
0x163: {  	[bflag:$0x3] =	sbarrier.arrive $0xFFFF  }
0x164: {  	_ =	shalt  }

</sc_bundles>
